<compile_context>
chip_gen: v7x
topology: tpu7x:2x2x1
jax: 0.10.2.dev20260603
libtpu: 0.0.44.dev20260713+nightly
codegen_flags: <defaults>
</compile_context>

<pallas_src>
import jax
import jax.numpy as jnp
from jax import lax
from jax.experimental import pallas as pl
from jax.experimental.pallas import tpu as pltpu
from jax.experimental.pallas import tpu_sc as plsc

N = 10000
E = 320000
D = 128
H1, H2, H3 = 64, 32, 16
NCLS = 10

NSC = 2
NSUB = 16
NW = NSC * NSUB
CHUNK = 128
K = 80
E_PAD = NW * K * CHUNK
N_PAD = 10240
ROWS_PER_SUB = N_PAD // NSUB
DEG_W = 8

def _mesh():
    return plsc.VectorSubcoreMesh(core_axis_name="c", subcore_axis_name="s")
_sc_params = pltpu.CompilerParams(use_tc_tiling_on_sc=False)


def _deg_body(dst_hbm, out_hbm, idx_v, val_v, zbuf_v, deg_sh, sem0):
    cid = lax.axis_index("c")
    sid = lax.axis_index("s")
    wid = sid * NSC + cid

    @pl.loop(0, ROWS_PER_SUB)
    def _(r):
        zbuf_v[r, :] = jnp.zeros((DEG_W,), jnp.float32)

    pltpu.sync_copy(zbuf_v, deg_sh.at[pl.ds(sid * ROWS_PER_SUB, ROWS_PER_SUB)])

    @pl.loop(0, CHUNK)
    def _(r):
        val_v[r, :] = jnp.ones((DEG_W,), jnp.float32)

    pltpu.sync_copy(dst_hbm.at[wid], idx_v)
    plsc.subcore_barrier()

    @pl.loop(0, K, step=16)
    def _(j):
        cps = [pltpu.async_copy(val_v, deg_sh.at[idx_v.at[j + b]], sem0,
                                add=True)
               for b in range(16)]
        for cp in cps:
            cp.wait()

    plsc.subcore_barrier()

    sl = pl.ds(sid * ROWS_PER_SUB, ROWS_PER_SUB)
    pltpu.sync_copy(deg_sh.at[sl], zbuf_v)
    pltpu.sync_copy(zbuf_v, out_hbm.at[cid].at[sl])


def _deg_partials(dst_r):
    return pl.kernel(
        _deg_body,
        out_type=jax.ShapeDtypeStruct((NSC, N_PAD, DEG_W), jnp.float32),
        mesh=_mesh(),
        scratch_types=[
            pltpu.VMEM((K, CHUNK), jnp.int32),
            pltpu.VMEM((CHUNK, DEG_W), jnp.float32),
            pltpu.VMEM((ROWS_PER_SUB, DEG_W), jnp.float32),
            pltpu.VMEM_SHARED((N_PAD, DEG_W), jnp.float32),
            pltpu.SemaphoreType.DMA,
        ],
        compiler_params=_sc_params,
    )(dst_r)


NB = 4
NZP = ROWS_PER_SUB // CHUNK
NQ = 2
KQ = K // NQ


def _agg_body(src_hbm, dst_hbm, y_hbm, out_hbm,
              srcv, dstv, rows_v, agg_sh, y_sh, gsem, ssem):
    cid = lax.axis_index("c")
    sid = lax.axis_index("s")
    wid = sid * NSC + cid

    @pl.loop(0, CHUNK)
    def _(r):
        for h in range(H1 // 16):
            rows_v[0, r, pl.ds(h * 16, 16)] = jnp.zeros((16,), jnp.float32)

    for p in range(NZP):
        pltpu.sync_copy(
            rows_v.at[0],
            agg_sh.at[pl.ds(sid * ROWS_PER_SUB + p * CHUNK, CHUNK)])

    ysl = pl.ds(sid * ROWS_PER_SUB, ROWS_PER_SUB)
    pltpu.sync_copy(y_hbm.at[ysl], y_sh.at[ysl])
    plsc.subcore_barrier()

    def _gather(c, b):
        return pltpu.async_copy(y_sh.at[srcv.at[c]], rows_v.at[b],
                                gsem.at[b])

    def _scatter(c, b):
        return pltpu.async_copy(rows_v.at[b], agg_sh.at[dstv.at[c]],
                                ssem.at[b], add=True)

    @pl.loop(0, NQ)
    def _(q):
        qsl = pl.ds(q * KQ, KQ)
        pltpu.sync_copy(src_hbm.at[wid].at[qsl], srcv)
        pltpu.sync_copy(dst_hbm.at[wid].at[qsl], dstv)

        for b in range(NB):
            _gather(b, b)

        @pl.loop(0, KQ - NB, step=NB)
        def _(j):
            for b in range(NB):
                pltpu.make_async_copy(y_sh.at[srcv.at[j + b]], rows_v.at[b],
                                      gsem.at[b]).wait()
                _scatter(j + b, b)
            for b in range(NB):
                pltpu.make_async_copy(rows_v.at[b], agg_sh.at[dstv.at[j + b]],
                                      ssem.at[b]).wait()
                _gather(j + NB + b, b)

        for b in range(NB):
            c = KQ - NB + b
            pltpu.make_async_copy(y_sh.at[srcv.at[c]], rows_v.at[b],
                                  gsem.at[b]).wait()
            _scatter(c, b)
        for b in range(NB):
            c = KQ - NB + b
            pltpu.make_async_copy(rows_v.at[b], agg_sh.at[dstv.at[c]],
                                  ssem.at[b]).wait()

    plsc.subcore_barrier()

    for p in range(NZP):
        sl = pl.ds(sid * ROWS_PER_SUB + p * CHUNK, CHUNK)
        pltpu.sync_copy(agg_sh.at[sl], rows_v.at[p % NB])
        pltpu.sync_copy(rows_v.at[p % NB], out_hbm.at[cid].at[sl])


def _agg_partials(src_r, dst_r, y):
    return pl.kernel(
        _agg_body,
        out_type=jax.ShapeDtypeStruct((NSC, N_PAD, H1), jnp.float32),
        mesh=_mesh(),
        scratch_types=[
            pltpu.VMEM((KQ, CHUNK), jnp.int32),
            pltpu.VMEM((KQ, CHUNK), jnp.int32),
            pltpu.VMEM((NB, CHUNK, H1), jnp.float32),
            pltpu.VMEM_SHARED((N_PAD, H1), jnp.float32),
            pltpu.VMEM_SHARED((N_PAD, H1), jnp.float32),
            pltpu.SemaphoreType.DMA((NB,)),
            pltpu.SemaphoreType.DMA((NB,)),
        ],
        compiler_params=_sc_params,
    )(src_r, dst_r, y)


def _xw_scale_body(x_ref, w_ref, dp_ref, y_ref, dinv_ref):
    xw = jnp.dot(x_ref[...], w_ref[...], preferred_element_type=jnp.float32)
    deg = dp_ref[0] + dp_ref[1] + 1.0
    dinv = lax.rsqrt(deg)
    dinv_ref[...] = dinv
    y_ref[...] = xw * dinv


def _mlp_body(ap_ref, y_ref, dinv_ref, b1_ref, lw1_ref, lb1_ref,
              lw2_ref, lb2_ref, lw3_ref, lb3_ref, o_ref):
    agg = ap_ref[0] + ap_ref[1] + y_ref[...]
    h = jnp.maximum(agg * dinv_ref[...] + b1_ref[...], 0.0)
    h = jnp.maximum(jnp.dot(h, lw1_ref[...],
                            preferred_element_type=jnp.float32) + lb1_ref[...], 0.0)
    h = jnp.maximum(jnp.dot(h, lw2_ref[...],
                            preferred_element_type=jnp.float32) + lb2_ref[...], 0.0)
    o_ref[...] = jnp.dot(h, lw3_ref[...],
                         preferred_element_type=jnp.float32) + lb3_ref[...]


def kernel(x, edge_index, W1, b1, lW1, lb1, lW2, lb2, lW3, lb3):
    f32 = jnp.float32
    src = edge_index[0]
    dst = edge_index[1]
    pad = E_PAD - E
    src_r = jnp.concatenate(
        [src, jnp.full((pad,), N, jnp.int32)]).reshape(NW, K, CHUNK)
    dst_r = jnp.concatenate(
        [dst, jnp.full((pad,), N, jnp.int32)]).reshape(NW, K, CHUNK)
    x_pad = jnp.pad(x, ((0, N_PAD - N), (0, 0)))

    deg_p = _deg_partials(dst_r)
    dp = deg_p[:, :, 0:1]

    y, dinv = pl.pallas_call(
        _xw_scale_body,
        out_shape=[jax.ShapeDtypeStruct((N_PAD, H1), f32),
                   jax.ShapeDtypeStruct((N_PAD, 1), f32)],
    )(x_pad, W1, dp)

    agg_p = _agg_partials(src_r, dst_r, y)

    out = pl.pallas_call(
        _mlp_body,
        out_shape=jax.ShapeDtypeStruct((N_PAD, NCLS), f32),
    )(agg_p, y, dinv, b1.reshape(1, H1), lW1, lb1.reshape(1, H2),
      lW2, lb2.reshape(1, H3), lW3, lb3.reshape(1, NCLS))

    return out[:N]

# --- scband reference (transcript-rebuilt; emitter-appended) ---
"""Pipeline reference for scband-s-net-14147622273474 (READ-ONLY COPY).

The authoritative reference and input builder live on the scoring server;
editing this copy changes nothing except your own understanding.
"""

import jax, jax.numpy as jnp
import numpy as np

N = 10000
E = 320000
D = 128
H1, H2, H3 = 64, 32, 16
NC = 10


def setup_inputs(seed: int = 0) -> dict:
    key = jax.random.key(seed)
    ks = jax.random.split(key, 10)
    x = jax.random.normal(ks[0], (N, D), dtype=jnp.float32)
    edge_index = jax.random.randint(ks[1], (2, E), 0, N, dtype=jnp.int32)
    W1 = jax.random.normal(ks[2], (D, H1), dtype=jnp.float32) * (1.0 / np.sqrt(D))
    b1 = jnp.zeros((H1,), dtype=jnp.float32)
    lW1 = jax.random.normal(ks[3], (H1, H2), dtype=jnp.float32) * (1.0 / np.sqrt(H1))
    lb1 = jnp.zeros((H2,), dtype=jnp.float32)
    lW2 = jax.random.normal(ks[4], (H2, H3), dtype=jnp.float32) * (1.0 / np.sqrt(H2))
    lb2 = jnp.zeros((H3,), dtype=jnp.float32)
    lW3 = jax.random.normal(ks[5], (H3, NC), dtype=jnp.float32) * (1.0 / np.sqrt(H3))
    lb3 = jnp.zeros((NC,), dtype=jnp.float32)
    return {"x": x, "edge_index": edge_index, "W1": W1, "b1": b1,
            "lW1": lW1, "lb1": lb1, "lW2": lW2, "lb2": lb2, "lW3": lW3, "lb3": lb3}


def _gcn_conv(x, edge_index, W, b):
    # GCNConv: x' = D^{-1/2} (A + I) D^{-1/2} (x W) + b
    xw = x @ W
    loop = jnp.arange(N, dtype=edge_index.dtype)
    src = jnp.concatenate([edge_index[0], loop])
    dst = jnp.concatenate([edge_index[1], loop])
    deg = jax.ops.segment_sum(jnp.ones_like(dst, dtype=xw.dtype), dst, num_segments=N)
    dinv = jnp.where(deg > 0, jax.lax.rsqrt(jnp.maximum(deg, 1e-12)), 0.0)
    coef = dinv[src] * dinv[dst]
    msg = jnp.take(xw, src, axis=0) * coef[:, None]
    out = jax.ops.segment_sum(msg, dst, num_segments=N)
    return out + b


def reference(x, edge_index, W1, b1, lW1, lb1, lW2, lb2, lW3, lb3):
    # dropout layers are identity in eval mode
    h = jax.nn.relu(_gcn_conv(x, edge_index, W1, b1))
    h = jax.nn.relu(h @ lW1 + lb1)
    h = jax.nn.relu(h @ lW2 + lb2)
    h = h @ lW3 + lb3
    return h

if __name__ == "__main__":
    import jax
    _d = setup_inputs()
    print(jax.jit(kernel)(*tuple(_d.values())))

</pallas_src>

<mosaic_0001>
#map = affine_map<(d0, d1) -> (0, 0, 0)>
#map1 = affine_map<(d0, d1) -> (0, 0)>
module attributes {stable_mosaic.version = 14 : i64} {
  func.func @_agg_body(%arg0: i32, %arg1: i32, %arg2: memref<32x80x128xi32, #tpu.memory_space<hbm>>, %arg3: memref<32x80x128xi32, #tpu.memory_space<hbm>>, %arg4: memref<10240x64xf32, #tpu.memory_space<hbm>>, %arg5: memref<2x10240x64xf32, #tpu.memory_space<hbm>>, %arg6: memref<40x128xi32, #tpu.memory_space<vmem>>, %arg7: memref<40x128xi32, #tpu.memory_space<vmem>>, %arg8: memref<4x128x64xf32, #tpu.memory_space<vmem>>, %arg9: memref<10240x64xf32, #tpu.memory_space<vmem_shared>>, %arg10: memref<10240x64xf32, #tpu.memory_space<vmem_shared>>, %arg11: memref<4x!tpu.dma_semaphore, #tpu.memory_space<semaphore_mem>>, %arg12: memref<4x!tpu.dma_semaphore, #tpu.memory_space<semaphore_mem>>) attributes {dimension_semantics = [#tpu.dimension_semantics<core_parallel>, #tpu.dimension_semantics<subcore_parallel>], iteration_bounds = array<i64: 2, 16>, scalar_prefetch = 0 : i64, scratch_operands = 7 : i64, tpu.core_type = #tpu.core_type<sc_vector_subcore>, window_params = [{transform_indices = #map}, {transform_indices = #map}, {transform_indices = #map1}, {transform_indices = #map}]} {
    %mul3A = arith.constant 2 : i32
    %mul3A_0 = arith.muli %arg1, %mul3A : i32
    %add3A = arith.addi %mul3A_0, %arg0 : i32
    %scan3A = arith.constant 0 : i32
    %scan3A_1 = arith.constant 128 : i32
    %scan3A_2 = arith.addi %scan3A, %scan3A_1 : i32
    %scan3A_3 = arith.constant 1 : i32
    scf.for %scan3A_67 = %scan3A to %scan3A_2 step %scan3A_3  : i32 {
      %mul3A_68 = arith.constant 1 : i32
      %mul3A_69 = arith.muli %scan3A_67, %mul3A_68 : i32
      %add3A_70 = arith.constant 0 : i32
      %add3A_71 = arith.addi %add3A_70, %mul3A_69 : i32
      %broadcast_in_dim3A = arith.constant 0.000000e+00 : f32
      %broadcast_in_dim3A_72 = vector.broadcast %broadcast_in_dim3A : f32 to vector<16xf32>
      %swap3A = arith.constant 0 : i32
      %swap3A_73 = arith.index_cast %swap3A : i32 to index
      %swap3A_74 = arith.index_cast %add3A_71 : i32 to index
      %swap3A_75 = arith.constant 0 : index
      %swap3A_76 = tpu.vector_load %arg8[%swap3A_73, %swap3A_74, %swap3A_75] {strides = array<i32>} : memref<4x128x64xf32, #tpu.memory_space<vmem>>, vector<1x1x16xf32>,
      %swap3A_77 = vector.shape_cast %swap3A_76 : vector<1x1x16xf32> to vector<16xf32>
      %swap3A_78 = vector.shape_cast %broadcast_in_dim3A_72 : vector<16xf32> to vector<1x1x16xf32>
      tpu.vector_store %arg8[%swap3A_73, %swap3A_74, %swap3A_75], %swap3A_78 {strides = array<i32>} : memref<4x128x64xf32, #tpu.memory_space<vmem>>, vector<1x1x16xf32>,
      %broadcast_in_dim3A_79 = arith.constant 0.000000e+00 : f32
      %broadcast_in_dim3A_80 = vector.broadcast %broadcast_in_dim3A_79 : f32 to vector<16xf32>
      %swap3A_81 = arith.constant 0 : i32
      %swap3A_82 = arith.index_cast %swap3A_81 : i32 to index
      %swap3A_83 = arith.index_cast %add3A_71 : i32 to index
      %swap3A_84 = arith.constant 16 : index
      %swap3A_85 = tpu.vector_load %arg8[%swap3A_82, %swap3A_83, %swap3A_84] {strides = array<i32>} : memref<4x128x64xf32, #tpu.memory_space<vmem>>, vector<1x1x16xf32>,
      %swap3A_86 = vector.shape_cast %swap3A_85 : vector<1x1x16xf32> to vector<16xf32>
      %swap3A_87 = vector.shape_cast %broadcast_in_dim3A_80 : vector<16xf32> to vector<1x1x16xf32>
      tpu.vector_store %arg8[%swap3A_82, %swap3A_83, %swap3A_84], %swap3A_87 {strides = array<i32>} : memref<4x128x64xf32, #tpu.memory_space<vmem>>, vector<1x1x16xf32>,
      %broadcast_in_dim3A_88 = arith.constant 0.000000e+00 : f32
      %broadcast_in_dim3A_89 = vector.broadcast %broadcast_in_dim3A_88 : f32 to vector<16xf32>
      %swap3A_90 = arith.constant 0 : i32
      %swap3A_91 = arith.index_cast %swap3A_90 : i32 to index
      %swap3A_92 = arith.index_cast %add3A_71 : i32 to index
      %swap3A_93 = arith.constant 32 : index
      %swap3A_94 = tpu.vector_load %arg8[%swap3A_91, %swap3A_92, %swap3A_93] {strides = array<i32>} : memref<4x128x64xf32, #tpu.memory_space<vmem>>, vector<1x1x16xf32>,
      %swap3A_95 = vector.shape_cast %swap3A_94 : vector<1x1x16xf32> to vector<16xf32>
      %swap3A_96 = vector.shape_cast %broadcast_in_dim3A_89 : vector<16xf32> to vector<1x1x16xf32>
      tpu.vector_store %arg8[%swap3A_91, %swap3A_92, %swap3A_93], %swap3A_96 {strides = array<i32>} : memref<4x128x64xf32, #tpu.memory_space<vmem>>, vector<1x1x16xf32>,
      %broadcast_in_dim3A_97 = arith.constant 0.000000e+00 : f32
      %broadcast_in_dim3A_98 = vector.broadcast %broadcast_in_dim3A_97 : f32 to vector<16xf32>
      %swap3A_99 = arith.constant 0 : i32
      %swap3A_100 = arith.index_cast %swap3A_99 : i32 to index
      %swap3A_101 = arith.index_cast %add3A_71 : i32 to index
      %swap3A_102 = arith.constant 48 : index
      %swap3A_103 = tpu.vector_load %arg8[%swap3A_100, %swap3A_101, %swap3A_102] {strides = array<i32>} : memref<4x128x64xf32, #tpu.memory_space<vmem>>, vector<1x1x16xf32>,
      %swap3A_104 = vector.shape_cast %swap3A_103 : vector<1x1x16xf32> to vector<16xf32>
      %swap3A_105 = vector.shape_cast %broadcast_in_dim3A_98 : vector<16xf32> to vector<1x1x16xf32>
      tpu.vector_store %arg8[%swap3A_100, %swap3A_101, %swap3A_102], %swap3A_105 {strides = array<i32>} : memref<4x128x64xf32, #tpu.memory_space<vmem>>, vector<1x1x16xf32>,
    }
    %scan3A_4 = arith.constant 128 : i32
    %mul3A_5 = arith.constant 640 : i32
    %mul3A_6 = arith.muli %arg1, %mul3A_5 : i32
    %add3A_7 = arith.constant 0 : i32
    %add3A_8 = arith.addi %mul3A_6, %add3A_7 : i32
    %run_scoped3A = arith.constant 0 : i32
    "tpu.region"() ({
      %run_scoped3A_67 = tpu.sem_alloc : memref<!tpu.dma_semaphore, #tpu.memory_space<semaphore_mem>>
      %dma_start3A = arith.constant 0 : i32
      %dma_start3A_68 = arith.constant 0 : i32
      %dma_start3A_69 = tpu.memref_slice %arg8[%run_scoped3A, %dma_start3A, %dma_start3A_68] : memref<4x128x64xf32, #tpu.memory_space<vmem>> -> memref<1x128x64xf32, #tpu.memory_space<vmem>>
      %dma_start3A_70 = tpu.memref_squeeze %dma_start3A_69 : memref<1x128x64xf32, #tpu.memory_space<vmem>> -> memref<128x64xf32, #tpu.memory_space<vmem>>
      %dma_start3A_71 = arith.constant 0 : i32
      %dma_start3A_72 = tpu.memref_slice %arg9[%add3A_8, %dma_start3A_71] : memref<10240x64xf32, #tpu.memory_space<vmem_shared>> -> memref<128x64xf32, #tpu.memory_space<vmem_shared>>
      %dma_start3A_73 = arith.constant 0 : i32
      %dma_start3A_74 = tpu.memref_slice %arg9[%add3A_8, %dma_start3A_73] : memref<10240x64xf32, #tpu.memory_space<vmem_shared>> -> memref<128x64xf32, #tpu.memory_space<vmem_shared>>
      %dma_start3A_75 = arith.constant 0 : i32
      %dma_start3A_76 = arith.constant 0 : i32
      %dma_start3A_77 = tpu.memref_slice %arg8[%run_scoped3A, %dma_start3A_75, %dma_start3A_76] : memref<4x128x64xf32, #tpu.memory_space<vmem>> -> memref<1x128x64xf32, #tpu.memory_space<vmem>>
      %dma_start3A_78 = tpu.memref_squeeze %dma_start3A_77 : memref<1x128x64xf32, #tpu.memory_space<vmem>> -> memref<128x64xf32, #tpu.memory_space<vmem>>
      tpu.enqueue_dma source(%dma_start3A_78 : memref<128x64xf32, #tpu.memory_space<vmem>>) target(%dma_start3A_74 : memref<128x64xf32, #tpu.memory_space<vmem_shared>>) target_semaphore(%run_scoped3A_67 : memref<!tpu.dma_semaphore, #tpu.memory_space<semaphore_mem>>)
      %dma_wait3A = arith.constant 0 : i32
      %dma_wait3A_79 = arith.constant 0 : i32
      %dma_wait3A_80 = tpu.memref_slice %arg8[%run_scoped3A, %dma_wait3A, %dma_wait3A_79] : memref<4x128x64xf32, #tpu.memory_space<vmem>> -> memref<1x128x64xf32, #tpu.memory_space<vmem>>
      %dma_wait3A_81 = tpu.memref_squeeze %dma_wait3A_80 : memref<1x128x64xf32, #tpu.memory_space<vmem>> -> memref<128x64xf32, #tpu.memory_space<vmem>>
      %dma_wait3A_82 = arith.constant 0 : i32
      %dma_wait3A_83 = tpu.memref_slice %arg9[%add3A_8, %dma_wait3A_82] : memref<10240x64xf32, #tpu.memory_space<vmem_shared>> -> memref<128x64xf32, #tpu.memory_space<vmem_shared>>
      %dma_wait3A_84 = arith.constant 0 : i32
      %dma_wait3A_85 = tpu.memref_slice %arg9[%add3A_8, %dma_wait3A_84] : memref<10240x64xf32, #tpu.memory_space<vmem_shared>> -> memref<128x64xf32, #tpu.memory_space<vmem_shared>>
      %dma_wait3A_86 = arith.constant 0 : i32
      %dma_wait3A_87 = arith.constant 0 : i32
      %dma_wait3A_88 = tpu.memref_slice %arg8[%run_scoped3A, %dma_wait3A_86, %dma_wait3A_87] : memref<4x128x64xf32, #tpu.memory_space<vmem>> -> memref<1x128x64xf32, #tpu.memory_space<vmem>>
      %dma_wait3A_89 = tpu.memref_squeeze %dma_wait3A_88 : memref<1x128x64xf32, #tpu.memory_space<vmem>> -> memref<128x64xf32, #tpu.memory_space<vmem>>
      tpu.wait_dma2 semaphore(%run_scoped3A_67 : memref<!tpu.dma_semaphore, #tpu.memory_space<semaphore_mem>>) src(%dma_wait3A_89 : memref<128x64xf32, #tpu.memory_space<vmem>>) dst(%dma_wait3A_85 : memref<128x64xf32, #tpu.memory_space<vmem_shared>>)
      tpu.yield
    }) : () -> ()
    %mul3A_9 = arith.constant 640 : i32
    %mul3A_10 = arith.muli %arg1, %mul3A_9 : i32
    %add3A_11 = arith.constant 128 : i32
    %add3A_12 = arith.addi %mul3A_10, %add3A_11 : i32
    %run_scoped3A_13 = arith.constant 0 : i32
    "tpu.region"() ({
      %run_scoped3A_67 = tpu.sem_alloc : memref<!tpu.dma_semaphore, #tpu.memory_space<semaphore_mem>>
      %dma_start3A = arith.constant 0 : i32
      %dma_start3A_68 = arith.constant 0 : i32
      %dma_start3A_69 = tpu.memref_slice %arg8[%run_scoped3A_13, %dma_start3A, %dma_start3A_68] : memref<4x128x64xf32, #tpu.memory_space<vmem>> -> memref<1x128x64xf32, #tpu.memory_space<vmem>>
      %dma_start3A_70 = tpu.memref_squeeze %dma_start3A_69 : memref<1x128x64xf32, #tpu.memory_space<vmem>> -> memref<128x64xf32, #tpu.memory_space<vmem>>
      %dma_start3A_71 = arith.constant 0 : i32
      %dma_start3A_72 = tpu.memref_slice %arg9[%add3A_12, %dma_start3A_71] : memref<10240x64xf32, #tpu.memory_space<vmem_shared>> -> memref<128x64xf32, #tpu.memory_space<vmem_shared>>
      %dma_start3A_73 = arith.constant 0 : i32
      %dma_start3A_74 = tpu.memref_slice %arg9[%add3A_12, %dma_start3A_73] : memref<10240x64xf32, #tpu.memory_space<vmem_shared>> -> memref<128x64xf32, #tpu.memory_space<vmem_shared>>
      %dma_start3A_75 = arith.constant 0 : i32
      %dma_start3A_76 = arith.constant 0 : i32
      %dma_start3A_77 = tpu.memref_slice %arg8[%run_scoped3A_13, %dma_start3A_75, %dma_start3A_76] : memref<4x128x64xf32, #tpu.memory_space<vmem>> -> memref<1x128x64xf32, #tpu.memory_space<vmem>>
      %dma_start3A_78 = tpu.memref_squeeze %dma_start3A_77 : memref<1x128x64xf32, #tpu.memory_space<vmem>> -> memref<128x64xf32, #tpu.memory_space<vmem>>
      tpu.enqueue_dma source(%dma_start3A_78 : memref<128x64xf32, #tpu.memory_space<vmem>>) target(%dma_start3A_74 : memref<128x64xf32, #tpu.memory_space<vmem_shared>>) target_semaphore(%run_scoped3A_67 : memref<!tpu.dma_semaphore, #tpu.memory_space<semaphore_mem>>)
      %dma_wait3A = arith.constant 0 : i32
      %dma_wait3A_79 = arith.constant 0 : i32
      %dma_wait3A_80 = tpu.memref_slice %arg8[%run_scoped3A_13, %dma_wait3A, %dma_wait3A_79] : memref<4x128x64xf32, #tpu.memory_space<vmem>> -> memref<1x128x64xf32, #tpu.memory_space<vmem>>
      %dma_wait3A_81 = tpu.memref_squeeze %dma_wait3A_80 : memref<1x128x64xf32, #tpu.memory_space<vmem>> -> memref<128x64xf32, #tpu.memory_space<vmem>>
      %dma_wait3A_82 = arith.constant 0 : i32
      %dma_wait3A_83 = tpu.memref_slice %arg9[%add3A_12, %dma_wait3A_82] : memref<10240x64xf32, #tpu.memory_space<vmem_shared>> -> memref<128x64xf32, #tpu.memory_space<vmem_shared>>
      %dma_wait3A_84 = arith.constant 0 : i32
      %dma_wait3A_85 = tpu.memref_slice %arg9[%add3A_12, %dma_wait3A_84] : memref<10240x64xf32, #tpu.memory_space<vmem_shared>> -> memref<128x64xf32, #tpu.memory_space<vmem_shared>>
      %dma_wait3A_86 = arith.constant 0 : i32
      %dma_wait3A_87 = arith.constant 0 : i32
      %dma_wait3A_88 = tpu.memref_slice %arg8[%run_scoped3A_13, %dma_wait3A_86, %dma_wait3A_87] : memref<4x128x64xf32, #tpu.memory_space<vmem>> -> memref<1x128x64xf32, #tpu.memory_space<vmem>>
      %dma_wait3A_89 = tpu.memref_squeeze %dma_wait3A_88 : memref<1x128x64xf32, #tpu.memory_space<vmem>> -> memref<128x64xf32, #tpu.memory_space<vmem>>
      tpu.wait_dma2 semaphore(%run_scoped3A_67 : memref<!tpu.dma_semaphore, #tpu.memory_space<semaphore_mem>>) src(%dma_wait3A_89 : memref<128x64xf32, #tpu.memory_space<vmem>>) dst(%dma_wait3A_85 : memref<128x64xf32, #tpu.memory_space<vmem_shared>>)
      tpu.yield
    }) : () -> ()
    %mul3A_14 = arith.constant 640 : i32
    %mul3A_15 = arith.muli %arg1, %mul3A_14 : i32
    %add3A_16 = arith.constant 256 : i32
    %add3A_17 = arith.addi %mul3A_15, %add3A_16 : i32
    %run_scoped3A_18 = arith.constant 0 : i32
    "tpu.region"() ({
      %run_scoped3A_67 = tpu.sem_alloc : memref<!tpu.dma_semaphore, #tpu.memory_space<semaphore_mem>>
      %dma_start3A = arith.constant 0 : i32
      %dma_start3A_68 = arith.constant 0 : i32
      %dma_start3A_69 = tpu.memref_slice %arg8[%run_scoped3A_18, %dma_start3A, %dma_start3A_68] : memref<4x128x64xf32, #tpu.memory_space<vmem>> -> memref<1x128x64xf32, #tpu.memory_space<vmem>>
      %dma_start3A_70 = tpu.memref_squeeze %dma_start3A_69 : memref<1x128x64xf32, #tpu.memory_space<vmem>> -> memref<128x64xf32, #tpu.memory_space<vmem>>
      %dma_start3A_71 = arith.constant 0 : i32
      %dma_start3A_72 = tpu.memref_slice %arg9[%add3A_17, %dma_start3A_71] : memref<10240x64xf32, #tpu.memory_space<vmem_shared>> -> memref<128x64xf32, #tpu.memory_space<vmem_shared>>
      %dma_start3A_73 = arith.constant 0 : i32
      %dma_start3A_74 = tpu.memref_slice %arg9[%add3A_17, %dma_start3A_73] : memref<10240x64xf32, #tpu.memory_space<vmem_shared>> -> memref<128x64xf32, #tpu.memory_space<vmem_shared>>
      %dma_start3A_75 = arith.constant 0 : i32
      %dma_start3A_76 = arith.constant 0 : i32
      %dma_start3A_77 = tpu.memref_slice %arg8[%run_scoped3A_18, %dma_start3A_75, %dma_start3A_76] : memref<4x128x64xf32, #tpu.memory_space<vmem>> -> memref<1x128x64xf32, #tpu.memory_space<vmem>>
      %dma_start3A_78 = tpu.memref_squeeze %dma_start3A_77 : memref<1x128x64xf32, #tpu.memory_space<vmem>> -> memref<128x64xf32, #tpu.memory_space<vmem>>
      tpu.enqueue_dma source(%dma_start3A_78 : memref<128x64xf32, #tpu.memory_space<vmem>>) target(%dma_start3A_74 : memref<128x64xf32, #tpu.memory_space<vmem_shared>>) target_semaphore(%run_scoped3A_67 : memref<!tpu.dma_semaphore, #tpu.memory_space<semaphore_mem>>)
      %dma_wait3A = arith.constant 0 : i32
      %dma_wait3A_79 = arith.constant 0 : i32
      %dma_wait3A_80 = tpu.memref_slice %arg8[%run_scoped3A_18, %dma_wait3A, %dma_wait3A_79] : memref<4x128x64xf32, #tpu.memory_space<vmem>> -> memref<1x128x64xf32, #tpu.memory_space<vmem>>
      %dma_wait3A_81 = tpu.memref_squeeze %dma_wait3A_80 : memref<1x128x64xf32, #tpu.memory_space<vmem>> -> memref<128x64xf32, #tpu.memory_space<vmem>>
      %dma_wait3A_82 = arith.constant 0 : i32
      %dma_wait3A_83 = tpu.memref_slice %arg9[%add3A_17, %dma_wait3A_82] : memref<10240x64xf32, #tpu.memory_space<vmem_shared>> -> memref<128x64xf32, #tpu.memory_space<vmem_shared>>
      %dma_wait3A_84 = arith.constant 0 : i32
      %dma_wait3A_85 = tpu.memref_slice %arg9[%add3A_17, %dma_wait3A_84] : memref<10240x64xf32, #tpu.memory_space<vmem_shared>> -> memref<128x64xf32, #tpu.memory_space<vmem_shared>>
      %dma_wait3A_86 = arith.constant 0 : i32
      %dma_wait3A_87 = arith.constant 0 : i32
      %dma_wait3A_88 = tpu.memref_slice %arg8[%run_scoped3A_18, %dma_wait3A_86, %dma_wait3A_87] : memref<4x128x64xf32, #tpu.memory_space<vmem>> -> memref<1x128x64xf32, #tpu.memory_space<vmem>>
      %dma_wait3A_89 = tpu.memref_squeeze %dma_wait3A_88 : memref<1x128x64xf32, #tpu.memory_space<vmem>> -> memref<128x64xf32, #tpu.memory_space<vmem>>
      tpu.wait_dma2 semaphore(%run_scoped3A_67 : memref<!tpu.dma_semaphore, #tpu.memory_space<semaphore_mem>>) src(%dma_wait3A_89 : memref<128x64xf32, #tpu.memory_space<vmem>>) dst(%dma_wait3A_85 : memref<128x64xf32, #tpu.memory_space<vmem_shared>>)
      tpu.yield
    }) : () -> ()
    %mul3A_19 = arith.constant 640 : i32
    %mul3A_20 = arith.muli %arg1, %mul3A_19 : i32
    %add3A_21 = arith.constant 384 : i32
    %add3A_22 = arith.addi %mul3A_20, %add3A_21 : i32
    %run_scoped3A_23 = arith.constant 0 : i32
    "tpu.region"() ({
      %run_scoped3A_67 = tpu.sem_alloc : memref<!tpu.dma_semaphore, #tpu.memory_space<semaphore_mem>>
      %dma_start3A = arith.constant 0 : i32
      %dma_start3A_68 = arith.constant 0 : i32
      %dma_start3A_69 = tpu.memref_slice %arg8[%run_scoped3A_23, %dma_start3A, %dma_start3A_68] : memref<4x128x64xf32, #tpu.memory_space<vmem>> -> memref<1x128x64xf32, #tpu.memory_space<vmem>>
      %dma_start3A_70 = tpu.memref_squeeze %dma_start3A_69 : memref<1x128x64xf32, #tpu.memory_space<vmem>> -> memref<128x64xf32, #tpu.memory_space<vmem>>
      %dma_start3A_71 = arith.constant 0 : i32
      %dma_start3A_72 = tpu.memref_slice %arg9[%add3A_22, %dma_start3A_71] : memref<10240x64xf32, #tpu.memory_space<vmem_shared>> -> memref<128x64xf32, #tpu.memory_space<vmem_shared>>
      %dma_start3A_73 = arith.constant 0 : i32
      %dma_start3A_74 = tpu.memref_slice %arg9[%add3A_22, %dma_start3A_73] : memref<10240x64xf32, #tpu.memory_space<vmem_shared>> -> memref<128x64xf32, #tpu.memory_space<vmem_shared>>
      %dma_start3A_75 = arith.constant 0 : i32
      %dma_start3A_76 = arith.constant 0 : i32
      %dma_start3A_77 = tpu.memref_slice %arg8[%run_scoped3A_23, %dma_start3A_75, %dma_start3A_76] : memref<4x128x64xf32, #tpu.memory_space<vmem>> -> memref<1x128x64xf32, #tpu.memory_space<vmem>>
      %dma_start3A_78 = tpu.memref_squeeze %dma_start3A_77 : memref<1x128x64xf32, #tpu.memory_space<vmem>> -> memref<128x64xf32, #tpu.memory_space<vmem>>
      tpu.enqueue_dma source(%dma_start3A_78 : memref<128x64xf32, #tpu.memory_space<vmem>>) target(%dma_start3A_74 : memref<128x64xf32, #tpu.memory_space<vmem_shared>>) target_semaphore(%run_scoped3A_67 : memref<!tpu.dma_semaphore, #tpu.memory_space<semaphore_mem>>)
      %dma_wait3A = arith.constant 0 : i32
      %dma_wait3A_79 = arith.constant 0 : i32
      %dma_wait3A_80 = tpu.memref_slice %arg8[%run_scoped3A_23, %dma_wait3A, %dma_wait3A_79] : memref<4x128x64xf32, #tpu.memory_space<vmem>> -> memref<1x128x64xf32, #tpu.memory_space<vmem>>
      %dma_wait3A_81 = tpu.memref_squeeze %dma_wait3A_80 : memref<1x128x64xf32, #tpu.memory_space<vmem>> -> memref<128x64xf32, #tpu.memory_space<vmem>>
      %dma_wait3A_82 = arith.constant 0 : i32
      %dma_wait3A_83 = tpu.memref_slice %arg9[%add3A_22, %dma_wait3A_82] : memref<10240x64xf32, #tpu.memory_space<vmem_shared>> -> memref<128x64xf32, #tpu.memory_space<vmem_shared>>
      %dma_wait3A_84 = arith.constant 0 : i32
      %dma_wait3A_85 = tpu.memref_slice %arg9[%add3A_22, %dma_wait3A_84] : memref<10240x64xf32, #tpu.memory_space<vmem_shared>> -> memref<128x64xf32, #tpu.memory_space<vmem_shared>>
      %dma_wait3A_86 = arith.constant 0 : i32
      %dma_wait3A_87 = arith.constant 0 : i32
      %dma_wait3A_88 = tpu.memref_slice %arg8[%run_scoped3A_23, %dma_wait3A_86, %dma_wait3A_87] : memref<4x128x64xf32, #tpu.memory_space<vmem>> -> memref<1x128x64xf32, #tpu.memory_space<vmem>>
      %dma_wait3A_89 = tpu.memref_squeeze %dma_wait3A_88 : memref<1x128x64xf32, #tpu.memory_space<vmem>> -> memref<128x64xf32, #tpu.memory_space<vmem>>
      tpu.wait_dma2 semaphore(%run_scoped3A_67 : memref<!tpu.dma_semaphore, #tpu.memory_space<semaphore_mem>>) src(%dma_wait3A_89 : memref<128x64xf32, #tpu.memory_space<vmem>>) dst(%dma_wait3A_85 : memref<128x64xf32, #tpu.memory_space<vmem_shared>>)
      tpu.yield
    }) : () -> ()
    %mul3A_24 = arith.constant 640 : i32
    %mul3A_25 = arith.muli %arg1, %mul3A_24 : i32
    %add3A_26 = arith.constant 512 : i32
    %add3A_27 = arith.addi %mul3A_25, %add3A_26 : i32
    %run_scoped3A_28 = arith.constant 0 : i32
    "tpu.region"() ({
      %run_scoped3A_67 = tpu.sem_alloc : memref<!tpu.dma_semaphore, #tpu.memory_space<semaphore_mem>>
      %dma_start3A = arith.constant 0 : i32
      %dma_start3A_68 = arith.constant 0 : i32
      %dma_start3A_69 = tpu.memref_slice %arg8[%run_scoped3A_28, %dma_start3A, %dma_start3A_68] : memref<4x128x64xf32, #tpu.memory_space<vmem>> -> memref<1x128x64xf32, #tpu.memory_space<vmem>>
      %dma_start3A_70 = tpu.memref_squeeze %dma_start3A_69 : memref<1x128x64xf32, #tpu.memory_space<vmem>> -> memref<128x64xf32, #tpu.memory_space<vmem>>
      %dma_start3A_71 = arith.constant 0 : i32
      %dma_start3A_72 = tpu.memref_slice %arg9[%add3A_27, %dma_start3A_71] : memref<10240x64xf32, #tpu.memory_space<vmem_shared>> -> memref<128x64xf32, #tpu.memory_space<vmem_shared>>
      %dma_start3A_73 = arith.constant 0 : i32
      %dma_start3A_74 = tpu.memref_slice %arg9[%add3A_27, %dma_start3A_73] : memref<10240x64xf32, #tpu.memory_space<vmem_shared>> -> memref<128x64xf32, #tpu.memory_space<vmem_shared>>
      %dma_start3A_75 = arith.constant 0 : i32
      %dma_start3A_76 = arith.constant 0 : i32
      %dma_start3A_77 = tpu.memref_slice %arg8[%run_scoped3A_28, %dma_start3A_75, %dma_start3A_76] : memref<4x128x64xf32, #tpu.memory_space<vmem>> -> memref<1x128x64xf32, #tpu.memory_space<vmem>>
      %dma_start3A_78 = tpu.memref_squeeze %dma_start3A_77 : memref<1x128x64xf32, #tpu.memory_space<vmem>> -> memref<128x64xf32, #tpu.memory_space<vmem>>
      tpu.enqueue_dma source(%dma_start3A_78 : memref<128x64xf32, #tpu.memory_space<vmem>>) target(%dma_start3A_74 : memref<128x64xf32, #tpu.memory_space<vmem_shared>>) target_semaphore(%run_scoped3A_67 : memref<!tpu.dma_semaphore, #tpu.memory_space<semaphore_mem>>)
      %dma_wait3A = arith.constant 0 : i32
      %dma_wait3A_79 = arith.constant 0 : i32
      %dma_wait3A_80 = tpu.memref_slice %arg8[%run_scoped3A_28, %dma_wait3A, %dma_wait3A_79] : memref<4x128x64xf32, #tpu.memory_space<vmem>> -> memref<1x128x64xf32, #tpu.memory_space<vmem>>
      %dma_wait3A_81 = tpu.memref_squeeze %dma_wait3A_80 : memref<1x128x64xf32, #tpu.memory_space<vmem>> -> memref<128x64xf32, #tpu.memory_space<vmem>>
      %dma_wait3A_82 = arith.constant 0 : i32
      %dma_wait3A_83 = tpu.memref_slice %arg9[%add3A_27, %dma_wait3A_82] : memref<10240x64xf32, #tpu.memory_space<vmem_shared>> -> memref<128x64xf32, #tpu.memory_space<vmem_shared>>
      %dma_wait3A_84 = arith.constant 0 : i32
      %dma_wait3A_85 = tpu.memref_slice %arg9[%add3A_27, %dma_wait3A_84] : memref<10240x64xf32, #tpu.memory_space<vmem_shared>> -> memref<128x64xf32, #tpu.memory_space<vmem_shared>>
      %dma_wait3A_86 = arith.constant 0 : i32
      %dma_wait3A_87 = arith.constant 0 : i32
      %dma_wait3A_88 = tpu.memref_slice %arg8[%run_scoped3A_28, %dma_wait3A_86, %dma_wait3A_87] : memref<4x128x64xf32, #tpu.memory_space<vmem>> -> memref<1x128x64xf32, #tpu.memory_space<vmem>>
      %dma_wait3A_89 = tpu.memref_squeeze %dma_wait3A_88 : memref<1x128x64xf32, #tpu.memory_space<vmem>> -> memref<128x64xf32, #tpu.memory_space<vmem>>
      tpu.wait_dma2 semaphore(%run_scoped3A_67 : memref<!tpu.dma_semaphore, #tpu.memory_space<semaphore_mem>>) src(%dma_wait3A_89 : memref<128x64xf32, #tpu.memory_space<vmem>>) dst(%dma_wait3A_85 : memref<128x64xf32, #tpu.memory_space<vmem_shared>>)
      tpu.yield
    }) : () -> ()
    %mul3A_29 = arith.constant 640 : i32
    %mul3A_30 = arith.muli %arg1, %mul3A_29 : i32
    "tpu.region"() ({
      %run_scoped3A_67 = tpu.sem_alloc : memref<!tpu.dma_semaphore, #tpu.memory_space<semaphore_mem>>
      %dma_start3A = arith.constant 0 : i32
      %dma_start3A_68 = tpu.memref_slice %arg10[%mul3A_30, %dma_start3A] : memref<10240x64xf32, #tpu.memory_space<vmem_shared>> -> memref<640x64xf32, #tpu.memory_space<vmem_shared>>
      %dma_start3A_69 = arith.constant 0 : i32
      %dma_start3A_70 = tpu.memref_slice %arg4[%mul3A_30, %dma_start3A_69] : memref<10240x64xf32, #tpu.memory_space<hbm>> -> memref<640x64xf32, #tpu.memory_space<hbm>>
      tpu.enqueue_dma source(%dma_start3A_70 : memref<640x64xf32, #tpu.memory_space<hbm>>) target(%dma_start3A_68 : memref<640x64xf32, #tpu.memory_space<vmem_shared>>) target_semaphore(%run_scoped3A_67 : memref<!tpu.dma_semaphore, #tpu.memory_space<semaphore_mem>>)
      %dma_wait3A = arith.constant 0 : i32
      %dma_wait3A_71 = tpu.memref_slice %arg10[%mul3A_30, %dma_wait3A] : memref<10240x64xf32, #tpu.memory_space<vmem_shared>> -> memref<640x64xf32, #tpu.memory_space<vmem_shared>>
      %dma_wait3A_72 = arith.constant 0 : i32
      %dma_wait3A_73 = tpu.memref_slice %arg4[%mul3A_30, %dma_wait3A_72] : memref<10240x64xf32, #tpu.memory_space<hbm>> -> memref<640x64xf32, #tpu.memory_space<hbm>>
      tpu.wait_dma2 semaphore(%run_scoped3A_67 : memref<!tpu.dma_semaphore, #tpu.memory_space<semaphore_mem>>) src(%dma_wait3A_73 : memref<640x64xf32, #tpu.memory_space<hbm>>) dst(%dma_wait3A_71 : memref<640x64xf32, #tpu.memory_space<vmem_shared>>)
      tpu.yield
    }) : () -> ()
    %barrier3A = arith.constant 0 : index
    tpu.barrier barrier_id(%barrier3A)
    %scan3A_31 = arith.constant 0 : i32
    %scan3A_32 = arith.constant 2 : i32
    %scan3A_33 = arith.addi %scan3A_31, %scan3A_32 : i32
    %scan3A_34 = arith.constant 1 : i32
    scf.for %scan3A_67 = %scan3A_31 to %scan3A_33 step %scan3A_34  : i32 {
      %mul3A_68 = arith.constant 1 : i32
      %mul3A_69 = arith.muli %scan3A_67, %mul3A_68 : i32
      %add3A_70 = arith.constant 0 : i32
      %add3A_71 = arith.addi %add3A_70, %mul3A_69 : i32
      %mul3A_72 = arith.constant 40 : i32
      %mul3A_73 = arith.muli %add3A_71, %mul3A_72 : i32
      "tpu.region"() ({
        %run_scoped3A_317 = tpu.sem_alloc : memref<!tpu.dma_semaphore, #tpu.memory_space<semaphore_mem>>
        %dma_start3A_318 = arith.constant 0 : i32
        %dma_start3A_319 = arith.constant 0 : i32
        %dma_start3A_320 = tpu.memref_slice %arg2[%add3A, %dma_start3A_318, %dma_start3A_319] : memref<32x80x128xi32, #tpu.memory_space<hbm>> -> memref<1x80x128xi32, #tpu.memory_space<hbm>>
        %dma_start3A_321 = tpu.memref_squeeze %dma_start3A_320 : memref<1x80x128xi32, #tpu.memory_space<hbm>> -> memref<80x128xi32, #tpu.memory_space<hbm>>
        %dma_start3A_322 = arith.constant 0 : i32
        %dma_start3A_323 = tpu.memref_slice %dma_start3A_321[%mul3A_73, %dma_start3A_322] : memref<80x128xi32, #tpu.memory_space<hbm>> -> memref<40x128xi32, #tpu.memory_space<hbm>>
        %dma_start3A_324 = arith.constant 0 : i32
        %dma_start3A_325 = arith.constant 0 : i32
        %dma_start3A_326 = tpu.memref_slice %arg2[%add3A, %dma_start3A_324, %dma_start3A_325] : memref<32x80x128xi32, #tpu.memory_space<hbm>> -> memref<1x80x128xi32, #tpu.memory_space<hbm>>
        %dma_start3A_327 = tpu.memref_squeeze %dma_start3A_326 : memref<1x80x128xi32, #tpu.memory_space<hbm>> -> memref<80x128xi32, #tpu.memory_space<hbm>>
        %dma_start3A_328 = arith.constant 0 : i32
        %dma_start3A_329 = tpu.memref_slice %dma_start3A_327[%mul3A_73, %dma_start3A_328] : memref<80x128xi32, #tpu.memory_space<hbm>> -> memref<40x128xi32, #tpu.memory_space<hbm>>
        tpu.enqueue_dma source(%dma_start3A_329 : memref<40x128xi32, #tpu.memory_space<hbm>>) target(%arg6 : memref<40x128xi32, #tpu.memory_space<vmem>>) target_semaphore(%run_scoped3A_317 : memref<!tpu.dma_semaphore, #tpu.memory_space<semaphore_mem>>)
        %dma_wait3A_330 = arith.constant 0 : i32
        %dma_wait3A_331 = arith.constant 0 : i32
        %dma_wait3A_332 = tpu.memref_slice %arg2[%add3A, %dma_wait3A_330, %dma_wait3A_331] : memref<32x80x128xi32, #tpu.memory_space<hbm>> -> memref<1x80x128xi32, #tpu.memory_space<hbm>>
        %dma_wait3A_333 = tpu.memref_squeeze %dma_wait3A_332 : memref<1x80x128xi32, #tpu.memory_space<hbm>> -> memref<80x128xi32, #tpu.memory_space<hbm>>
        %dma_wait3A_334 = arith.constant 0 : i32
        %dma_wait3A_335 = tpu.memref_slice %dma_wait3A_333[%mul3A_73, %dma_wait3A_334] : memref<80x128xi32, #tpu.memory_space<hbm>> -> memref<40x128xi32, #tpu.memory_space<hbm>>
        %dma_wait3A_336 = arith.constant 0 : i32
        %dma_wait3A_337 = arith.constant 0 : i32
        %dma_wait3A_338 = tpu.memref_slice %arg2[%add3A, %dma_wait3A_336, %dma_wait3A_337] : memref<32x80x128xi32, #tpu.memory_space<hbm>> -> memref<1x80x128xi32, #tpu.memory_space<hbm>>
        %dma_wait3A_339 = tpu.memref_squeeze %dma_wait3A_338 : memref<1x80x128xi32, #tpu.memory_space<hbm>> -> memref<80x128xi32, #tpu.memory_space<hbm>>
        %dma_wait3A_340 = arith.constant 0 : i32
        %dma_wait3A_341 = tpu.memref_slice %dma_wait3A_339[%mul3A_73, %dma_wait3A_340] : memref<80x128xi32, #tpu.memory_space<hbm>> -> memref<40x128xi32, #tpu.memory_space<hbm>>
        tpu.wait_dma2 semaphore(%run_scoped3A_317 : memref<!tpu.dma_semaphore, #tpu.memory_space<semaphore_mem>>) src(%dma_wait3A_341 : memref<40x128xi32, #tpu.memory_space<hbm>>) dst(%arg6 : memref<40x128xi32, #tpu.memory_space<vmem>>)
        tpu.yield
      }) : () -> ()
      "tpu.region"() ({
        %run_scoped3A_317 = tpu.sem_alloc : memref<!tpu.dma_semaphore, #tpu.memory_space<semaphore_mem>>
        %dma_start3A_318 = arith.constant 0 : i32
        %dma_start3A_319 = arith.constant 0 : i32
        %dma_start3A_320 = tpu.memref_slice %arg3[%add3A, %dma_start3A_318, %dma_start3A_319] : memref<32x80x128xi32, #tpu.memory_space<hbm>> -> memref<1x80x128xi32, #tpu.memory_space<hbm>>
        %dma_start3A_321 = tpu.memref_squeeze %dma_start3A_320 : memref<1x80x128xi32, #tpu.memory_space<hbm>> -> memref<80x128xi32, #tpu.memory_space<hbm>>
        %dma_start3A_322 = arith.constant 0 : i32
        %dma_start3A_323 = tpu.memref_slice %dma_start3A_321[%mul3A_73, %dma_start3A_322] : memref<80x128xi32, #tpu.memory_space<hbm>> -> memref<40x128xi32, #tpu.memory_space<hbm>>
        %dma_start3A_324 = arith.constant 0 : i32
        %dma_start3A_325 = arith.constant 0 : i32
        %dma_start3A_326 = tpu.memref_slice %arg3[%add3A, %dma_start3A_324, %dma_start3A_325] : memref<32x80x128xi32, #tpu.memory_space<hbm>> -> memref<1x80x128xi32, #tpu.memory_space<hbm>>
        %dma_start3A_327 = tpu.memref_squeeze %dma_start3A_326 : memref<1x80x128xi32, #tpu.memory_space<hbm>> -> memref<80x128xi32, #tpu.memory_space<hbm>>
        %dma_start3A_328 = arith.constant 0 : i32
        %dma_start3A_329 = tpu.memref_slice %dma_start3A_327[%mul3A_73, %dma_start3A_328] : memref<80x128xi32, #tpu.memory_space<hbm>> -> memref<40x128xi32, #tpu.memory_space<hbm>>
        tpu.enqueue_dma source(%dma_start3A_329 : memref<40x128xi32, #tpu.memory_space<hbm>>) target(%arg7 : memref<40x128xi32, #tpu.memory_space<vmem>>) target_semaphore(%run_scoped3A_317 : memref<!tpu.dma_semaphore, #tpu.memory_space<semaphore_mem>>)
        %dma_wait3A_330 = arith.constant 0 : i32
        %dma_wait3A_331 = arith.constant 0 : i32
        %dma_wait3A_332 = tpu.memref_slice %arg3[%add3A, %dma_wait3A_330, %dma_wait3A_331] : memref<32x80x128xi32, #tpu.memory_space<hbm>> -> memref<1x80x128xi32, #tpu.memory_space<hbm>>
        %dma_wait3A_333 = tpu.memref_squeeze %dma_wait3A_332 : memref<1x80x128xi32, #tpu.memory_space<hbm>> -> memref<80x128xi32, #tpu.memory_space<hbm>>
        %dma_wait3A_334 = arith.constant 0 : i32
        %dma_wait3A_335 = tpu.memref_slice %dma_wait3A_333[%mul3A_73, %dma_wait3A_334] : memref<80x128xi32, #tpu.memory_space<hbm>> -> memref<40x128xi32, #tpu.memory_space<hbm>>
        %dma_wait3A_336 = arith.constant 0 : i32
        %dma_wait3A_337 = arith.constant 0 : i32
        %dma_wait3A_338 = tpu.memref_slice %arg3[%add3A, %dma_wait3A_336, %dma_wait3A_337] : memref<32x80x128xi32, #tpu.memory_space<hbm>> -> memref<1x80x128xi32, #tpu.memory_space<hbm>>
        %dma_wait3A_339 = tpu.memref_squeeze %dma_wait3A_338 : memref<1x80x128xi32, #tpu.memory_space<hbm>> -> memref<80x128xi32, #tpu.memory_space<hbm>>
        %dma_wait3A_340 = arith.constant 0 : i32
        %dma_wait3A_341 = tpu.memref_slice %dma_wait3A_339[%mul3A_73, %dma_wait3A_340] : memref<80x128xi32, #tpu.memory_space<hbm>> -> memref<40x128xi32, #tpu.memory_space<hbm>>
        tpu.wait_dma2 semaphore(%run_scoped3A_317 : memref<!tpu.dma_semaphore, #tpu.memory_space<semaphore_mem>>) src(%dma_wait3A_341 : memref<40x128xi32, #tpu.memory_space<hbm>>) dst(%arg7 : memref<40x128xi32, #tpu.memory_space<vmem>>)
        tpu.yield
      }) : () -> ()
      %dma_start3A = arith.constant 0 : i32
      %dma_start3A_74 = arith.constant 0 : i32
      %dma_start3A_75 = arith.constant 0 : i32
      %dma_start3A_76 = arith.constant 0 : i32
      %dma_start3A_77 = arith.constant 0 : i32
      %dma_start3A_78 = tpu.memref_slice %arg8[%dma_start3A_74, %dma_start3A_76, %dma_start3A_77] : memref<4x128x64xf32, #tpu.memory_space<vmem>> -> memref<1x128x64xf32, #tpu.memory_space<vmem>>
      %dma_start3A_79 = tpu.memref_squeeze %dma_start3A_78 : memref<1x128x64xf32, #tpu.memory_space<vmem>> -> memref<128x64xf32, #tpu.memory_space<vmem>>
      %dma_start3A_80 = arith.constant 0 : i32
      %dma_start3A_81 = tpu.memref_slice %arg6[%dma_start3A, %dma_start3A_80] : memref<40x128xi32, #tpu.memory_space<vmem>> -> memref<1x128xi32, #tpu.memory_space<vmem>>
      %dma_start3A_82 = tpu.memref_squeeze %dma_start3A_81 : memref<1x128xi32, #tpu.memory_space<vmem>> -> memref<128xi32, #tpu.memory_space<vmem>>
      %dma_start3A_83 = arith.constant 0 : i32
      %dma_start3A_84 = arith.constant 0 : i32
      %dma_start3A_85 = tpu.memref_slice %arg10[%dma_start3A_83, %dma_start3A_84] : memref<10240x64xf32, #tpu.memory_space<vmem_shared>> -> memref<10240x64xf32, #tpu.memory_space<vmem_shared>>
      %dma_start3A_86 = tpu.memref_slice %arg11[%dma_start3A_75] : memref<4x!tpu.dma_semaphore, #tpu.memory_space<semaphore_mem>> -> memref<1x!tpu.dma_semaphore, #tpu.memory_space<semaphore_mem>>
      %dma_start3A_87 = tpu.memref_squeeze %dma_start3A_86 : memref<1x!tpu.dma_semaphore, #tpu.memory_space<semaphore_mem>> -> memref<!tpu.dma_semaphore, #tpu.memory_space<semaphore_mem>>
      tpu.enqueue_indirect_dma source(%dma_start3A_85 : memref<10240x64xf32, #tpu.memory_space<vmem_shared>>) target(%dma_start3A_79 : memref<128x64xf32, #tpu.memory_space<vmem>>) offsets(%dma_start3A_82 : memref<128xi32, #tpu.memory_space<vmem>>) semaphore(%dma_start3A_87 : memref<!tpu.dma_semaphore, #tpu.memory_space<semaphore_mem>>)
      %dma_start3A_88 = arith.constant 1 : i32
      %dma_start3A_89 = arith.constant 1 : i32
      %dma_start3A_90 = arith.constant 1 : i32
      %dma_start3A_91 = arith.constant 0 : i32
      %dma_start3A_92 = arith.constant 0 : i32
      %dma_start3A_93 = tpu.memref_slice %arg8[%dma_start3A_89, %dma_start3A_91, %dma_start3A_92] : memref<4x128x64xf32, #tpu.memory_space<vmem>> -> memref<1x128x64xf32, #tpu.memory_space<vmem>>
      %dma_start3A_94 = tpu.memref_squeeze %dma_start3A_93 : memref<1x128x64xf32, #tpu.memory_space<vmem>> -> memref<128x64xf32, #tpu.memory_space<vmem>>
      %dma_start3A_95 = arith.constant 0 : i32
      %dma_start3A_96 = tpu.memref_slice %arg6[%dma_start3A_88, %dma_start3A_95] : memref<40x128xi32, #tpu.memory_space<vmem>> -> memref<1x128xi32, #tpu.memory_space<vmem>>
      %dma_start3A_97 = tpu.memref_squeeze %dma_start3A_96 : memref<1x128xi32, #tpu.memory_space<vmem>> -> memref<128xi32, #tpu.memory_space<vmem>>
      %dma_start3A_98 = arith.constant 0 : i32
      %dma_start3A_99 = arith.constant 0 : i32
      %dma_start3A_100 = tpu.memref_slice %arg10[%dma_start3A_98, %dma_start3A_99] : memref<10240x64xf32, #tpu.memory_space<vmem_shared>> -> memref<10240x64xf32, #tpu.memory_space<vmem_shared>>
      %dma_start3A_101 = tpu.memref_slice %arg11[%dma_start3A_90] : memref<4x!tpu.dma_semaphore, #tpu.memory_space<semaphore_mem>> -> memref<1x!tpu.dma_semaphore, #tpu.memory_space<semaphore_mem>>
      %dma_start3A_102 = tpu.memref_squeeze %dma_start3A_101 : memref<1x!tpu.dma_semaphore, #tpu.memory_space<semaphore_mem>> -> memref<!tpu.dma_semaphore, #tpu.memory_space<semaphore_mem>>
      tpu.enqueue_indirect_dma source(%dma_start3A_100 : memref<10240x64xf32, #tpu.memory_space<vmem_shared>>) target(%dma_start3A_94 : memref<128x64xf32, #tpu.memory_space<vmem>>) offsets(%dma_start3A_97 : memref<128xi32, #tpu.memory_space<vmem>>) semaphore(%dma_start3A_102 : memref<!tpu.dma_semaphore, #tpu.memory_space<semaphore_mem>>)
      %dma_start3A_103 = arith.constant 2 : i32
      %dma_start3A_104 = arith.constant 2 : i32
      %dma_start3A_105 = arith.constant 2 : i32
      %dma_start3A_106 = arith.constant 0 : i32
      %dma_start3A_107 = arith.constant 0 : i32
      %dma_start3A_108 = tpu.memref_slice %arg8[%dma_start3A_104, %dma_start3A_106, %dma_start3A_107] : memref<4x128x64xf32, #tpu.memory_space<vmem>> -> memref<1x128x64xf32, #tpu.memory_space<vmem>>
      %dma_start3A_109 = tpu.memref_squeeze %dma_start3A_108 : memref<1x128x64xf32, #tpu.memory_space<vmem>> -> memref<128x64xf32, #tpu.memory_space<vmem>>
      %dma_start3A_110 = arith.constant 0 : i32
      %dma_start3A_111 = tpu.memref_slice %arg6[%dma_start3A_103, %dma_start3A_110] : memref<40x128xi32, #tpu.memory_space<vmem>> -> memref<1x128xi32, #tpu.memory_space<vmem>>
      %dma_start3A_112 = tpu.memref_squeeze %dma_start3A_111 : memref<1x128xi32, #tpu.memory_space<vmem>> -> memref<128xi32, #tpu.memory_space<vmem>>
      %dma_start3A_113 = arith.constant 0 : i32
      %dma_start3A_114 = arith.constant 0 : i32
      %dma_start3A_115 = tpu.memref_slice %arg10[%dma_start3A_113, %dma_start3A_114] : memref<10240x64xf32, #tpu.memory_space<vmem_shared>> -> memref<10240x64xf32, #tpu.memory_space<vmem_shared>>
      %dma_start3A_116 = tpu.memref_slice %arg11[%dma_start3A_105] : memref<4x!tpu.dma_semaphore, #tpu.memory_space<semaphore_mem>> -> memref<1x!tpu.dma_semaphore, #tpu.memory_space<semaphore_mem>>
      %dma_start3A_117 = tpu.memref_squeeze %dma_start3A_116 : memref<1x!tpu.dma_semaphore, #tpu.memory_space<semaphore_mem>> -> memref<!tpu.dma_semaphore, #tpu.memory_space<semaphore_mem>>
      tpu.enqueue_indirect_dma source(%dma_start3A_115 : memref<10240x64xf32, #tpu.memory_space<vmem_shared>>) target(%dma_start3A_109 : memref<128x64xf32, #tpu.memory_space<vmem>>) offsets(%dma_start3A_112 : memref<128xi32, #tpu.memory_space<vmem>>) semaphore(%dma_start3A_117 : memref<!tpu.dma_semaphore, #tpu.memory_space<semaphore_mem>>)
      %dma_start3A_118 = arith.constant 3 : i32
      %dma_start3A_119 = arith.constant 3 : i32
      %dma_start3A_120 = arith.constant 3 : i32
      %dma_start3A_121 = arith.constant 0 : i32
      %dma_start3A_122 = arith.constant 0 : i32
      %dma_start3A_123 = tpu.memref_slice %arg8[%dma_start3A_119, %dma_start3A_121, %dma_start3A_122] : memref<4x128x64xf32, #tpu.memory_space<vmem>> -> memref<1x128x64xf32, #tpu.memory_space<vmem>>
      %dma_start3A_124 = tpu.memref_squeeze %dma_start3A_123 : memref<1x128x64xf32, #tpu.memory_space<vmem>> -> memref<128x64xf32, #tpu.memory_space<vmem>>
      %dma_start3A_125 = arith.constant 0 : i32
      %dma_start3A_126 = tpu.memref_slice %arg6[%dma_start3A_118, %dma_start3A_125] : memref<40x128xi32, #tpu.memory_space<vmem>> -> memref<1x128xi32, #tpu.memory_space<vmem>>
      %dma_start3A_127 = tpu.memref_squeeze %dma_start3A_126 : memref<1x128xi32, #tpu.memory_space<vmem>> -> memref<128xi32, #tpu.memory_space<vmem>>
      %dma_start3A_128 = arith.constant 0 : i32
      %dma_start3A_129 = arith.constant 0 : i32
      %dma_start3A_130 = tpu.memref_slice %arg10[%dma_start3A_128, %dma_start3A_129] : memref<10240x64xf32, #tpu.memory_space<vmem_shared>> -> memref<10240x64xf32, #tpu.memory_space<vmem_shared>>
      %dma_start3A_131 = tpu.memref_slice %arg11[%dma_start3A_120] : memref<4x!tpu.dma_semaphore, #tpu.memory_space<semaphore_mem>> -> memref<1x!tpu.dma_semaphore, #tpu.memory_space<semaphore_mem>>
      %dma_start3A_132 = tpu.memref_squeeze %dma_start3A_131 : memref<1x!tpu.dma_semaphore, #tpu.memory_space<semaphore_mem>> -> memref<!tpu.dma_semaphore, #tpu.memory_space<semaphore_mem>>
      tpu.enqueue_indirect_dma source(%dma_start3A_130 : memref<10240x64xf32, #tpu.memory_space<vmem_shared>>) target(%dma_start3A_124 : memref<128x64xf32, #tpu.memory_space<vmem>>) offsets(%dma_start3A_127 : memref<128xi32, #tpu.memory_space<vmem>>) semaphore(%dma_start3A_132 : memref<!tpu.dma_semaphore, #tpu.memory_space<semaphore_mem>>)
      %scan3A_133 = arith.constant 0 : i32
      %scan3A_134 = arith.constant 9 : i32
      %scan3A_135 = arith.addi %scan3A_133, %scan3A_134 : i32
      %scan3A_136 = arith.constant 1 : i32
      scf.for %scan3A_317 = %scan3A_133 to %scan3A_135 step %scan3A_136  : i32 {
        %mul3A_318 = arith.constant 4 : i32
        %mul3A_319 = arith.muli %scan3A_317, %mul3A_318 : i32
        %add3A_320 = arith.constant 0 : i32
        %add3A_321 = arith.addi %add3A_320, %mul3A_319 : i32
        %add3A_322 = arith.constant 0 : i32
        %add3A_323 = arith.addi %add3A_321, %add3A_322 : i32
        %dma_wait3A_324 = arith.constant 0 : i32
        %dma_wait3A_325 = arith.constant 0 : i32
        %dma_wait3A_326 = arith.constant 0 : i32
        %dma_wait3A_327 = arith.constant 0 : i32
        %dma_wait3A_328 = tpu.memref_slice %arg8[%dma_wait3A_324, %dma_wait3A_326, %dma_wait3A_327] : memref<4x128x64xf32, #tpu.memory_space<vmem>> -> memref<1x128x64xf32, #tpu.memory_space<vmem>>
        %dma_wait3A_329 = tpu.memref_squeeze %dma_wait3A_328 : memref<1x128x64xf32, #tpu.memory_space<vmem>> -> memref<128x64xf32, #tpu.memory_space<vmem>>
        %dma_wait3A_330 = arith.constant 0 : i32
        %dma_wait3A_331 = tpu.memref_slice %arg6[%add3A_323, %dma_wait3A_330] : memref<40x128xi32, #tpu.memory_space<vmem>> -> memref<1x128xi32, #tpu.memory_space<vmem>>
        %dma_wait3A_332 = tpu.memref_squeeze %dma_wait3A_331 : memref<1x128xi32, #tpu.memory_space<vmem>> -> memref<128xi32, #tpu.memory_space<vmem>>
        %dma_wait3A_333 = arith.constant 0 : i32
        %dma_wait3A_334 = arith.constant 0 : i32
        %dma_wait3A_335 = tpu.memref_slice %arg10[%dma_wait3A_333, %dma_wait3A_334] : memref<10240x64xf32, #tpu.memory_space<vmem_shared>> -> memref<10240x64xf32, #tpu.memory_space<vmem_shared>>
        %dma_wait3A_336 = tpu.memref_slice %arg11[%dma_wait3A_325] : memref<4x!tpu.dma_semaphore, #tpu.memory_space<semaphore_mem>> -> memref<1x!tpu.dma_semaphore, #tpu.memory_space<semaphore_mem>>
        %dma_wait3A_337 = tpu.memref_squeeze %dma_wait3A_336 : memref<1x!tpu.dma_semaphore, #tpu.memory_space<semaphore_mem>> -> memref<!tpu.dma_semaphore, #tpu.memory_space<semaphore_mem>>
        tpu.wait_indirect_dma semaphore(%dma_wait3A_337 : memref<!tpu.dma_semaphore, #tpu.memory_space<semaphore_mem>>) src(%dma_wait3A_335 : memref<10240x64xf32, #tpu.memory_space<vmem_shared>>) dst(%dma_wait3A_329 : memref<128x64xf32, #tpu.memory_space<vmem>>)
        %add3A_338 = arith.constant 0 : i32
        %add3A_339 = arith.addi %add3A_321, %add3A_338 : i32
        %dma_start3A_340 = arith.constant 0 : i32
        %dma_start3A_341 = arith.constant 0 : i32
        %dma_start3A_342 = arith.constant 0 : i32
        %dma_start3A_343 = arith.constant 0 : i32
        %dma_start3A_344 = tpu.memref_slice %arg8[%dma_start3A_340, %dma_start3A_342, %dma_start3A_343] : memref<4x128x64xf32, #tpu.memory_space<vmem>> -> memref<1x128x64xf32, #tpu.memory_space<vmem>>
        %dma_start3A_345 = tpu.memref_squeeze %dma_start3A_344 : memref<1x128x64xf32, #tpu.memory_space<vmem>> -> memref<128x64xf32, #tpu.memory_space<vmem>>
        %dma_start3A_346 = arith.constant 0 : i32
        %dma_start3A_347 = tpu.memref_slice %arg7[%add3A_339, %dma_start3A_346] : memref<40x128xi32, #tpu.memory_space<vmem>> -> memref<1x128xi32, #tpu.memory_space<vmem>>
        %dma_start3A_348 = tpu.memref_squeeze %dma_start3A_347 : memref<1x128xi32, #tpu.memory_space<vmem>> -> memref<128xi32, #tpu.memory_space<vmem>>
        %dma_start3A_349 = arith.constant 0 : i32
        %dma_start3A_350 = arith.constant 0 : i32
        %dma_start3A_351 = tpu.memref_slice %arg9[%dma_start3A_349, %dma_start3A_350] : memref<10240x64xf32, #tpu.memory_space<vmem_shared>> -> memref<10240x64xf32, #tpu.memory_space<vmem_shared>>
        %dma_start3A_352 = tpu.memref_slice %arg12[%dma_start3A_341] : memref<4x!tpu.dma_semaphore, #tpu.memory_space<semaphore_mem>> -> memref<1x!tpu.dma_semaphore, #tpu.memory_space<semaphore_mem>>
        %dma_start3A_353 = tpu.memref_squeeze %dma_start3A_352 : memref<1x!tpu.dma_semaphore, #tpu.memory_space<semaphore_mem>> -> memref<!tpu.dma_semaphore, #tpu.memory_space<semaphore_mem>>
        tpu.enqueue_indirect_dma source(%dma_start3A_345 : memref<128x64xf32, #tpu.memory_space<vmem>>) target(%dma_start3A_351 : memref<10240x64xf32, #tpu.memory_space<vmem_shared>>) offsets(%dma_start3A_348 : memref<128xi32, #tpu.memory_space<vmem>>) semaphore(%dma_start3A_353 : memref<!tpu.dma_semaphore, #tpu.memory_space<semaphore_mem>>) {add = true}
        %add3A_354 = arith.constant 1 : i32
        %add3A_355 = arith.addi %add3A_321, %add3A_354 : i32
        %dma_wait3A_356 = arith.constant 1 : i32
        %dma_wait3A_357 = arith.constant 1 : i32
        %dma_wait3A_358 = arith.constant 0 : i32
        %dma_wait3A_359 = arith.constant 0 : i32
        %dma_wait3A_360 = tpu.memref_slice %arg8[%dma_wait3A_356, %dma_wait3A_358, %dma_wait3A_359] : memref<4x128x64xf32, #tpu.memory_space<vmem>> -> memref<1x128x64xf32, #tpu.memory_space<vmem>>
        %dma_wait3A_361 = tpu.memref_squeeze %dma_wait3A_360 : memref<1x128x64xf32, #tpu.memory_space<vmem>> -> memref<128x64xf32, #tpu.memory_space<vmem>>
        %dma_wait3A_362 = arith.constant 0 : i32
        %dma_wait3A_363 = tpu.memref_slice %arg6[%add3A_355, %dma_wait3A_362] : memref<40x128xi32, #tpu.memory_space<vmem>> -> memref<1x128xi32, #tpu.memory_space<vmem>>
        %dma_wait3A_364 = tpu.memref_squeeze %dma_wait3A_363 : memref<1x128xi32, #tpu.memory_space<vmem>> -> memref<128xi32, #tpu.memory_space<vmem>>
        %dma_wait3A_365 = arith.constant 0 : i32
        %dma_wait3A_366 = arith.constant 0 : i32
        %dma_wait3A_367 = tpu.memref_slice %arg10[%dma_wait3A_365, %dma_wait3A_366] : memref<10240x64xf32, #tpu.memory_space<vmem_shared>> -> memref<10240x64xf32, #tpu.memory_space<vmem_shared>>
        %dma_wait3A_368 = tpu.memref_slice %arg11[%dma_wait3A_357] : memref<4x!tpu.dma_semaphore, #tpu.memory_space<semaphore_mem>> -> memref<1x!tpu.dma_semaphore, #tpu.memory_space<semaphore_mem>>
        %dma_wait3A_369 = tpu.memref_squeeze %dma_wait3A_368 : memref<1x!tpu.dma_semaphore, #tpu.memory_space<semaphore_mem>> -> memref<!tpu.dma_semaphore, #tpu.memory_space<semaphore_mem>>
        tpu.wait_indirect_dma semaphore(%dma_wait3A_369 : memref<!tpu.dma_semaphore, #tpu.memory_space<semaphore_mem>>) src(%dma_wait3A_367 : memref<10240x64xf32, #tpu.memory_space<vmem_shared>>) dst(%dma_wait3A_361 : memref<128x64xf32, #tpu.memory_space<vmem>>)
        %add3A_370 = arith.constant 1 : i32
        %add3A_371 = arith.addi %add3A_321, %add3A_370 : i32
        %dma_start3A_372 = arith.constant 1 : i32
        %dma_start3A_373 = arith.constant 1 : i32
        %dma_start3A_374 = arith.constant 0 : i32
        %dma_start3A_375 = arith.constant 0 : i32
        %dma_start3A_376 = tpu.memref_slice %arg8[%dma_start3A_372, %dma_start3A_374, %dma_start3A_375] : memref<4x128x64xf32, #tpu.memory_space<vmem>> -> memref<1x128x64xf32, #tpu.memory_space<vmem>>
        %dma_start3A_377 = tpu.memref_squeeze %dma_start3A_376 : memref<1x128x64xf32, #tpu.memory_space<vmem>> -> memref<128x64xf32, #tpu.memory_space<vmem>>
        %dma_start3A_378 = arith.constant 0 : i32
        %dma_start3A_379 = tpu.memref_slice %arg7[%add3A_371, %dma_start3A_378] : memref<40x128xi32, #tpu.memory_space<vmem>> -> memref<1x128xi32, #tpu.memory_space<vmem>>
        %dma_start3A_380 = tpu.memref_squeeze %dma_start3A_379 : memref<1x128xi32, #tpu.memory_space<vmem>> -> memref<128xi32, #tpu.memory_space<vmem>>
        %dma_start3A_381 = arith.constant 0 : i32
        %dma_start3A_382 = arith.constant 0 : i32
        %dma_start3A_383 = tpu.memref_slice %arg9[%dma_start3A_381, %dma_start3A_382] : memref<10240x64xf32, #tpu.memory_space<vmem_shared>> -> memref<10240x64xf32, #tpu.memory_space<vmem_shared>>
        %dma_start3A_384 = tpu.memref_slice %arg12[%dma_start3A_373] : memref<4x!tpu.dma_semaphore, #tpu.memory_space<semaphore_mem>> -> memref<1x!tpu.dma_semaphore, #tpu.memory_space<semaphore_mem>>
        %dma_start3A_385 = tpu.memref_squeeze %dma_start3A_384 : memref<1x!tpu.dma_semaphore, #tpu.memory_space<semaphore_mem>> -> memref<!tpu.dma_semaphore, #tpu.memory_space<semaphore_mem>>
        tpu.enqueue_indirect_dma source(%dma_start3A_377 : memref<128x64xf32, #tpu.memory_space<vmem>>) target(%dma_start3A_383 : memref<10240x64xf32, #tpu.memory_space<vmem_shared>>) offsets(%dma_start3A_380 : memref<128xi32, #tpu.memory_space<vmem>>) semaphore(%dma_start3A_385 : memref<!tpu.dma_semaphore, #tpu.memory_space<semaphore_mem>>) {add = true}
        %add3A_386 = arith.constant 2 : i32
        %add3A_387 = arith.addi %add3A_321, %add3A_386 : i32
        %dma_wait3A_388 = arith.constant 2 : i32
        %dma_wait3A_389 = arith.constant 2 : i32
        %dma_wait3A_390 = arith.constant 0 : i32
        %dma_wait3A_391 = arith.constant 0 : i32
        %dma_wait3A_392 = tpu.memref_slice %arg8[%dma_wait3A_388, %dma_wait3A_390, %dma_wait3A_391] : memref<4x128x64xf32, #tpu.memory_space<vmem>> -> memref<1x128x64xf32, #tpu.memory_space<vmem>>
        %dma_wait3A_393 = tpu.memref_squeeze %dma_wait3A_392 : memref<1x128x64xf32, #tpu.memory_space<vmem>> -> memref<128x64xf32, #tpu.memory_space<vmem>>
        %dma_wait3A_394 = arith.constant 0 : i32
        %dma_wait3A_395 = tpu.memref_slice %arg6[%add3A_387, %dma_wait3A_394] : memref<40x128xi32, #tpu.memory_space<vmem>> -> memref<1x128xi32, #tpu.memory_space<vmem>>
        %dma_wait3A_396 = tpu.memref_squeeze %dma_wait3A_395 : memref<1x128xi32, #tpu.memory_space<vmem>> -> memref<128xi32, #tpu.memory_space<vmem>>
        %dma_wait3A_397 = arith.constant 0 : i32
        %dma_wait3A_398 = arith.constant 0 : i32
        %dma_wait3A_399 = tpu.memref_slice %arg10[%dma_wait3A_397, %dma_wait3A_398] : memref<10240x64xf32, #tpu.memory_space<vmem_shared>> -> memref<10240x64xf32, #tpu.memory_space<vmem_shared>>
        %dma_wait3A_400 = tpu.memref_slice %arg11[%dma_wait3A_389] : memref<4x!tpu.dma_semaphore, #tpu.memory_space<semaphore_mem>> -> memref<1x!tpu.dma_semaphore, #tpu.memory_space<semaphore_mem>>
        %dma_wait3A_401 = tpu.memref_squeeze %dma_wait3A_400 : memref<1x!tpu.dma_semaphore, #tpu.memory_space<semaphore_mem>> -> memref<!tpu.dma_semaphore, #tpu.memory_space<semaphore_mem>>
        tpu.wait_indirect_dma semaphore(%dma_wait3A_401 : memref<!tpu.dma_semaphore, #tpu.memory_space<semaphore_mem>>) src(%dma_wait3A_399 : memref<10240x64xf32, #tpu.memory_space<vmem_shared>>) dst(%dma_wait3A_393 : memref<128x64xf32, #tpu.memory_space<vmem>>)
        %add3A_402 = arith.constant 2 : i32
        %add3A_403 = arith.addi %add3A_321, %add3A_402 : i32
        %dma_start3A_404 = arith.constant 2 : i32
        %dma_start3A_405 = arith.constant 2 : i32
        %dma_start3A_406 = arith.constant 0 : i32
        %dma_start3A_407 = arith.constant 0 : i32
        %dma_start3A_408 = tpu.memref_slice %arg8[%dma_start3A_404, %dma_start3A_406, %dma_start3A_407] : memref<4x128x64xf32, #tpu.memory_space<vmem>> -> memref<1x128x64xf32, #tpu.memory_space<vmem>>
        %dma_start3A_409 = tpu.memref_squeeze %dma_start3A_408 : memref<1x128x64xf32, #tpu.memory_space<vmem>> -> memref<128x64xf32, #tpu.memory_space<vmem>>
        %dma_start3A_410 = arith.constant 0 : i32
        %dma_start3A_411 = tpu.memref_slice %arg7[%add3A_403, %dma_start3A_410] : memref<40x128xi32, #tpu.memory_space<vmem>> -> memref<1x128xi32, #tpu.memory_space<vmem>>
        %dma_start3A_412 = tpu.memref_squeeze %dma_start3A_411 : memref<1x128xi32, #tpu.memory_space<vmem>> -> memref<128xi32, #tpu.memory_space<vmem>>
        %dma_start3A_413 = arith.constant 0 : i32
        %dma_start3A_414 = arith.constant 0 : i32
        %dma_start3A_415 = tpu.memref_slice %arg9[%dma_start3A_413, %dma_start3A_414] : memref<10240x64xf32, #tpu.memory_space<vmem_shared>> -> memref<10240x64xf32, #tpu.memory_space<vmem_shared>>
        %dma_start3A_416 = tpu.memref_slice %arg12[%dma_start3A_405] : memref<4x!tpu.dma_semaphore, #tpu.memory_space<semaphore_mem>> -> memref<1x!tpu.dma_semaphore, #tpu.memory_space<semaphore_mem>>
        %dma_start3A_417 = tpu.memref_squeeze %dma_start3A_416 : memref<1x!tpu.dma_semaphore, #tpu.memory_space<semaphore_mem>> -> memref<!tpu.dma_semaphore, #tpu.memory_space<semaphore_mem>>
        tpu.enqueue_indirect_dma source(%dma_start3A_409 : memref<128x64xf32, #tpu.memory_space<vmem>>) target(%dma_start3A_415 : memref<10240x64xf32, #tpu.memory_space<vmem_shared>>) offsets(%dma_start3A_412 : memref<128xi32, #tpu.memory_space<vmem>>) semaphore(%dma_start3A_417 : memref<!tpu.dma_semaphore, #tpu.memory_space<semaphore_mem>>) {add = true}
        %add3A_418 = arith.constant 3 : i32
        %add3A_419 = arith.addi %add3A_321, %add3A_418 : i32
        %dma_wait3A_420 = arith.constant 3 : i32
        %dma_wait3A_421 = arith.constant 3 : i32
        %dma_wait3A_422 = arith.constant 0 : i32
        %dma_wait3A_423 = arith.constant 0 : i32
        %dma_wait3A_424 = tpu.memref_slice %arg8[%dma_wait3A_420, %dma_wait3A_422, %dma_wait3A_423] : memref<4x128x64xf32, #tpu.memory_space<vmem>> -> memref<1x128x64xf32, #tpu.memory_space<vmem>>
        %dma_wait3A_425 = tpu.memref_squeeze %dma_wait3A_424 : memref<1x128x64xf32, #tpu.memory_space<vmem>> -> memref<128x64xf32, #tpu.memory_space<vmem>>
        %dma_wait3A_426 = arith.constant 0 : i32
        %dma_wait3A_427 = tpu.memref_slice %arg6[%add3A_419, %dma_wait3A_426] : memref<40x128xi32, #tpu.memory_space<vmem>> -> memref<1x128xi32, #tpu.memory_space<vmem>>
        %dma_wait3A_428 = tpu.memref_squeeze %dma_wait3A_427 : memref<1x128xi32, #tpu.memory_space<vmem>> -> memref<128xi32, #tpu.memory_space<vmem>>
        %dma_wait3A_429 = arith.constant 0 : i32
        %dma_wait3A_430 = arith.constant 0 : i32
        %dma_wait3A_431 = tpu.memref_slice %arg10[%dma_wait3A_429, %dma_wait3A_430] : memref<10240x64xf32, #tpu.memory_space<vmem_shared>> -> memref<10240x64xf32, #tpu.memory_space<vmem_shared>>
        %dma_wait3A_432 = tpu.memref_slice %arg11[%dma_wait3A_421] : memref<4x!tpu.dma_semaphore, #tpu.memory_space<semaphore_mem>> -> memref<1x!tpu.dma_semaphore, #tpu.memory_space<semaphore_mem>>
        %dma_wait3A_433 = tpu.memref_squeeze %dma_wait3A_432 : memref<1x!tpu.dma_semaphore, #tpu.memory_space<semaphore_mem>> -> memref<!tpu.dma_semaphore, #tpu.memory_space<semaphore_mem>>
        tpu.wait_indirect_dma semaphore(%dma_wait3A_433 : memref<!tpu.dma_semaphore, #tpu.memory_space<semaphore_mem>>) src(%dma_wait3A_431 : memref<10240x64xf32, #tpu.memory_space<vmem_shared>>) dst(%dma_wait3A_425 : memref<128x64xf32, #tpu.memory_space<vmem>>)
        %add3A_434 = arith.constant 3 : i32
        %add3A_435 = arith.addi %add3A_321, %add3A_434 : i32
        %dma_start3A_436 = arith.constant 3 : i32
        %dma_start3A_437 = arith.constant 3 : i32
        %dma_start3A_438 = arith.constant 0 : i32
        %dma_start3A_439 = arith.constant 0 : i32
        %dma_start3A_440 = tpu.memref_slice %arg8[%dma_start3A_436, %dma_start3A_438, %dma_start3A_439] : memref<4x128x64xf32, #tpu.memory_space<vmem>> -> memref<1x128x64xf32, #tpu.memory_space<vmem>>
        %dma_start3A_441 = tpu.memref_squeeze %dma_start3A_440 : memref<1x128x64xf32, #tpu.memory_space<vmem>> -> memref<128x64xf32, #tpu.memory_space<vmem>>
        %dma_start3A_442 = arith.constant 0 : i32
        %dma_start3A_443 = tpu.memref_slice %arg7[%add3A_435, %dma_start3A_442] : memref<40x128xi32, #tpu.memory_space<vmem>> -> memref<1x128xi32, #tpu.memory_space<vmem>>
        %dma_start3A_444 = tpu.memref_squeeze %dma_start3A_443 : memref<1x128xi32, #tpu.memory_space<vmem>> -> memref<128xi32, #tpu.memory_space<vmem>>
        %dma_start3A_445 = arith.constant 0 : i32
        %dma_start3A_446 = arith.constant 0 : i32
        %dma_start3A_447 = tpu.memref_slice %arg9[%dma_start3A_445, %dma_start3A_446] : memref<10240x64xf32, #tpu.memory_space<vmem_shared>> -> memref<10240x64xf32, #tpu.memory_space<vmem_shared>>
        %dma_start3A_448 = tpu.memref_slice %arg12[%dma_start3A_437] : memref<4x!tpu.dma_semaphore, #tpu.memory_space<semaphore_mem>> -> memref<1x!tpu.dma_semaphore, #tpu.memory_space<semaphore_mem>>
        %dma_start3A_449 = tpu.memref_squeeze %dma_start3A_448 : memref<1x!tpu.dma_semaphore, #tpu.memory_space<semaphore_mem>> -> memref<!tpu.dma_semaphore, #tpu.memory_space<semaphore_mem>>
        tpu.enqueue_indirect_dma source(%dma_start3A_441 : memref<128x64xf32, #tpu.memory_space<vmem>>) target(%dma_start3A_447 : memref<10240x64xf32, #tpu.memory_space<vmem_shared>>) offsets(%dma_start3A_444 : memref<128xi32, #tpu.memory_space<vmem>>) semaphore(%dma_start3A_449 : memref<!tpu.dma_semaphore, #tpu.memory_space<semaphore_mem>>) {add = true}
        %add3A_450 = arith.constant 0 : i32
        %add3A_451 = arith.addi %add3A_321, %add3A_450 : i32
        %dma_wait3A_452 = arith.constant 0 : i32
        %dma_wait3A_453 = arith.constant 0 : i32
        %dma_wait3A_454 = arith.constant 0 : i32
        %dma_wait3A_455 = arith.constant 0 : i32
        %dma_wait3A_456 = tpu.memref_slice %arg8[%dma_wait3A_452, %dma_wait3A_454, %dma_wait3A_455] : memref<4x128x64xf32, #tpu.memory_space<vmem>> -> memref<1x128x64xf32, #tpu.memory_space<vmem>>
        %dma_wait3A_457 = tpu.memref_squeeze %dma_wait3A_456 : memref<1x128x64xf32, #tpu.memory_space<vmem>> -> memref<128x64xf32, #tpu.memory_space<vmem>>
        %dma_wait3A_458 = arith.constant 0 : i32
        %dma_wait3A_459 = tpu.memref_slice %arg7[%add3A_451, %dma_wait3A_458] : memref<40x128xi32, #tpu.memory_space<vmem>> -> memref<1x128xi32, #tpu.memory_space<vmem>>
        %dma_wait3A_460 = tpu.memref_squeeze %dma_wait3A_459 : memref<1x128xi32, #tpu.memory_space<vmem>> -> memref<128xi32, #tpu.memory_space<vmem>>
        %dma_wait3A_461 = arith.constant 0 : i32
        %dma_wait3A_462 = arith.constant 0 : i32
        %dma_wait3A_463 = tpu.memref_slice %arg9[%dma_wait3A_461, %dma_wait3A_462] : memref<10240x64xf32, #tpu.memory_space<vmem_shared>> -> memref<10240x64xf32, #tpu.memory_space<vmem_shared>>
        %dma_wait3A_464 = tpu.memref_slice %arg12[%dma_wait3A_453] : memref<4x!tpu.dma_semaphore, #tpu.memory_space<semaphore_mem>> -> memref<1x!tpu.dma_semaphore, #tpu.memory_space<semaphore_mem>>
        %dma_wait3A_465 = tpu.memref_squeeze %dma_wait3A_464 : memref<1x!tpu.dma_semaphore, #tpu.memory_space<semaphore_mem>> -> memref<!tpu.dma_semaphore, #tpu.memory_space<semaphore_mem>>
        tpu.wait_indirect_dma semaphore(%dma_wait3A_465 : memref<!tpu.dma_semaphore, #tpu.memory_space<semaphore_mem>>) src(%dma_wait3A_457 : memref<128x64xf32, #tpu.memory_space<vmem>>) dst(%dma_wait3A_463 : memref<10240x64xf32, #tpu.memory_space<vmem_shared>>)
        %add3A_466 = arith.constant 4 : i32
        %add3A_467 = arith.addi %add3A_321, %add3A_466 : i32
        %add3A_468 = arith.constant 0 : i32
        %add3A_469 = arith.addi %add3A_467, %add3A_468 : i32
        %dma_start3A_470 = arith.constant 0 : i32
        %dma_start3A_471 = arith.constant 0 : i32
        %dma_start3A_472 = arith.constant 0 : i32
        %dma_start3A_473 = arith.constant 0 : i32
        %dma_start3A_474 = tpu.memref_slice %arg8[%dma_start3A_470, %dma_start3A_472, %dma_start3A_473] : memref<4x128x64xf32, #tpu.memory_space<vmem>> -> memref<1x128x64xf32, #tpu.memory_space<vmem>>
        %dma_start3A_475 = tpu.memref_squeeze %dma_start3A_474 : memref<1x128x64xf32, #tpu.memory_space<vmem>> -> memref<128x64xf32, #tpu.memory_space<vmem>>
        %dma_start3A_476 = arith.constant 0 : i32
        %dma_start3A_477 = tpu.memref_slice %arg6[%add3A_469, %dma_start3A_476] : memref<40x128xi32, #tpu.memory_space<vmem>> -> memref<1x128xi32, #tpu.memory_space<vmem>>
        %dma_start3A_478 = tpu.memref_squeeze %dma_start3A_477 : memref<1x128xi32, #tpu.memory_space<vmem>> -> memref<128xi32, #tpu.memory_space<vmem>>
        %dma_start3A_479 = arith.constant 0 : i32
        %dma_start3A_480 = arith.constant 0 : i32
        %dma_start3A_481 = tpu.memref_slice %arg10[%dma_start3A_479, %dma_start3A_480] : memref<10240x64xf32, #tpu.memory_space<vmem_shared>> -> memref<10240x64xf32, #tpu.memory_space<vmem_shared>>
        %dma_start3A_482 = tpu.memref_slice %arg11[%dma_start3A_471] : memref<4x!tpu.dma_semaphore, #tpu.memory_space<semaphore_mem>> -> memref<1x!tpu.dma_semaphore, #tpu.memory_space<semaphore_mem>>
        %dma_start3A_483 = tpu.memref_squeeze %dma_start3A_482 : memref<1x!tpu.dma_semaphore, #tpu.memory_space<semaphore_mem>> -> memref<!tpu.dma_semaphore, #tpu.memory_space<semaphore_mem>>
        tpu.enqueue_indirect_dma source(%dma_start3A_481 : memref<10240x64xf32, #tpu.memory_space<vmem_shared>>) target(%dma_start3A_475 : memref<128x64xf32, #tpu.memory_space<vmem>>) offsets(%dma_start3A_478 : memref<128xi32, #tpu.memory_space<vmem>>) semaphore(%dma_start3A_483 : memref<!tpu.dma_semaphore, #tpu.memory_space<semaphore_mem>>)
        %add3A_484 = arith.constant 1 : i32
        %add3A_485 = arith.addi %add3A_321, %add3A_484 : i32
        %dma_wait3A_486 = arith.constant 1 : i32
        %dma_wait3A_487 = arith.constant 1 : i32
        %dma_wait3A_488 = arith.constant 0 : i32
        %dma_wait3A_489 = arith.constant 0 : i32
        %dma_wait3A_490 = tpu.memref_slice %arg8[%dma_wait3A_486, %dma_wait3A_488, %dma_wait3A_489] : memref<4x128x64xf32, #tpu.memory_space<vmem>> -> memref<1x128x64xf32, #tpu.memory_space<vmem>>
        %dma_wait3A_491 = tpu.memref_squeeze %dma_wait3A_490 : memref<1x128x64xf32, #tpu.memory_space<vmem>> -> memref<128x64xf32, #tpu.memory_space<vmem>>
        %dma_wait3A_492 = arith.constant 0 : i32
        %dma_wait3A_493 = tpu.memref_slice %arg7[%add3A_485, %dma_wait3A_492] : memref<40x128xi32, #tpu.memory_space<vmem>> -> memref<1x128xi32, #tpu.memory_space<vmem>>
        %dma_wait3A_494 = tpu.memref_squeeze %dma_wait3A_493 : memref<1x128xi32, #tpu.memory_space<vmem>> -> memref<128xi32, #tpu.memory_space<vmem>>
        %dma_wait3A_495 = arith.constant 0 : i32
        %dma_wait3A_496 = arith.constant 0 : i32
        %dma_wait3A_497 = tpu.memref_slice %arg9[%dma_wait3A_495, %dma_wait3A_496] : memref<10240x64xf32, #tpu.memory_space<vmem_shared>> -> memref<10240x64xf32, #tpu.memory_space<vmem_shared>>
        %dma_wait3A_498 = tpu.memref_slice %arg12[%dma_wait3A_487] : memref<4x!tpu.dma_semaphore, #tpu.memory_space<semaphore_mem>> -> memref<1x!tpu.dma_semaphore, #tpu.memory_space<semaphore_mem>>
        %dma_wait3A_499 = tpu.memref_squeeze %dma_wait3A_498 : memref<1x!tpu.dma_semaphore, #tpu.memory_space<semaphore_mem>> -> memref<!tpu.dma_semaphore, #tpu.memory_space<semaphore_mem>>
        tpu.wait_indirect_dma semaphore(%dma_wait3A_499 : memref<!tpu.dma_semaphore, #tpu.memory_space<semaphore_mem>>) src(%dma_wait3A_491 : memref<128x64xf32, #tpu.memory_space<vmem>>) dst(%dma_wait3A_497 : memref<10240x64xf32, #tpu.memory_space<vmem_shared>>)
        %add3A_500 = arith.constant 4 : i32
        %add3A_501 = arith.addi %add3A_321, %add3A_500 : i32
        %add3A_502 = arith.constant 1 : i32
        %add3A_503 = arith.addi %add3A_501, %add3A_502 : i32
        %dma_start3A_504 = arith.constant 1 : i32
        %dma_start3A_505 = arith.constant 1 : i32
        %dma_start3A_506 = arith.constant 0 : i32
        %dma_start3A_507 = arith.constant 0 : i32
        %dma_start3A_508 = tpu.memref_slice %arg8[%dma_start3A_504, %dma_start3A_506, %dma_start3A_507] : memref<4x128x64xf32, #tpu.memory_space<vmem>> -> memref<1x128x64xf32, #tpu.memory_space<vmem>>
        %dma_start3A_509 = tpu.memref_squeeze %dma_start3A_508 : memref<1x128x64xf32, #tpu.memory_space<vmem>> -> memref<128x64xf32, #tpu.memory_space<vmem>>
        %dma_start3A_510 = arith.constant 0 : i32
        %dma_start3A_511 = tpu.memref_slice %arg6[%add3A_503, %dma_start3A_510] : memref<40x128xi32, #tpu.memory_space<vmem>> -> memref<1x128xi32, #tpu.memory_space<vmem>>
        %dma_start3A_512 = tpu.memref_squeeze %dma_start3A_511 : memref<1x128xi32, #tpu.memory_space<vmem>> -> memref<128xi32, #tpu.memory_space<vmem>>
        %dma_start3A_513 = arith.constant 0 : i32
        %dma_start3A_514 = arith.constant 0 : i32
        %dma_start3A_515 = tpu.memref_slice %arg10[%dma_start3A_513, %dma_start3A_514] : memref<10240x64xf32, #tpu.memory_space<vmem_shared>> -> memref<10240x64xf32, #tpu.memory_space<vmem_shared>>
        %dma_start3A_516 = tpu.memref_slice %arg11[%dma_start3A_505] : memref<4x!tpu.dma_semaphore, #tpu.memory_space<semaphore_mem>> -> memref<1x!tpu.dma_semaphore, #tpu.memory_space<semaphore_mem>>
        %dma_start3A_517 = tpu.memref_squeeze %dma_start3A_516 : memref<1x!tpu.dma_semaphore, #tpu.memory_space<semaphore_mem>> -> memref<!tpu.dma_semaphore, #tpu.memory_space<semaphore_mem>>
        tpu.enqueue_indirect_dma source(%dma_start3A_515 : memref<10240x64xf32, #tpu.memory_space<vmem_shared>>) target(%dma_start3A_509 : memref<128x64xf32, #tpu.memory_space<vmem>>) offsets(%dma_start3A_512 : memref<128xi32, #tpu.memory_space<vmem>>) semaphore(%dma_start3A_517 : memref<!tpu.dma_semaphore, #tpu.memory_space<semaphore_mem>>)
        %add3A_518 = arith.constant 2 : i32
        %add3A_519 = arith.addi %add3A_321, %add3A_518 : i32
        %dma_wait3A_520 = arith.constant 2 : i32
        %dma_wait3A_521 = arith.constant 2 : i32
        %dma_wait3A_522 = arith.constant 0 : i32
        %dma_wait3A_523 = arith.constant 0 : i32
        %dma_wait3A_524 = tpu.memref_slice %arg8[%dma_wait3A_520, %dma_wait3A_522, %dma_wait3A_523] : memref<4x128x64xf32, #tpu.memory_space<vmem>> -> memref<1x128x64xf32, #tpu.memory_space<vmem>>
        %dma_wait3A_525 = tpu.memref_squeeze %dma_wait3A_524 : memref<1x128x64xf32, #tpu.memory_space<vmem>> -> memref<128x64xf32, #tpu.memory_space<vmem>>
        %dma_wait3A_526 = arith.constant 0 : i32
        %dma_wait3A_527 = tpu.memref_slice %arg7[%add3A_519, %dma_wait3A_526] : memref<40x128xi32, #tpu.memory_space<vmem>> -> memref<1x128xi32, #tpu.memory_space<vmem>>
        %dma_wait3A_528 = tpu.memref_squeeze %dma_wait3A_527 : memref<1x128xi32, #tpu.memory_space<vmem>> -> memref<128xi32, #tpu.memory_space<vmem>>
        %dma_wait3A_529 = arith.constant 0 : i32
        %dma_wait3A_530 = arith.constant 0 : i32
        %dma_wait3A_531 = tpu.memref_slice %arg9[%dma_wait3A_529, %dma_wait3A_530] : memref<10240x64xf32, #tpu.memory_space<vmem_shared>> -> memref<10240x64xf32, #tpu.memory_space<vmem_shared>>
        %dma_wait3A_532 = tpu.memref_slice %arg12[%dma_wait3A_521] : memref<4x!tpu.dma_semaphore, #tpu.memory_space<semaphore_mem>> -> memref<1x!tpu.dma_semaphore, #tpu.memory_space<semaphore_mem>>
        %dma_wait3A_533 = tpu.memref_squeeze %dma_wait3A_532 : memref<1x!tpu.dma_semaphore, #tpu.memory_space<semaphore_mem>> -> memref<!tpu.dma_semaphore, #tpu.memory_space<semaphore_mem>>
        tpu.wait_indirect_dma semaphore(%dma_wait3A_533 : memref<!tpu.dma_semaphore, #tpu.memory_space<semaphore_mem>>) src(%dma_wait3A_525 : memref<128x64xf32, #tpu.memory_space<vmem>>) dst(%dma_wait3A_531 : memref<10240x64xf32, #tpu.memory_space<vmem_shared>>)
        %add3A_534 = arith.constant 4 : i32
        %add3A_535 = arith.addi %add3A_321, %add3A_534 : i32
        %add3A_536 = arith.constant 2 : i32
        %add3A_537 = arith.addi %add3A_535, %add3A_536 : i32
        %dma_start3A_538 = arith.constant 2 : i32
        %dma_start3A_539 = arith.constant 2 : i32
        %dma_start3A_540 = arith.constant 0 : i32
        %dma_start3A_541 = arith.constant 0 : i32
        %dma_start3A_542 = tpu.memref_slice %arg8[%dma_start3A_538, %dma_start3A_540, %dma_start3A_541] : memref<4x128x64xf32, #tpu.memory_space<vmem>> -> memref<1x128x64xf32, #tpu.memory_space<vmem>>
        %dma_start3A_543 = tpu.memref_squeeze %dma_start3A_542 : memref<1x128x64xf32, #tpu.memory_space<vmem>> -> memref<128x64xf32, #tpu.memory_space<vmem>>
        %dma_start3A_544 = arith.constant 0 : i32
        %dma_start3A_545 = tpu.memref_slice %arg6[%add3A_537, %dma_start3A_544] : memref<40x128xi32, #tpu.memory_space<vmem>> -> memref<1x128xi32, #tpu.memory_space<vmem>>
        %dma_start3A_546 = tpu.memref_squeeze %dma_start3A_545 : memref<1x128xi32, #tpu.memory_space<vmem>> -> memref<128xi32, #tpu.memory_space<vmem>>
        %dma_start3A_547 = arith.constant 0 : i32
        %dma_start3A_548 = arith.constant 0 : i32
        %dma_start3A_549 = tpu.memref_slice %arg10[%dma_start3A_547, %dma_start3A_548] : memref<10240x64xf32, #tpu.memory_space<vmem_shared>> -> memref<10240x64xf32, #tpu.memory_space<vmem_shared>>
        %dma_start3A_550 = tpu.memref_slice %arg11[%dma_start3A_539] : memref<4x!tpu.dma_semaphore, #tpu.memory_space<semaphore_mem>> -> memref<1x!tpu.dma_semaphore, #tpu.memory_space<semaphore_mem>>
        %dma_start3A_551 = tpu.memref_squeeze %dma_start3A_550 : memref<1x!tpu.dma_semaphore, #tpu.memory_space<semaphore_mem>> -> memref<!tpu.dma_semaphore, #tpu.memory_space<semaphore_mem>>
        tpu.enqueue_indirect_dma source(%dma_start3A_549 : memref<10240x64xf32, #tpu.memory_space<vmem_shared>>) target(%dma_start3A_543 : memref<128x64xf32, #tpu.memory_space<vmem>>) offsets(%dma_start3A_546 : memref<128xi32, #tpu.memory_space<vmem>>) semaphore(%dma_start3A_551 : memref<!tpu.dma_semaphore, #tpu.memory_space<semaphore_mem>>)
        %add3A_552 = arith.constant 3 : i32
        %add3A_553 = arith.addi %add3A_321, %add3A_552 : i32
        %dma_wait3A_554 = arith.constant 3 : i32
        %dma_wait3A_555 = arith.constant 3 : i32
        %dma_wait3A_556 = arith.constant 0 : i32
        %dma_wait3A_557 = arith.constant 0 : i32
        %dma_wait3A_558 = tpu.memref_slice %arg8[%dma_wait3A_554, %dma_wait3A_556, %dma_wait3A_557] : memref<4x128x64xf32, #tpu.memory_space<vmem>> -> memref<1x128x64xf32, #tpu.memory_space<vmem>>
        %dma_wait3A_559 = tpu.memref_squeeze %dma_wait3A_558 : memref<1x128x64xf32, #tpu.memory_space<vmem>> -> memref<128x64xf32, #tpu.memory_space<vmem>>
        %dma_wait3A_560 = arith.constant 0 : i32
        %dma_wait3A_561 = tpu.memref_slice %arg7[%add3A_553, %dma_wait3A_560] : memref<40x128xi32, #tpu.memory_space<vmem>> -> memref<1x128xi32, #tpu.memory_space<vmem>>
        %dma_wait3A_562 = tpu.memref_squeeze %dma_wait3A_561 : memref<1x128xi32, #tpu.memory_space<vmem>> -> memref<128xi32, #tpu.memory_space<vmem>>
        %dma_wait3A_563 = arith.constant 0 : i32
        %dma_wait3A_564 = arith.constant 0 : i32
        %dma_wait3A_565 = tpu.memref_slice %arg9[%dma_wait3A_563, %dma_wait3A_564] : memref<10240x64xf32, #tpu.memory_space<vmem_shared>> -> memref<10240x64xf32, #tpu.memory_space<vmem_shared>>
        %dma_wait3A_566 = tpu.memref_slice %arg12[%dma_wait3A_555] : memref<4x!tpu.dma_semaphore, #tpu.memory_space<semaphore_mem>> -> memref<1x!tpu.dma_semaphore, #tpu.memory_space<semaphore_mem>>
        %dma_wait3A_567 = tpu.memref_squeeze %dma_wait3A_566 : memref<1x!tpu.dma_semaphore, #tpu.memory_space<semaphore_mem>> -> memref<!tpu.dma_semaphore, #tpu.memory_space<semaphore_mem>>
        tpu.wait_indirect_dma semaphore(%dma_wait3A_567 : memref<!tpu.dma_semaphore, #tpu.memory_space<semaphore_mem>>) src(%dma_wait3A_559 : memref<128x64xf32, #tpu.memory_space<vmem>>) dst(%dma_wait3A_565 : memref<10240x64xf32, #tpu.memory_space<vmem_shared>>)
        %add3A_568 = arith.constant 4 : i32
        %add3A_569 = arith.addi %add3A_321, %add3A_568 : i32
        %add3A_570 = arith.constant 3 : i32
        %add3A_571 = arith.addi %add3A_569, %add3A_570 : i32
        %dma_start3A_572 = arith.constant 3 : i32
        %dma_start3A_573 = arith.constant 3 : i32
        %dma_start3A_574 = arith.constant 0 : i32
        %dma_start3A_575 = arith.constant 0 : i32
        %dma_start3A_576 = tpu.memref_slice %arg8[%dma_start3A_572, %dma_start3A_574, %dma_start3A_575] : memref<4x128x64xf32, #tpu.memory_space<vmem>> -> memref<1x128x64xf32, #tpu.memory_space<vmem>>
        %dma_start3A_577 = tpu.memref_squeeze %dma_start3A_576 : memref<1x128x64xf32, #tpu.memory_space<vmem>> -> memref<128x64xf32, #tpu.memory_space<vmem>>
        %dma_start3A_578 = arith.constant 0 : i32
        %dma_start3A_579 = tpu.memref_slice %arg6[%add3A_571, %dma_start3A_578] : memref<40x128xi32, #tpu.memory_space<vmem>> -> memref<1x128xi32, #tpu.memory_space<vmem>>
        %dma_start3A_580 = tpu.memref_squeeze %dma_start3A_579 : memref<1x128xi32, #tpu.memory_space<vmem>> -> memref<128xi32, #tpu.memory_space<vmem>>
        %dma_start3A_581 = arith.constant 0 : i32
        %dma_start3A_582 = arith.constant 0 : i32
        %dma_start3A_583 = tpu.memref_slice %arg10[%dma_start3A_581, %dma_start3A_582] : memref<10240x64xf32, #tpu.memory_space<vmem_shared>> -> memref<10240x64xf32, #tpu.memory_space<vmem_shared>>
        %dma_start3A_584 = tpu.memref_slice %arg11[%dma_start3A_573] : memref<4x!tpu.dma_semaphore, #tpu.memory_space<semaphore_mem>> -> memref<1x!tpu.dma_semaphore, #tpu.memory_space<semaphore_mem>>
        %dma_start3A_585 = tpu.memref_squeeze %dma_start3A_584 : memref<1x!tpu.dma_semaphore, #tpu.memory_space<semaphore_mem>> -> memref<!tpu.dma_semaphore, #tpu.memory_space<semaphore_mem>>
        tpu.enqueue_indirect_dma source(%dma_start3A_583 : memref<10240x64xf32, #tpu.memory_space<vmem_shared>>) target(%dma_start3A_577 : memref<128x64xf32, #tpu.memory_space<vmem>>) offsets(%dma_start3A_580 : memref<128xi32, #tpu.memory_space<vmem>>) semaphore(%dma_start3A_585 : memref<!tpu.dma_semaphore, #tpu.memory_space<semaphore_mem>>)
      }
      %scan3A_137 = arith.constant 9 : i32
      %dma_wait3A = arith.constant 36 : i32
      %dma_wait3A_138 = arith.constant 0 : i32
      %dma_wait3A_139 = arith.constant 0 : i32
      %dma_wait3A_140 = arith.constant 0 : i32
      %dma_wait3A_141 = arith.constant 0 : i32
      %dma_wait3A_142 = tpu.memref_slice %arg8[%dma_wait3A_138, %dma_wait3A_140, %dma_wait3A_141] : memref<4x128x64xf32, #tpu.memory_space<vmem>> -> memref<1x128x64xf32, #tpu.memory_space<vmem>>
      %dma_wait3A_143 = tpu.memref_squeeze %dma_wait3A_142 : memref<1x128x64xf32, #tpu.memory_space<vmem>> -> memref<128x64xf32, #tpu.memory_space<vmem>>
      %dma_wait3A_144 = arith.constant 0 : i32
      %dma_wait3A_145 = tpu.memref_slice %arg6[%dma_wait3A, %dma_wait3A_144] : memref<40x128xi32, #tpu.memory_space<vmem>> -> memref<1x128xi32, #tpu.memory_space<vmem>>
      %dma_wait3A_146 = tpu.memref_squeeze %dma_wait3A_145 : memref<1x128xi32, #tpu.memory_space<vmem>> -> memref<128xi32, #tpu.memory_space<vmem>>
      %dma_wait3A_147 = arith.constant 0 : i32
      %dma_wait3A_148 = arith.constant 0 : i32
      %dma_wait3A_149 = tpu.memref_slice %arg10[%dma_wait3A_147, %dma_wait3A_148] : memref<10240x64xf32, #tpu.memory_space<vmem_shared>> -> memref<10240x64xf32, #tpu.memory_space<vmem_shared>>
      %dma_wait3A_150 = tpu.memref_slice %arg11[%dma_wait3A_139] : memref<4x!tpu.dma_semaphore, #tpu.memory_space<semaphore_mem>> -> memref<1x!tpu.dma_semaphore, #tpu.memory_space<semaphore_mem>>
      %dma_wait3A_151 = tpu.memref_squeeze %dma_wait3A_150 : memref<1x!tpu.dma_semaphore, #tpu.memory_space<semaphore_mem>> -> memref<!tpu.dma_semaphore, #tpu.memory_space<semaphore_mem>>
      tpu.wait_indirect_dma semaphore(%dma_wait3A_151 : memref<!tpu.dma_semaphore, #tpu.memory_space<semaphore_mem>>) src(%dma_wait3A_149 : memref<10240x64xf32, #tpu.memory_space<vmem_shared>>) dst(%dma_wait3A_143 : memref<128x64xf32, #tpu.memory_space<vmem>>)
      %dma_start3A_152 = arith.constant 0 : i32
      %dma_start3A_153 = arith.constant 36 : i32
      %dma_start3A_154 = arith.constant 0 : i32
      %dma_start3A_155 = arith.constant 0 : i32
      %dma_start3A_156 = arith.constant 0 : i32
      %dma_start3A_157 = tpu.memref_slice %arg8[%dma_start3A_152, %dma_start3A_155, %dma_start3A_156] : memref<4x128x64xf32, #tpu.memory_space<vmem>> -> memref<1x128x64xf32, #tpu.memory_space<vmem>>
      %dma_start3A_158 = tpu.memref_squeeze %dma_start3A_157 : memref<1x128x64xf32, #tpu.memory_space<vmem>> -> memref<128x64xf32, #tpu.memory_space<vmem>>
      %dma_start3A_159 = arith.constant 0 : i32
      %dma_start3A_160 = tpu.memref_slice %arg7[%dma_start3A_153, %dma_start3A_159] : memref<40x128xi32, #tpu.memory_space<vmem>> -> memref<1x128xi32, #tpu.memory_space<vmem>>
      %dma_start3A_161 = tpu.memref_squeeze %dma_start3A_160 : memref<1x128xi32, #tpu.memory_space<vmem>> -> memref<128xi32, #tpu.memory_space<vmem>>
      %dma_start3A_162 = arith.constant 0 : i32
      %dma_start3A_163 = arith.constant 0 : i32
      %dma_start3A_164 = tpu.memref_slice %arg9[%dma_start3A_162, %dma_start3A_163] : memref<10240x64xf32, #tpu.memory_space<vmem_shared>> -> memref<10240x64xf32, #tpu.memory_space<vmem_shared>>
      %dma_start3A_165 = tpu.memref_slice %arg12[%dma_start3A_154] : memref<4x!tpu.dma_semaphore, #tpu.memory_space<semaphore_mem>> -> memref<1x!tpu.dma_semaphore, #tpu.memory_space<semaphore_mem>>
      %dma_start3A_166 = tpu.memref_squeeze %dma_start3A_165 : memref<1x!tpu.dma_semaphore, #tpu.memory_space<semaphore_mem>> -> memref<!tpu.dma_semaphore, #tpu.memory_space<semaphore_mem>>
      tpu.enqueue_indirect_dma source(%dma_start3A_158 : memref<128x64xf32, #tpu.memory_space<vmem>>) target(%dma_start3A_164 : memref<10240x64xf32, #tpu.memory_space<vmem_shared>>) offsets(%dma_start3A_161 : memref<128xi32, #tpu.memory_space<vmem>>) semaphore(%dma_start3A_166 : memref<!tpu.dma_semaphore, #tpu.memory_space<semaphore_mem>>) {add = true}
      %dma_wait3A_167 = arith.constant 37 : i32
      %dma_wait3A_168 = arith.constant 1 : i32
      %dma_wait3A_169 = arith.constant 1 : i32
      %dma_wait3A_170 = arith.constant 0 : i32
      %dma_wait3A_171 = arith.constant 0 : i32
      %dma_wait3A_172 = tpu.memref_slice %arg8[%dma_wait3A_168, %dma_wait3A_170, %dma_wait3A_171] : memref<4x128x64xf32, #tpu.memory_space<vmem>> -> memref<1x128x64xf32, #tpu.memory_space<vmem>>
      %dma_wait3A_173 = tpu.memref_squeeze %dma_wait3A_172 : memref<1x128x64xf32, #tpu.memory_space<vmem>> -> memref<128x64xf32, #tpu.memory_space<vmem>>
      %dma_wait3A_174 = arith.constant 0 : i32
      %dma_wait3A_175 = tpu.memref_slice %arg6[%dma_wait3A_167, %dma_wait3A_174] : memref<40x128xi32, #tpu.memory_space<vmem>> -> memref<1x128xi32, #tpu.memory_space<vmem>>
      %dma_wait3A_176 = tpu.memref_squeeze %dma_wait3A_175 : memref<1x128xi32, #tpu.memory_space<vmem>> -> memref<128xi32, #tpu.memory_space<vmem>>
      %dma_wait3A_177 = arith.constant 0 : i32
      %dma_wait3A_178 = arith.constant 0 : i32
      %dma_wait3A_179 = tpu.memref_slice %arg10[%dma_wait3A_177, %dma_wait3A_178] : memref<10240x64xf32, #tpu.memory_space<vmem_shared>> -> memref<10240x64xf32, #tpu.memory_space<vmem_shared>>
      %dma_wait3A_180 = tpu.memref_slice %arg11[%dma_wait3A_169] : memref<4x!tpu.dma_semaphore, #tpu.memory_space<semaphore_mem>> -> memref<1x!tpu.dma_semaphore, #tpu.memory_space<semaphore_mem>>
      %dma_wait3A_181 = tpu.memref_squeeze %dma_wait3A_180 : memref<1x!tpu.dma_semaphore, #tpu.memory_space<semaphore_mem>> -> memref<!tpu.dma_semaphore, #tpu.memory_space<semaphore_mem>>
      tpu.wait_indirect_dma semaphore(%dma_wait3A_181 : memref<!tpu.dma_semaphore, #tpu.memory_space<semaphore_mem>>) src(%dma_wait3A_179 : memref<10240x64xf32, #tpu.memory_space<vmem_shared>>) dst(%dma_wait3A_173 : memref<128x64xf32, #tpu.memory_space<vmem>>)
      %dma_start3A_182 = arith.constant 1 : i32
      %dma_start3A_183 = arith.constant 37 : i32
      %dma_start3A_184 = arith.constant 1 : i32
      %dma_start3A_185 = arith.constant 0 : i32
      %dma_start3A_186 = arith.constant 0 : i32
      %dma_start3A_187 = tpu.memref_slice %arg8[%dma_start3A_182, %dma_start3A_185, %dma_start3A_186] : memref<4x128x64xf32, #tpu.memory_space<vmem>> -> memref<1x128x64xf32, #tpu.memory_space<vmem>>
      %dma_start3A_188 = tpu.memref_squeeze %dma_start3A_187 : memref<1x128x64xf32, #tpu.memory_space<vmem>> -> memref<128x64xf32, #tpu.memory_space<vmem>>
      %dma_start3A_189 = arith.constant 0 : i32
      %dma_start3A_190 = tpu.memref_slice %arg7[%dma_start3A_183, %dma_start3A_189] : memref<40x128xi32, #tpu.memory_space<vmem>> -> memref<1x128xi32, #tpu.memory_space<vmem>>
      %dma_start3A_191 = tpu.memref_squeeze %dma_start3A_190 : memref<1x128xi32, #tpu.memory_space<vmem>> -> memref<128xi32, #tpu.memory_space<vmem>>
      %dma_start3A_192 = arith.constant 0 : i32
      %dma_start3A_193 = arith.constant 0 : i32
      %dma_start3A_194 = tpu.memref_slice %arg9[%dma_start3A_192, %dma_start3A_193] : memref<10240x64xf32, #tpu.memory_space<vmem_shared>> -> memref<10240x64xf32, #tpu.memory_space<vmem_shared>>
      %dma_start3A_195 = tpu.memref_slice %arg12[%dma_start3A_184] : memref<4x!tpu.dma_semaphore, #tpu.memory_space<semaphore_mem>> -> memref<1x!tpu.dma_semaphore, #tpu.memory_space<semaphore_mem>>
      %dma_start3A_196 = tpu.memref_squeeze %dma_start3A_195 : memref<1x!tpu.dma_semaphore, #tpu.memory_space<semaphore_mem>> -> memref<!tpu.dma_semaphore, #tpu.memory_space<semaphore_mem>>
      tpu.enqueue_indirect_dma source(%dma_start3A_188 : memref<128x64xf32, #tpu.memory_space<vmem>>) target(%dma_start3A_194 : memref<10240x64xf32, #tpu.memory_space<vmem_shared>>) offsets(%dma_start3A_191 : memref<128xi32, #tpu.memory_space<vmem>>) semaphore(%dma_start3A_196 : memref<!tpu.dma_semaphore, #tpu.memory_space<semaphore_mem>>) {add = true}
      %dma_wait3A_197 = arith.constant 38 : i32
      %dma_wait3A_198 = arith.constant 2 : i32
      %dma_wait3A_199 = arith.constant 2 : i32
      %dma_wait3A_200 = arith.constant 0 : i32
      %dma_wait3A_201 = arith.constant 0 : i32
      %dma_wait3A_202 = tpu.memref_slice %arg8[%dma_wait3A_198, %dma_wait3A_200, %dma_wait3A_201] : memref<4x128x64xf32, #tpu.memory_space<vmem>> -> memref<1x128x64xf32, #tpu.memory_space<vmem>>
      %dma_wait3A_203 = tpu.memref_squeeze %dma_wait3A_202 : memref<1x128x64xf32, #tpu.memory_space<vmem>> -> memref<128x64xf32, #tpu.memory_space<vmem>>
      %dma_wait3A_204 = arith.constant 0 : i32
      %dma_wait3A_205 = tpu.memref_slice %arg6[%dma_wait3A_197, %dma_wait3A_204] : memref<40x128xi32, #tpu.memory_space<vmem>> -> memref<1x128xi32, #tpu.memory_space<vmem>>
      %dma_wait3A_206 = tpu.memref_squeeze %dma_wait3A_205 : memref<1x128xi32, #tpu.memory_space<vmem>> -> memref<128xi32, #tpu.memory_space<vmem>>
      %dma_wait3A_207 = arith.constant 0 : i32
      %dma_wait3A_208 = arith.constant 0 : i32
      %dma_wait3A_209 = tpu.memref_slice %arg10[%dma_wait3A_207, %dma_wait3A_208] : memref<10240x64xf32, #tpu.memory_space<vmem_shared>> -> memref<10240x64xf32, #tpu.memory_space<vmem_shared>>
      %dma_wait3A_210 = tpu.memref_slice %arg11[%dma_wait3A_199] : memref<4x!tpu.dma_semaphore, #tpu.memory_space<semaphore_mem>> -> memref<1x!tpu.dma_semaphore, #tpu.memory_space<semaphore_mem>>
      %dma_wait3A_211 = tpu.memref_squeeze %dma_wait3A_210 : memref<1x!tpu.dma_semaphore, #tpu.memory_space<semaphore_mem>> -> memref<!tpu.dma_semaphore, #tpu.memory_space<semaphore_mem>>
      tpu.wait_indirect_dma semaphore(%dma_wait3A_211 : memref<!tpu.dma_semaphore, #tpu.memory_space<semaphore_mem>>) src(%dma_wait3A_209 : memref<10240x64xf32, #tpu.memory_space<vmem_shared>>) dst(%dma_wait3A_203 : memref<128x64xf32, #tpu.memory_space<vmem>>)
      %dma_start3A_212 = arith.constant 2 : i32
      %dma_start3A_213 = arith.constant 38 : i32
      %dma_start3A_214 = arith.constant 2 : i32
      %dma_start3A_215 = arith.constant 0 : i32
      %dma_start3A_216 = arith.constant 0 : i32
      %dma_start3A_217 = tpu.memref_slice %arg8[%dma_start3A_212, %dma_start3A_215, %dma_start3A_216] : memref<4x128x64xf32, #tpu.memory_space<vmem>> -> memref<1x128x64xf32, #tpu.memory_space<vmem>>
      %dma_start3A_218 = tpu.memref_squeeze %dma_start3A_217 : memref<1x128x64xf32, #tpu.memory_space<vmem>> -> memref<128x64xf32, #tpu.memory_space<vmem>>
      %dma_start3A_219 = arith.constant 0 : i32
      %dma_start3A_220 = tpu.memref_slice %arg7[%dma_start3A_213, %dma_start3A_219] : memref<40x128xi32, #tpu.memory_space<vmem>> -> memref<1x128xi32, #tpu.memory_space<vmem>>
      %dma_start3A_221 = tpu.memref_squeeze %dma_start3A_220 : memref<1x128xi32, #tpu.memory_space<vmem>> -> memref<128xi32, #tpu.memory_space<vmem>>
      %dma_start3A_222 = arith.constant 0 : i32
      %dma_start3A_223 = arith.constant 0 : i32
      %dma_start3A_224 = tpu.memref_slice %arg9[%dma_start3A_222, %dma_start3A_223] : memref<10240x64xf32, #tpu.memory_space<vmem_shared>> -> memref<10240x64xf32, #tpu.memory_space<vmem_shared>>
      %dma_start3A_225 = tpu.memref_slice %arg12[%dma_start3A_214] : memref<4x!tpu.dma_semaphore, #tpu.memory_space<semaphore_mem>> -> memref<1x!tpu.dma_semaphore, #tpu.memory_space<semaphore_mem>>
      %dma_start3A_226 = tpu.memref_squeeze %dma_start3A_225 : memref<1x!tpu.dma_semaphore, #tpu.memory_space<semaphore_mem>> -> memref<!tpu.dma_semaphore, #tpu.memory_space<semaphore_mem>>
      tpu.enqueue_indirect_dma source(%dma_start3A_218 : memref<128x64xf32, #tpu.memory_space<vmem>>) target(%dma_start3A_224 : memref<10240x64xf32, #tpu.memory_space<vmem_shared>>) offsets(%dma_start3A_221 : memref<128xi32, #tpu.memory_space<vmem>>) semaphore(%dma_start3A_226 : memref<!tpu.dma_semaphore, #tpu.memory_space<semaphore_mem>>) {add = true}
      %dma_wait3A_227 = arith.constant 39 : i32
      %dma_wait3A_228 = arith.constant 3 : i32
      %dma_wait3A_229 = arith.constant 3 : i32
      %dma_wait3A_230 = arith.constant 0 : i32
      %dma_wait3A_231 = arith.constant 0 : i32
      %dma_wait3A_232 = tpu.memref_slice %arg8[%dma_wait3A_228, %dma_wait3A_230, %dma_wait3A_231] : memref<4x128x64xf32, #tpu.memory_space<vmem>> -> memref<1x128x64xf32, #tpu.memory_space<vmem>>
      %dma_wait3A_233 = tpu.memref_squeeze %dma_wait3A_232 : memref<1x128x64xf32, #tpu.memory_space<vmem>> -> memref<128x64xf32, #tpu.memory_space<vmem>>
      %dma_wait3A_234 = arith.constant 0 : i32
      %dma_wait3A_235 = tpu.memref_slice %arg6[%dma_wait3A_227, %dma_wait3A_234] : memref<40x128xi32, #tpu.memory_space<vmem>> -> memref<1x128xi32, #tpu.memory_space<vmem>>
      %dma_wait3A_236 = tpu.memref_squeeze %dma_wait3A_235 : memref<1x128xi32, #tpu.memory_space<vmem>> -> memref<128xi32, #tpu.memory_space<vmem>>
      %dma_wait3A_237 = arith.constant 0 : i32
      %dma_wait3A_238 = arith.constant 0 : i32
      %dma_wait3A_239 = tpu.memref_slice %arg10[%dma_wait3A_237, %dma_wait3A_238] : memref<10240x64xf32, #tpu.memory_space<vmem_shared>> -> memref<10240x64xf32, #tpu.memory_space<vmem_shared>>
      %dma_wait3A_240 = tpu.memref_slice %arg11[%dma_wait3A_229] : memref<4x!tpu.dma_semaphore, #tpu.memory_space<semaphore_mem>> -> memref<1x!tpu.dma_semaphore, #tpu.memory_space<semaphore_mem>>
      %dma_wait3A_241 = tpu.memref_squeeze %dma_wait3A_240 : memref<1x!tpu.dma_semaphore, #tpu.memory_space<semaphore_mem>> -> memref<!tpu.dma_semaphore, #tpu.memory_space<semaphore_mem>>
      tpu.wait_indirect_dma semaphore(%dma_wait3A_241 : memref<!tpu.dma_semaphore, #tpu.memory_space<semaphore_mem>>) src(%dma_wait3A_239 : memref<10240x64xf32, #tpu.memory_space<vmem_shared>>) dst(%dma_wait3A_233 : memref<128x64xf32, #tpu.memory_space<vmem>>)
      %dma_start3A_242 = arith.constant 3 : i32
      %dma_start3A_243 = arith.constant 39 : i32
      %dma_start3A_244 = arith.constant 3 : i32
      %dma_start3A_245 = arith.constant 0 : i32
      %dma_start3A_246 = arith.constant 0 : i32
      %dma_start3A_247 = tpu.memref_slice %arg8[%dma_start3A_242, %dma_start3A_245, %dma_start3A_246] : memref<4x128x64xf32, #tpu.memory_space<vmem>> -> memref<1x128x64xf32, #tpu.memory_space<vmem>>
      %dma_start3A_248 = tpu.memref_squeeze %dma_start3A_247 : memref<1x128x64xf32, #tpu.memory_space<vmem>> -> memref<128x64xf32, #tpu.memory_space<vmem>>
      %dma_start3A_249 = arith.constant 0 : i32
      %dma_start3A_250 = tpu.memref_slice %arg7[%dma_start3A_243, %dma_start3A_249] : memref<40x128xi32, #tpu.memory_space<vmem>> -> memref<1x128xi32, #tpu.memory_space<vmem>>
      %dma_start3A_251 = tpu.memref_squeeze %dma_start3A_250 : memref<1x128xi32, #tpu.memory_space<vmem>> -> memref<128xi32, #tpu.memory_space<vmem>>
      %dma_start3A_252 = arith.constant 0 : i32
      %dma_start3A_253 = arith.constant 0 : i32
      %dma_start3A_254 = tpu.memref_slice %arg9[%dma_start3A_252, %dma_start3A_253] : memref<10240x64xf32, #tpu.memory_space<vmem_shared>> -> memref<10240x64xf32, #tpu.memory_space<vmem_shared>>
      %dma_start3A_255 = tpu.memref_slice %arg12[%dma_start3A_244] : memref<4x!tpu.dma_semaphore, #tpu.memory_space<semaphore_mem>> -> memref<1x!tpu.dma_semaphore, #tpu.memory_space<semaphore_mem>>
      %dma_start3A_256 = tpu.memref_squeeze %dma_start3A_255 : memref<1x!tpu.dma_semaphore, #tpu.memory_space<semaphore_mem>> -> memref<!tpu.dma_semaphore, #tpu.memory_space<semaphore_mem>>
      tpu.enqueue_indirect_dma source(%dma_start3A_248 : memref<128x64xf32, #tpu.memory_space<vmem>>) target(%dma_start3A_254 : memref<10240x64xf32, #tpu.memory_space<vmem_shared>>) offsets(%dma_start3A_251 : memref<128xi32, #tpu.memory_space<vmem>>) semaphore(%dma_start3A_256 : memref<!tpu.dma_semaphore, #tpu.memory_space<semaphore_mem>>) {add = true}
      %dma_wait3A_257 = arith.constant 0 : i32
      %dma_wait3A_258 = arith.constant 36 : i32
      %dma_wait3A_259 = arith.constant 0 : i32
      %dma_wait3A_260 = arith.constant 0 : i32
      %dma_wait3A_261 = arith.constant 0 : i32
      %dma_wait3A_262 = tpu.memref_slice %arg8[%dma_wait3A_257, %dma_wait3A_260, %dma_wait3A_261] : memref<4x128x64xf32, #tpu.memory_space<vmem>> -> memref<1x128x64xf32, #tpu.memory_space<vmem>>
      %dma_wait3A_263 = tpu.memref_squeeze %dma_wait3A_262 : memref<1x128x64xf32, #tpu.memory_space<vmem>> -> memref<128x64xf32, #tpu.memory_space<vmem>>
      %dma_wait3A_264 = arith.constant 0 : i32
      %dma_wait3A_265 = tpu.memref_slice %arg7[%dma_wait3A_258, %dma_wait3A_264] : memref<40x128xi32, #tpu.memory_space<vmem>> -> memref<1x128xi32, #tpu.memory_space<vmem>>
      %dma_wait3A_266 = tpu.memref_squeeze %dma_wait3A_265 : memref<1x128xi32, #tpu.memory_space<vmem>> -> memref<128xi32, #tpu.memory_space<vmem>>
      %dma_wait3A_267 = arith.constant 0 : i32
      %dma_wait3A_268 = arith.constant 0 : i32
      %dma_wait3A_269 = tpu.memref_slice %arg9[%dma_wait3A_267, %dma_wait3A_268] : memref<10240x64xf32, #tpu.memory_space<vmem_shared>> -> memref<10240x64xf32, #tpu.memory_space<vmem_shared>>
      %dma_wait3A_270 = tpu.memref_slice %arg12[%dma_wait3A_259] : memref<4x!tpu.dma_semaphore, #tpu.memory_space<semaphore_mem>> -> memref<1x!tpu.dma_semaphore, #tpu.memory_space<semaphore_mem>>
      %dma_wait3A_271 = tpu.memref_squeeze %dma_wait3A_270 : memref<1x!tpu.dma_semaphore, #tpu.memory_space<semaphore_mem>> -> memref<!tpu.dma_semaphore, #tpu.memory_space<semaphore_mem>>
      tpu.wait_indirect_dma semaphore(%dma_wait3A_271 : memref<!tpu.dma_semaphore, #tpu.memory_space<semaphore_mem>>) src(%dma_wait3A_263 : memref<128x64xf32, #tpu.memory_space<vmem>>) dst(%dma_wait3A_269 : memref<10240x64xf32, #tpu.memory_space<vmem_shared>>)
      %dma_wait3A_272 = arith.constant 1 : i32
      %dma_wait3A_273 = arith.constant 37 : i32
      %dma_wait3A_274 = arith.constant 1 : i32
      %dma_wait3A_275 = arith.constant 0 : i32
      %dma_wait3A_276 = arith.constant 0 : i32
      %dma_wait3A_277 = tpu.memref_slice %arg8[%dma_wait3A_272, %dma_wait3A_275, %dma_wait3A_276] : memref<4x128x64xf32, #tpu.memory_space<vmem>> -> memref<1x128x64xf32, #tpu.memory_space<vmem>>
      %dma_wait3A_278 = tpu.memref_squeeze %dma_wait3A_277 : memref<1x128x64xf32, #tpu.memory_space<vmem>> -> memref<128x64xf32, #tpu.memory_space<vmem>>
      %dma_wait3A_279 = arith.constant 0 : i32
      %dma_wait3A_280 = tpu.memref_slice %arg7[%dma_wait3A_273, %dma_wait3A_279] : memref<40x128xi32, #tpu.memory_space<vmem>> -> memref<1x128xi32, #tpu.memory_space<vmem>>
      %dma_wait3A_281 = tpu.memref_squeeze %dma_wait3A_280 : memref<1x128xi32, #tpu.memory_space<vmem>> -> memref<128xi32, #tpu.memory_space<vmem>>
      %dma_wait3A_282 = arith.constant 0 : i32
      %dma_wait3A_283 = arith.constant 0 : i32
      %dma_wait3A_284 = tpu.memref_slice %arg9[%dma_wait3A_282, %dma_wait3A_283] : memref<10240x64xf32, #tpu.memory_space<vmem_shared>> -> memref<10240x64xf32, #tpu.memory_space<vmem_shared>>
      %dma_wait3A_285 = tpu.memref_slice %arg12[%dma_wait3A_274] : memref<4x!tpu.dma_semaphore, #tpu.memory_space<semaphore_mem>> -> memref<1x!tpu.dma_semaphore, #tpu.memory_space<semaphore_mem>>
      %dma_wait3A_286 = tpu.memref_squeeze %dma_wait3A_285 : memref<1x!tpu.dma_semaphore, #tpu.memory_space<semaphore_mem>> -> memref<!tpu.dma_semaphore, #tpu.memory_space<semaphore_mem>>
      tpu.wait_indirect_dma semaphore(%dma_wait3A_286 : memref<!tpu.dma_semaphore, #tpu.memory_space<semaphore_mem>>) src(%dma_wait3A_278 : memref<128x64xf32, #tpu.memory_space<vmem>>) dst(%dma_wait3A_284 : memref<10240x64xf32, #tpu.memory_space<vmem_shared>>)
      %dma_wait3A_287 = arith.constant 2 : i32
      %dma_wait3A_288 = arith.constant 38 : i32
      %dma_wait3A_289 = arith.constant 2 : i32
      %dma_wait3A_290 = arith.constant 0 : i32
      %dma_wait3A_291 = arith.constant 0 : i32
      %dma_wait3A_292 = tpu.memref_slice %arg8[%dma_wait3A_287, %dma_wait3A_290, %dma_wait3A_291] : memref<4x128x64xf32, #tpu.memory_space<vmem>> -> memref<1x128x64xf32, #tpu.memory_space<vmem>>
      %dma_wait3A_293 = tpu.memref_squeeze %dma_wait3A_292 : memref<1x128x64xf32, #tpu.memory_space<vmem>> -> memref<128x64xf32, #tpu.memory_space<vmem>>
      %dma_wait3A_294 = arith.constant 0 : i32
      %dma_wait3A_295 = tpu.memref_slice %arg7[%dma_wait3A_288, %dma_wait3A_294] : memref<40x128xi32, #tpu.memory_space<vmem>> -> memref<1x128xi32, #tpu.memory_space<vmem>>
      %dma_wait3A_296 = tpu.memref_squeeze %dma_wait3A_295 : memref<1x128xi32, #tpu.memory_space<vmem>> -> memref<128xi32, #tpu.memory_space<vmem>>
      %dma_wait3A_297 = arith.constant 0 : i32
      %dma_wait3A_298 = arith.constant 0 : i32
      %dma_wait3A_299 = tpu.memref_slice %arg9[%dma_wait3A_297, %dma_wait3A_298] : memref<10240x64xf32, #tpu.memory_space<vmem_shared>> -> memref<10240x64xf32, #tpu.memory_space<vmem_shared>>
      %dma_wait3A_300 = tpu.memref_slice %arg12[%dma_wait3A_289] : memref<4x!tpu.dma_semaphore, #tpu.memory_space<semaphore_mem>> -> memref<1x!tpu.dma_semaphore, #tpu.memory_space<semaphore_mem>>
      %dma_wait3A_301 = tpu.memref_squeeze %dma_wait3A_300 : memref<1x!tpu.dma_semaphore, #tpu.memory_space<semaphore_mem>> -> memref<!tpu.dma_semaphore, #tpu.memory_space<semaphore_mem>>
      tpu.wait_indirect_dma semaphore(%dma_wait3A_301 : memref<!tpu.dma_semaphore, #tpu.memory_space<semaphore_mem>>) src(%dma_wait3A_293 : memref<128x64xf32, #tpu.memory_space<vmem>>) dst(%dma_wait3A_299 : memref<10240x64xf32, #tpu.memory_space<vmem_shared>>)
      %dma_wait3A_302 = arith.constant 3 : i32
      %dma_wait3A_303 = arith.constant 39 : i32
      %dma_wait3A_304 = arith.constant 3 : i32
      %dma_wait3A_305 = arith.constant 0 : i32
      %dma_wait3A_306 = arith.constant 0 : i32
      %dma_wait3A_307 = tpu.memref_slice %arg8[%dma_wait3A_302, %dma_wait3A_305, %dma_wait3A_306] : memref<4x128x64xf32, #tpu.memory_space<vmem>> -> memref<1x128x64xf32, #tpu.memory_space<vmem>>
      %dma_wait3A_308 = tpu.memref_squeeze %dma_wait3A_307 : memref<1x128x64xf32, #tpu.memory_space<vmem>> -> memref<128x64xf32, #tpu.memory_space<vmem>>
      %dma_wait3A_309 = arith.constant 0 : i32
      %dma_wait3A_310 = tpu.memref_slice %arg7[%dma_wait3A_303, %dma_wait3A_309] : memref<40x128xi32, #tpu.memory_space<vmem>> -> memref<1x128xi32, #tpu.memory_space<vmem>>
      %dma_wait3A_311 = tpu.memref_squeeze %dma_wait3A_310 : memref<1x128xi32, #tpu.memory_space<vmem>> -> memref<128xi32, #tpu.memory_space<vmem>>
      %dma_wait3A_312 = arith.constant 0 : i32
      %dma_wait3A_313 = arith.constant 0 : i32
      %dma_wait3A_314 = tpu.memref_slice %arg9[%dma_wait3A_312, %dma_wait3A_313] : memref<10240x64xf32, #tpu.memory_space<vmem_shared>> -> memref<10240x64xf32, #tpu.memory_space<vmem_shared>>
      %dma_wait3A_315 = tpu.memref_slice %arg12[%dma_wait3A_304] : memref<4x!tpu.dma_semaphore, #tpu.memory_space<semaphore_mem>> -> memref<1x!tpu.dma_semaphore, #tpu.memory_space<semaphore_mem>>
      %dma_wait3A_316 = tpu.memref_squeeze %dma_wait3A_315 : memref<1x!tpu.dma_semaphore, #tpu.memory_space<semaphore_mem>> -> memref<!tpu.dma_semaphore, #tpu.memory_space<semaphore_mem>>
      tpu.wait_indirect_dma semaphore(%dma_wait3A_316 : memref<!tpu.dma_semaphore, #tpu.memory_space<semaphore_mem>>) src(%dma_wait3A_308 : memref<128x64xf32, #tpu.memory_space<vmem>>) dst(%dma_wait3A_314 : memref<10240x64xf32, #tpu.memory_space<vmem_shared>>)
    }
    %scan3A_35 = arith.constant 2 : i32
    %barrier3A_36 = arith.constant 0 : index
    tpu.barrier barrier_id(%barrier3A_36)
    %mul3A_37 = arith.constant 640 : i32
    %mul3A_38 = arith.muli %arg1, %mul3A_37 : i32
    %add3A_39 = arith.constant 0 : i32
    %add3A_40 = arith.addi %mul3A_38, %add3A_39 : i32
    %run_scoped3A_41 = arith.constant 0 : i32
    "tpu.region"() ({
      %run_scoped3A_67 = tpu.sem_alloc : memref<!tpu.dma_semaphore, #tpu.memory_space<semaphore_mem>>
      %dma_start3A = arith.constant 0 : i32
      %dma_start3A_68 = arith.constant 0 : i32
      %dma_start3A_69 = tpu.memref_slice %arg8[%run_scoped3A_41, %dma_start3A, %dma_start3A_68] : memref<4x128x64xf32, #tpu.memory_space<vmem>> -> memref<1x128x64xf32, #tpu.memory_space<vmem>>
      %dma_start3A_70 = tpu.memref_squeeze %dma_start3A_69 : memref<1x128x64xf32, #tpu.memory_space<vmem>> -> memref<128x64xf32, #tpu.memory_space<vmem>>
      %dma_start3A_71 = arith.constant 0 : i32
      %dma_start3A_72 = tpu.memref_slice %arg9[%add3A_40, %dma_start3A_71] : memref<10240x64xf32, #tpu.memory_space<vmem_shared>> -> memref<128x64xf32, #tpu.memory_space<vmem_shared>>
      %dma_start3A_73 = arith.constant 0 : i32
      %dma_start3A_74 = arith.constant 0 : i32
      %dma_start3A_75 = tpu.memref_slice %arg8[%run_scoped3A_41, %dma_start3A_73, %dma_start3A_74] : memref<4x128x64xf32, #tpu.memory_space<vmem>> -> memref<1x128x64xf32, #tpu.memory_space<vmem>>
      %dma_start3A_76 = tpu.memref_squeeze %dma_start3A_75 : memref<1x128x64xf32, #tpu.memory_space<vmem>> -> memref<128x64xf32, #tpu.memory_space<vmem>>
      %dma_start3A_77 = arith.constant 0 : i32
      %dma_start3A_78 = tpu.memref_slice %arg9[%add3A_40, %dma_start3A_77] : memref<10240x64xf32, #tpu.memory_space<vmem_shared>> -> memref<128x64xf32, #tpu.memory_space<vmem_shared>>
      tpu.enqueue_dma source(%dma_start3A_78 : memref<128x64xf32, #tpu.memory_space<vmem_shared>>) target(%dma_start3A_76 : memref<128x64xf32, #tpu.memory_space<vmem>>) target_semaphore(%run_scoped3A_67 : memref<!tpu.dma_semaphore, #tpu.memory_space<semaphore_mem>>)
      %dma_wait3A = arith.constant 0 : i32
      %dma_wait3A_79 = arith.constant 0 : i32
      %dma_wait3A_80 = tpu.memref_slice %arg8[%run_scoped3A_41, %dma_wait3A, %dma_wait3A_79] : memref<4x128x64xf32, #tpu.memory_space<vmem>> -> memref<1x128x64xf32, #tpu.memory_space<vmem>>
      %dma_wait3A_81 = tpu.memref_squeeze %dma_wait3A_80 : memref<1x128x64xf32, #tpu.memory_space<vmem>> -> memref<128x64xf32, #tpu.memory_space<vmem>>
      %dma_wait3A_82 = arith.constant 0 : i32
      %dma_wait3A_83 = tpu.memref_slice %arg9[%add3A_40, %dma_wait3A_82] : memref<10240x64xf32, #tpu.memory_space<vmem_shared>> -> memref<128x64xf32, #tpu.memory_space<vmem_shared>>
      %dma_wait3A_84 = arith.constant 0 : i32
      %dma_wait3A_85 = arith.constant 0 : i32
      %dma_wait3A_86 = tpu.memref_slice %arg8[%run_scoped3A_41, %dma_wait3A_84, %dma_wait3A_85] : memref<4x128x64xf32, #tpu.memory_space<vmem>> -> memref<1x128x64xf32, #tpu.memory_space<vmem>>
      %dma_wait3A_87 = tpu.memref_squeeze %dma_wait3A_86 : memref<1x128x64xf32, #tpu.memory_space<vmem>> -> memref<128x64xf32, #tpu.memory_space<vmem>>
      %dma_wait3A_88 = arith.constant 0 : i32
      %dma_wait3A_89 = tpu.memref_slice %arg9[%add3A_40, %dma_wait3A_88] : memref<10240x64xf32, #tpu.memory_space<vmem_shared>> -> memref<128x64xf32, #tpu.memory_space<vmem_shared>>
      tpu.wait_dma2 semaphore(%run_scoped3A_67 : memref<!tpu.dma_semaphore, #tpu.memory_space<semaphore_mem>>) src(%dma_wait3A_89 : memref<128x64xf32, #tpu.memory_space<vmem_shared>>) dst(%dma_wait3A_87 : memref<128x64xf32, #tpu.memory_space<vmem>>)
      tpu.yield
    }) : () -> ()
    %run_scoped3A_42 = arith.constant 0 : i32
    "tpu.region"() ({
      %run_scoped3A_67 = tpu.sem_alloc : memref<!tpu.dma_semaphore, #tpu.memory_space<semaphore_mem>>
      %dma_start3A = arith.constant 0 : i32
      %dma_start3A_68 = arith.constant 0 : i32
      %dma_start3A_69 = tpu.memref_slice %arg8[%run_scoped3A_42, %dma_start3A, %dma_start3A_68] : memref<4x128x64xf32, #tpu.memory_space<vmem>> -> memref<1x128x64xf32, #tpu.memory_space<vmem>>
      %dma_start3A_70 = tpu.memref_squeeze %dma_start3A_69 : memref<1x128x64xf32, #tpu.memory_space<vmem>> -> memref<128x64xf32, #tpu.memory_space<vmem>>
      %dma_start3A_71 = arith.constant 0 : i32
      %dma_start3A_72 = arith.constant 0 : i32
      %dma_start3A_73 = tpu.memref_slice %arg5[%arg0, %dma_start3A_71, %dma_start3A_72] : memref<2x10240x64xf32, #tpu.memory_space<hbm>> -> memref<1x10240x64xf32, #tpu.memory_space<hbm>>
      %dma_start3A_74 = tpu.memref_squeeze %dma_start3A_73 : memref<1x10240x64xf32, #tpu.memory_space<hbm>> -> memref<10240x64xf32, #tpu.memory_space<hbm>>
      %dma_start3A_75 = arith.constant 0 : i32
      %dma_start3A_76 = tpu.memref_slice %dma_start3A_74[%add3A_40, %dma_start3A_75] : memref<10240x64xf32, #tpu.memory_space<hbm>> -> memref<128x64xf32, #tpu.memory_space<hbm>>
      %dma_start3A_77 = arith.constant 0 : i32
      %dma_start3A_78 = arith.constant 0 : i32
      %dma_start3A_79 = tpu.memref_slice %arg5[%arg0, %dma_start3A_77, %dma_start3A_78] : memref<2x10240x64xf32, #tpu.memory_space<hbm>> -> memref<1x10240x64xf32, #tpu.memory_space<hbm>>
      %dma_start3A_80 = tpu.memref_squeeze %dma_start3A_79 : memref<1x10240x64xf32, #tpu.memory_space<hbm>> -> memref<10240x64xf32, #tpu.memory_space<hbm>>
      %dma_start3A_81 = arith.constant 0 : i32
      %dma_start3A_82 = tpu.memref_slice %dma_start3A_80[%add3A_40, %dma_start3A_81] : memref<10240x64xf32, #tpu.memory_space<hbm>> -> memref<128x64xf32, #tpu.memory_space<hbm>>
      %dma_start3A_83 = arith.constant 0 : i32
      %dma_start3A_84 = arith.constant 0 : i32
      %dma_start3A_85 = tpu.memref_slice %arg8[%run_scoped3A_42, %dma_start3A_83, %dma_start3A_84] : memref<4x128x64xf32, #tpu.memory_space<vmem>> -> memref<1x128x64xf32, #tpu.memory_space<vmem>>
      %dma_start3A_86 = tpu.memref_squeeze %dma_start3A_85 : memref<1x128x64xf32, #tpu.memory_space<vmem>> -> memref<128x64xf32, #tpu.memory_space<vmem>>
      tpu.enqueue_dma source(%dma_start3A_86 : memref<128x64xf32, #tpu.memory_space<vmem>>) target(%dma_start3A_82 : memref<128x64xf32, #tpu.memory_space<hbm>>) target_semaphore(%run_scoped3A_67 : memref<!tpu.dma_semaphore, #tpu.memory_space<semaphore_mem>>)
      %dma_wait3A = arith.constant 0 : i32
      %dma_wait3A_87 = arith.constant 0 : i32
      %dma_wait3A_88 = tpu.memref_slice %arg8[%run_scoped3A_42, %dma_wait3A, %dma_wait3A_87] : memref<4x128x64xf32, #tpu.memory_space<vmem>> -> memref<1x128x64xf32, #tpu.memory_space<vmem>>
      %dma_wait3A_89 = tpu.memref_squeeze %dma_wait3A_88 : memref<1x128x64xf32, #tpu.memory_space<vmem>> -> memref<128x64xf32, #tpu.memory_space<vmem>>
      %dma_wait3A_90 = arith.constant 0 : i32
      %dma_wait3A_91 = arith.constant 0 : i32
      %dma_wait3A_92 = tpu.memref_slice %arg5[%arg0, %dma_wait3A_90, %dma_wait3A_91] : memref<2x10240x64xf32, #tpu.memory_space<hbm>> -> memref<1x10240x64xf32, #tpu.memory_space<hbm>>
      %dma_wait3A_93 = tpu.memref_squeeze %dma_wait3A_92 : memref<1x10240x64xf32, #tpu.memory_space<hbm>> -> memref<10240x64xf32, #tpu.memory_space<hbm>>
      %dma_wait3A_94 = arith.constant 0 : i32
      %dma_wait3A_95 = tpu.memref_slice %dma_wait3A_93[%add3A_40, %dma_wait3A_94] : memref<10240x64xf32, #tpu.memory_space<hbm>> -> memref<128x64xf32, #tpu.memory_space<hbm>>
      %dma_wait3A_96 = arith.constant 0 : i32
      %dma_wait3A_97 = arith.constant 0 : i32
      %dma_wait3A_98 = tpu.memref_slice %arg5[%arg0, %dma_wait3A_96, %dma_wait3A_97] : memref<2x10240x64xf32, #tpu.memory_space<hbm>> -> memref<1x10240x64xf32, #tpu.memory_space<hbm>>
      %dma_wait3A_99 = tpu.memref_squeeze %dma_wait3A_98 : memref<1x10240x64xf32, #tpu.memory_space<hbm>> -> memref<10240x64xf32, #tpu.memory_space<hbm>>
      %dma_wait3A_100 = arith.constant 0 : i32
      %dma_wait3A_101 = tpu.memref_slice %dma_wait3A_99[%add3A_40, %dma_wait3A_100] : memref<10240x64xf32, #tpu.memory_space<hbm>> -> memref<128x64xf32, #tpu.memory_space<hbm>>
      %dma_wait3A_102 = arith.constant 0 : i32
      %dma_wait3A_103 = arith.constant 0 : i32
      %dma_wait3A_104 = tpu.memref_slice %arg8[%run_scoped3A_42, %dma_wait3A_102, %dma_wait3A_103] : memref<4x128x64xf32, #tpu.memory_space<vmem>> -> memref<1x128x64xf32, #tpu.memory_space<vmem>>
      %dma_wait3A_105 = tpu.memref_squeeze %dma_wait3A_104 : memref<1x128x64xf32, #tpu.memory_space<vmem>> -> memref<128x64xf32, #tpu.memory_space<vmem>>
      tpu.wait_dma2 semaphore(%run_scoped3A_67 : memref<!tpu.dma_semaphore, #tpu.memory_space<semaphore_mem>>) src(%dma_wait3A_105 : memref<128x64xf32, #tpu.memory_space<vmem>>) dst(%dma_wait3A_101 : memref<128x64xf32, #tpu.memory_space<hbm>>)
      tpu.yield
    }) : () -> ()
    %mul3A_43 = arith.constant 640 : i32
    %mul3A_44 = arith.muli %arg1, %mul3A_43 : i32
    %add3A_45 = arith.constant 128 : i32
    %add3A_46 = arith.addi %mul3A_44, %add3A_45 : i32
    %run_scoped3A_47 = arith.constant 1 : i32
    "tpu.region"() ({
      %run_scoped3A_67 = tpu.sem_alloc : memref<!tpu.dma_semaphore, #tpu.memory_space<semaphore_mem>>
      %dma_start3A = arith.constant 0 : i32
      %dma_start3A_68 = arith.constant 0 : i32
      %dma_start3A_69 = tpu.memref_slice %arg8[%run_scoped3A_47, %dma_start3A, %dma_start3A_68] : memref<4x128x64xf32, #tpu.memory_space<vmem>> -> memref<1x128x64xf32, #tpu.memory_space<vmem>>
      %dma_start3A_70 = tpu.memref_squeeze %dma_start3A_69 : memref<1x128x64xf32, #tpu.memory_space<vmem>> -> memref<128x64xf32, #tpu.memory_space<vmem>>
      %dma_start3A_71 = arith.constant 0 : i32
      %dma_start3A_72 = tpu.memref_slice %arg9[%add3A_46, %dma_start3A_71] : memref<10240x64xf32, #tpu.memory_space<vmem_shared>> -> memref<128x64xf32, #tpu.memory_space<vmem_shared>>
      %dma_start3A_73 = arith.constant 0 : i32
      %dma_start3A_74 = arith.constant 0 : i32
      %dma_start3A_75 = tpu.memref_slice %arg8[%run_scoped3A_47, %dma_start3A_73, %dma_start3A_74] : memref<4x128x64xf32, #tpu.memory_space<vmem>> -> memref<1x128x64xf32, #tpu.memory_space<vmem>>
      %dma_start3A_76 = tpu.memref_squeeze %dma_start3A_75 : memref<1x128x64xf32, #tpu.memory_space<vmem>> -> memref<128x64xf32, #tpu.memory_space<vmem>>
      %dma_start3A_77 = arith.constant 0 : i32
      %dma_start3A_78 = tpu.memref_slice %arg9[%add3A_46, %dma_start3A_77] : memref<10240x64xf32, #tpu.memory_space<vmem_shared>> -> memref<128x64xf32, #tpu.memory_space<vmem_shared>>
      tpu.enqueue_dma source(%dma_start3A_78 : memref<128x64xf32, #tpu.memory_space<vmem_shared>>) target(%dma_start3A_76 : memref<128x64xf32, #tpu.memory_space<vmem>>) target_semaphore(%run_scoped3A_67 : memref<!tpu.dma_semaphore, #tpu.memory_space<semaphore_mem>>)
      %dma_wait3A = arith.constant 0 : i32
      %dma_wait3A_79 = arith.constant 0 : i32
      %dma_wait3A_80 = tpu.memref_slice %arg8[%run_scoped3A_47, %dma_wait3A, %dma_wait3A_79] : memref<4x128x64xf32, #tpu.memory_space<vmem>> -> memref<1x128x64xf32, #tpu.memory_space<vmem>>
      %dma_wait3A_81 = tpu.memref_squeeze %dma_wait3A_80 : memref<1x128x64xf32, #tpu.memory_space<vmem>> -> memref<128x64xf32, #tpu.memory_space<vmem>>
      %dma_wait3A_82 = arith.constant 0 : i32
      %dma_wait3A_83 = tpu.memref_slice %arg9[%add3A_46, %dma_wait3A_82] : memref<10240x64xf32, #tpu.memory_space<vmem_shared>> -> memref<128x64xf32, #tpu.memory_space<vmem_shared>>
      %dma_wait3A_84 = arith.constant 0 : i32
      %dma_wait3A_85 = arith.constant 0 : i32
      %dma_wait3A_86 = tpu.memref_slice %arg8[%run_scoped3A_47, %dma_wait3A_84, %dma_wait3A_85] : memref<4x128x64xf32, #tpu.memory_space<vmem>> -> memref<1x128x64xf32, #tpu.memory_space<vmem>>
      %dma_wait3A_87 = tpu.memref_squeeze %dma_wait3A_86 : memref<1x128x64xf32, #tpu.memory_space<vmem>> -> memref<128x64xf32, #tpu.memory_space<vmem>>
      %dma_wait3A_88 = arith.constant 0 : i32
      %dma_wait3A_89 = tpu.memref_slice %arg9[%add3A_46, %dma_wait3A_88] : memref<10240x64xf32, #tpu.memory_space<vmem_shared>> -> memref<128x64xf32, #tpu.memory_space<vmem_shared>>
      tpu.wait_dma2 semaphore(%run_scoped3A_67 : memref<!tpu.dma_semaphore, #tpu.memory_space<semaphore_mem>>) src(%dma_wait3A_89 : memref<128x64xf32, #tpu.memory_space<vmem_shared>>) dst(%dma_wait3A_87 : memref<128x64xf32, #tpu.memory_space<vmem>>)
      tpu.yield
    }) : () -> ()
    %run_scoped3A_48 = arith.constant 1 : i32
    "tpu.region"() ({
      %run_scoped3A_67 = tpu.sem_alloc : memref<!tpu.dma_semaphore, #tpu.memory_space<semaphore_mem>>
      %dma_start3A = arith.constant 0 : i32
      %dma_start3A_68 = arith.constant 0 : i32
      %dma_start3A_69 = tpu.memref_slice %arg8[%run_scoped3A_48, %dma_start3A, %dma_start3A_68] : memref<4x128x64xf32, #tpu.memory_space<vmem>> -> memref<1x128x64xf32, #tpu.memory_space<vmem>>
      %dma_start3A_70 = tpu.memref_squeeze %dma_start3A_69 : memref<1x128x64xf32, #tpu.memory_space<vmem>> -> memref<128x64xf32, #tpu.memory_space<vmem>>
      %dma_start3A_71 = arith.constant 0 : i32
      %dma_start3A_72 = arith.constant 0 : i32
      %dma_start3A_73 = tpu.memref_slice %arg5[%arg0, %dma_start3A_71, %dma_start3A_72] : memref<2x10240x64xf32, #tpu.memory_space<hbm>> -> memref<1x10240x64xf32, #tpu.memory_space<hbm>>
      %dma_start3A_74 = tpu.memref_squeeze %dma_start3A_73 : memref<1x10240x64xf32, #tpu.memory_space<hbm>> -> memref<10240x64xf32, #tpu.memory_space<hbm>>
      %dma_start3A_75 = arith.constant 0 : i32
      %dma_start3A_76 = tpu.memref_slice %dma_start3A_74[%add3A_46, %dma_start3A_75] : memref<10240x64xf32, #tpu.memory_space<hbm>> -> memref<128x64xf32, #tpu.memory_space<hbm>>
      %dma_start3A_77 = arith.constant 0 : i32
      %dma_start3A_78 = arith.constant 0 : i32
      %dma_start3A_79 = tpu.memref_slice %arg5[%arg0, %dma_start3A_77, %dma_start3A_78] : memref<2x10240x64xf32, #tpu.memory_space<hbm>> -> memref<1x10240x64xf32, #tpu.memory_space<hbm>>
      %dma_start3A_80 = tpu.memref_squeeze %dma_start3A_79 : memref<1x10240x64xf32, #tpu.memory_space<hbm>> -> memref<10240x64xf32, #tpu.memory_space<hbm>>
      %dma_start3A_81 = arith.constant 0 : i32
      %dma_start3A_82 = tpu.memref_slice %dma_start3A_80[%add3A_46, %dma_start3A_81] : memref<10240x64xf32, #tpu.memory_space<hbm>> -> memref<128x64xf32, #tpu.memory_space<hbm>>
      %dma_start3A_83 = arith.constant 0 : i32
      %dma_start3A_84 = arith.constant 0 : i32
      %dma_start3A_85 = tpu.memref_slice %arg8[%run_scoped3A_48, %dma_start3A_83, %dma_start3A_84] : memref<4x128x64xf32, #tpu.memory_space<vmem>> -> memref<1x128x64xf32, #tpu.memory_space<vmem>>
      %dma_start3A_86 = tpu.memref_squeeze %dma_start3A_85 : memref<1x128x64xf32, #tpu.memory_space<vmem>> -> memref<128x64xf32, #tpu.memory_space<vmem>>
      tpu.enqueue_dma source(%dma_start3A_86 : memref<128x64xf32, #tpu.memory_space<vmem>>) target(%dma_start3A_82 : memref<128x64xf32, #tpu.memory_space<hbm>>) target_semaphore(%run_scoped3A_67 : memref<!tpu.dma_semaphore, #tpu.memory_space<semaphore_mem>>)
      %dma_wait3A = arith.constant 0 : i32
      %dma_wait3A_87 = arith.constant 0 : i32
      %dma_wait3A_88 = tpu.memref_slice %arg8[%run_scoped3A_48, %dma_wait3A, %dma_wait3A_87] : memref<4x128x64xf32, #tpu.memory_space<vmem>> -> memref<1x128x64xf32, #tpu.memory_space<vmem>>
      %dma_wait3A_89 = tpu.memref_squeeze %dma_wait3A_88 : memref<1x128x64xf32, #tpu.memory_space<vmem>> -> memref<128x64xf32, #tpu.memory_space<vmem>>
      %dma_wait3A_90 = arith.constant 0 : i32
      %dma_wait3A_91 = arith.constant 0 : i32
      %dma_wait3A_92 = tpu.memref_slice %arg5[%arg0, %dma_wait3A_90, %dma_wait3A_91] : memref<2x10240x64xf32, #tpu.memory_space<hbm>> -> memref<1x10240x64xf32, #tpu.memory_space<hbm>>
      %dma_wait3A_93 = tpu.memref_squeeze %dma_wait3A_92 : memref<1x10240x64xf32, #tpu.memory_space<hbm>> -> memref<10240x64xf32, #tpu.memory_space<hbm>>
      %dma_wait3A_94 = arith.constant 0 : i32
      %dma_wait3A_95 = tpu.memref_slice %dma_wait3A_93[%add3A_46, %dma_wait3A_94] : memref<10240x64xf32, #tpu.memory_space<hbm>> -> memref<128x64xf32, #tpu.memory_space<hbm>>
      %dma_wait3A_96 = arith.constant 0 : i32
      %dma_wait3A_97 = arith.constant 0 : i32
      %dma_wait3A_98 = tpu.memref_slice %arg5[%arg0, %dma_wait3A_96, %dma_wait3A_97] : memref<2x10240x64xf32, #tpu.memory_space<hbm>> -> memref<1x10240x64xf32, #tpu.memory_space<hbm>>
      %dma_wait3A_99 = tpu.memref_squeeze %dma_wait3A_98 : memref<1x10240x64xf32, #tpu.memory_space<hbm>> -> memref<10240x64xf32, #tpu.memory_space<hbm>>
      %dma_wait3A_100 = arith.constant 0 : i32
      %dma_wait3A_101 = tpu.memref_slice %dma_wait3A_99[%add3A_46, %dma_wait3A_100] : memref<10240x64xf32, #tpu.memory_space<hbm>> -> memref<128x64xf32, #tpu.memory_space<hbm>>
      %dma_wait3A_102 = arith.constant 0 : i32
      %dma_wait3A_103 = arith.constant 0 : i32
      %dma_wait3A_104 = tpu.memref_slice %arg8[%run_scoped3A_48, %dma_wait3A_102, %dma_wait3A_103] : memref<4x128x64xf32, #tpu.memory_space<vmem>> -> memref<1x128x64xf32, #tpu.memory_space<vmem>>
      %dma_wait3A_105 = tpu.memref_squeeze %dma_wait3A_104 : memref<1x128x64xf32, #tpu.memory_space<vmem>> -> memref<128x64xf32, #tpu.memory_space<vmem>>
      tpu.wait_dma2 semaphore(%run_scoped3A_67 : memref<!tpu.dma_semaphore, #tpu.memory_space<semaphore_mem>>) src(%dma_wait3A_105 : memref<128x64xf32, #tpu.memory_space<vmem>>) dst(%dma_wait3A_101 : memref<128x64xf32, #tpu.memory_space<hbm>>)
      tpu.yield
    }) : () -> ()
    %mul3A_49 = arith.constant 640 : i32
    %mul3A_50 = arith.muli %arg1, %mul3A_49 : i32
    %add3A_51 = arith.constant 256 : i32
    %add3A_52 = arith.addi %mul3A_50, %add3A_51 : i32
    %run_scoped3A_53 = arith.constant 2 : i32
    "tpu.region"() ({
      %run_scoped3A_67 = tpu.sem_alloc : memref<!tpu.dma_semaphore, #tpu.memory_space<semaphore_mem>>
      %dma_start3A = arith.constant 0 : i32
      %dma_start3A_68 = arith.constant 0 : i32
      %dma_start3A_69 = tpu.memref_slice %arg8[%run_scoped3A_53, %dma_start3A, %dma_start3A_68] : memref<4x128x64xf32, #tpu.memory_space<vmem>> -> memref<1x128x64xf32, #tpu.memory_space<vmem>>
      %dma_start3A_70 = tpu.memref_squeeze %dma_start3A_69 : memref<1x128x64xf32, #tpu.memory_space<vmem>> -> memref<128x64xf32, #tpu.memory_space<vmem>>
      %dma_start3A_71 = arith.constant 0 : i32
      %dma_start3A_72 = tpu.memref_slice %arg9[%add3A_52, %dma_start3A_71] : memref<10240x64xf32, #tpu.memory_space<vmem_shared>> -> memref<128x64xf32, #tpu.memory_space<vmem_shared>>
      %dma_start3A_73 = arith.constant 0 : i32
      %dma_start3A_74 = arith.constant 0 : i32
      %dma_start3A_75 = tpu.memref_slice %arg8[%run_scoped3A_53, %dma_start3A_73, %dma_start3A_74] : memref<4x128x64xf32, #tpu.memory_space<vmem>> -> memref<1x128x64xf32, #tpu.memory_space<vmem>>
      %dma_start3A_76 = tpu.memref_squeeze %dma_start3A_75 : memref<1x128x64xf32, #tpu.memory_space<vmem>> -> memref<128x64xf32, #tpu.memory_space<vmem>>
      %dma_start3A_77 = arith.constant 0 : i32
      %dma_start3A_78 = tpu.memref_slice %arg9[%add3A_52, %dma_start3A_77] : memref<10240x64xf32, #tpu.memory_space<vmem_shared>> -> memref<128x64xf32, #tpu.memory_space<vmem_shared>>
      tpu.enqueue_dma source(%dma_start3A_78 : memref<128x64xf32, #tpu.memory_space<vmem_shared>>) target(%dma_start3A_76 : memref<128x64xf32, #tpu.memory_space<vmem>>) target_semaphore(%run_scoped3A_67 : memref<!tpu.dma_semaphore, #tpu.memory_space<semaphore_mem>>)
      %dma_wait3A = arith.constant 0 : i32
      %dma_wait3A_79 = arith.constant 0 : i32
      %dma_wait3A_80 = tpu.memref_slice %arg8[%run_scoped3A_53, %dma_wait3A, %dma_wait3A_79] : memref<4x128x64xf32, #tpu.memory_space<vmem>> -> memref<1x128x64xf32, #tpu.memory_space<vmem>>
      %dma_wait3A_81 = tpu.memref_squeeze %dma_wait3A_80 : memref<1x128x64xf32, #tpu.memory_space<vmem>> -> memref<128x64xf32, #tpu.memory_space<vmem>>
      %dma_wait3A_82 = arith.constant 0 : i32
      %dma_wait3A_83 = tpu.memref_slice %arg9[%add3A_52, %dma_wait3A_82] : memref<10240x64xf32, #tpu.memory_space<vmem_shared>> -> memref<128x64xf32, #tpu.memory_space<vmem_shared>>
      %dma_wait3A_84 = arith.constant 0 : i32
      %dma_wait3A_85 = arith.constant 0 : i32
      %dma_wait3A_86 = tpu.memref_slice %arg8[%run_scoped3A_53, %dma_wait3A_84, %dma_wait3A_85] : memref<4x128x64xf32, #tpu.memory_space<vmem>> -> memref<1x128x64xf32, #tpu.memory_space<vmem>>
      %dma_wait3A_87 = tpu.memref_squeeze %dma_wait3A_86 : memref<1x128x64xf32, #tpu.memory_space<vmem>> -> memref<128x64xf32, #tpu.memory_space<vmem>>
      %dma_wait3A_88 = arith.constant 0 : i32
      %dma_wait3A_89 = tpu.memref_slice %arg9[%add3A_52, %dma_wait3A_88] : memref<10240x64xf32, #tpu.memory_space<vmem_shared>> -> memref<128x64xf32, #tpu.memory_space<vmem_shared>>
      tpu.wait_dma2 semaphore(%run_scoped3A_67 : memref<!tpu.dma_semaphore, #tpu.memory_space<semaphore_mem>>) src(%dma_wait3A_89 : memref<128x64xf32, #tpu.memory_space<vmem_shared>>) dst(%dma_wait3A_87 : memref<128x64xf32, #tpu.memory_space<vmem>>)
      tpu.yield
    }) : () -> ()
    %run_scoped3A_54 = arith.constant 2 : i32
    "tpu.region"() ({
      %run_scoped3A_67 = tpu.sem_alloc : memref<!tpu.dma_semaphore, #tpu.memory_space<semaphore_mem>>
      %dma_start3A = arith.constant 0 : i32
      %dma_start3A_68 = arith.constant 0 : i32
      %dma_start3A_69 = tpu.memref_slice %arg8[%run_scoped3A_54, %dma_start3A, %dma_start3A_68] : memref<4x128x64xf32, #tpu.memory_space<vmem>> -> memref<1x128x64xf32, #tpu.memory_space<vmem>>
      %dma_start3A_70 = tpu.memref_squeeze %dma_start3A_69 : memref<1x128x64xf32, #tpu.memory_space<vmem>> -> memref<128x64xf32, #tpu.memory_space<vmem>>
      %dma_start3A_71 = arith.constant 0 : i32
      %dma_start3A_72 = arith.constant 0 : i32
      %dma_start3A_73 = tpu.memref_slice %arg5[%arg0, %dma_start3A_71, %dma_start3A_72] : memref<2x10240x64xf32, #tpu.memory_space<hbm>> -> memref<1x10240x64xf32, #tpu.memory_space<hbm>>
      %dma_start3A_74 = tpu.memref_squeeze %dma_start3A_73 : memref<1x10240x64xf32, #tpu.memory_space<hbm>> -> memref<10240x64xf32, #tpu.memory_space<hbm>>
      %dma_start3A_75 = arith.constant 0 : i32
      %dma_start3A_76 = tpu.memref_slice %dma_start3A_74[%add3A_52, %dma_start3A_75] : memref<10240x64xf32, #tpu.memory_space<hbm>> -> memref<128x64xf32, #tpu.memory_space<hbm>>
      %dma_start3A_77 = arith.constant 0 : i32
      %dma_start3A_78 = arith.constant 0 : i32
      %dma_start3A_79 = tpu.memref_slice %arg5[%arg0, %dma_start3A_77, %dma_start3A_78] : memref<2x10240x64xf32, #tpu.memory_space<hbm>> -> memref<1x10240x64xf32, #tpu.memory_space<hbm>>
      %dma_start3A_80 = tpu.memref_squeeze %dma_start3A_79 : memref<1x10240x64xf32, #tpu.memory_space<hbm>> -> memref<10240x64xf32, #tpu.memory_space<hbm>>
      %dma_start3A_81 = arith.constant 0 : i32
      %dma_start3A_82 = tpu.memref_slice %dma_start3A_80[%add3A_52, %dma_start3A_81] : memref<10240x64xf32, #tpu.memory_space<hbm>> -> memref<128x64xf32, #tpu.memory_space<hbm>>
      %dma_start3A_83 = arith.constant 0 : i32
      %dma_start3A_84 = arith.constant 0 : i32
      %dma_start3A_85 = tpu.memref_slice %arg8[%run_scoped3A_54, %dma_start3A_83, %dma_start3A_84] : memref<4x128x64xf32, #tpu.memory_space<vmem>> -> memref<1x128x64xf32, #tpu.memory_space<vmem>>
      %dma_start3A_86 = tpu.memref_squeeze %dma_start3A_85 : memref<1x128x64xf32, #tpu.memory_space<vmem>> -> memref<128x64xf32, #tpu.memory_space<vmem>>
      tpu.enqueue_dma source(%dma_start3A_86 : memref<128x64xf32, #tpu.memory_space<vmem>>) target(%dma_start3A_82 : memref<128x64xf32, #tpu.memory_space<hbm>>) target_semaphore(%run_scoped3A_67 : memref<!tpu.dma_semaphore, #tpu.memory_space<semaphore_mem>>)
      %dma_wait3A = arith.constant 0 : i32
      %dma_wait3A_87 = arith.constant 0 : i32
      %dma_wait3A_88 = tpu.memref_slice %arg8[%run_scoped3A_54, %dma_wait3A, %dma_wait3A_87] : memref<4x128x64xf32, #tpu.memory_space<vmem>> -> memref<1x128x64xf32, #tpu.memory_space<vmem>>
      %dma_wait3A_89 = tpu.memref_squeeze %dma_wait3A_88 : memref<1x128x64xf32, #tpu.memory_space<vmem>> -> memref<128x64xf32, #tpu.memory_space<vmem>>
      %dma_wait3A_90 = arith.constant 0 : i32
      %dma_wait3A_91 = arith.constant 0 : i32
      %dma_wait3A_92 = tpu.memref_slice %arg5[%arg0, %dma_wait3A_90, %dma_wait3A_91] : memref<2x10240x64xf32, #tpu.memory_space<hbm>> -> memref<1x10240x64xf32, #tpu.memory_space<hbm>>
      %dma_wait3A_93 = tpu.memref_squeeze %dma_wait3A_92 : memref<1x10240x64xf32, #tpu.memory_space<hbm>> -> memref<10240x64xf32, #tpu.memory_space<hbm>>
      %dma_wait3A_94 = arith.constant 0 : i32
      %dma_wait3A_95 = tpu.memref_slice %dma_wait3A_93[%add3A_52, %dma_wait3A_94] : memref<10240x64xf32, #tpu.memory_space<hbm>> -> memref<128x64xf32, #tpu.memory_space<hbm>>
      %dma_wait3A_96 = arith.constant 0 : i32
      %dma_wait3A_97 = arith.constant 0 : i32
      %dma_wait3A_98 = tpu.memref_slice %arg5[%arg0, %dma_wait3A_96, %dma_wait3A_97] : memref<2x10240x64xf32, #tpu.memory_space<hbm>> -> memref<1x10240x64xf32, #tpu.memory_space<hbm>>
      %dma_wait3A_99 = tpu.memref_squeeze %dma_wait3A_98 : memref<1x10240x64xf32, #tpu.memory_space<hbm>> -> memref<10240x64xf32, #tpu.memory_space<hbm>>
      %dma_wait3A_100 = arith.constant 0 : i32
      %dma_wait3A_101 = tpu.memref_slice %dma_wait3A_99[%add3A_52, %dma_wait3A_100] : memref<10240x64xf32, #tpu.memory_space<hbm>> -> memref<128x64xf32, #tpu.memory_space<hbm>>
      %dma_wait3A_102 = arith.constant 0 : i32
      %dma_wait3A_103 = arith.constant 0 : i32
      %dma_wait3A_104 = tpu.memref_slice %arg8[%run_scoped3A_54, %dma_wait3A_102, %dma_wait3A_103] : memref<4x128x64xf32, #tpu.memory_space<vmem>> -> memref<1x128x64xf32, #tpu.memory_space<vmem>>
      %dma_wait3A_105 = tpu.memref_squeeze %dma_wait3A_104 : memref<1x128x64xf32, #tpu.memory_space<vmem>> -> memref<128x64xf32, #tpu.memory_space<vmem>>
      tpu.wait_dma2 semaphore(%run_scoped3A_67 : memref<!tpu.dma_semaphore, #tpu.memory_space<semaphore_mem>>) src(%dma_wait3A_105 : memref<128x64xf32, #tpu.memory_space<vmem>>) dst(%dma_wait3A_101 : memref<128x64xf32, #tpu.memory_space<hbm>>)
      tpu.yield
    }) : () -> ()
    %mul3A_55 = arith.constant 640 : i32
    %mul3A_56 = arith.muli %arg1, %mul3A_55 : i32
    %add3A_57 = arith.constant 384 : i32
    %add3A_58 = arith.addi %mul3A_56, %add3A_57 : i32
    %run_scoped3A_59 = arith.constant 3 : i32
    "tpu.region"() ({
      %run_scoped3A_67 = tpu.sem_alloc : memref<!tpu.dma_semaphore, #tpu.memory_space<semaphore_mem>>
      %dma_start3A = arith.constant 0 : i32
      %dma_start3A_68 = arith.constant 0 : i32
      %dma_start3A_69 = tpu.memref_slice %arg8[%run_scoped3A_59, %dma_start3A, %dma_start3A_68] : memref<4x128x64xf32, #tpu.memory_space<vmem>> -> memref<1x128x64xf32, #tpu.memory_space<vmem>>
      %dma_start3A_70 = tpu.memref_squeeze %dma_start3A_69 : memref<1x128x64xf32, #tpu.memory_space<vmem>> -> memref<128x64xf32, #tpu.memory_space<vmem>>
      %dma_start3A_71 = arith.constant 0 : i32
      %dma_start3A_72 = tpu.memref_slice %arg9[%add3A_58, %dma_start3A_71] : memref<10240x64xf32, #tpu.memory_space<vmem_shared>> -> memref<128x64xf32, #tpu.memory_space<vmem_shared>>
      %dma_start3A_73 = arith.constant 0 : i32
      %dma_start3A_74 = arith.constant 0 : i32
      %dma_start3A_75 = tpu.memref_slice %arg8[%run_scoped3A_59, %dma_start3A_73, %dma_start3A_74] : memref<4x128x64xf32, #tpu.memory_space<vmem>> -> memref<1x128x64xf32, #tpu.memory_space<vmem>>
      %dma_start3A_76 = tpu.memref_squeeze %dma_start3A_75 : memref<1x128x64xf32, #tpu.memory_space<vmem>> -> memref<128x64xf32, #tpu.memory_space<vmem>>
      %dma_start3A_77 = arith.constant 0 : i32
      %dma_start3A_78 = tpu.memref_slice %arg9[%add3A_58, %dma_start3A_77] : memref<10240x64xf32, #tpu.memory_space<vmem_shared>> -> memref<128x64xf32, #tpu.memory_space<vmem_shared>>
      tpu.enqueue_dma source(%dma_start3A_78 : memref<128x64xf32, #tpu.memory_space<vmem_shared>>) target(%dma_start3A_76 : memref<128x64xf32, #tpu.memory_space<vmem>>) target_semaphore(%run_scoped3A_67 : memref<!tpu.dma_semaphore, #tpu.memory_space<semaphore_mem>>)
      %dma_wait3A = arith.constant 0 : i32
      %dma_wait3A_79 = arith.constant 0 : i32
      %dma_wait3A_80 = tpu.memref_slice %arg8[%run_scoped3A_59, %dma_wait3A, %dma_wait3A_79] : memref<4x128x64xf32, #tpu.memory_space<vmem>> -> memref<1x128x64xf32, #tpu.memory_space<vmem>>
      %dma_wait3A_81 = tpu.memref_squeeze %dma_wait3A_80 : memref<1x128x64xf32, #tpu.memory_space<vmem>> -> memref<128x64xf32, #tpu.memory_space<vmem>>
      %dma_wait3A_82 = arith.constant 0 : i32
      %dma_wait3A_83 = tpu.memref_slice %arg9[%add3A_58, %dma_wait3A_82] : memref<10240x64xf32, #tpu.memory_space<vmem_shared>> -> memref<128x64xf32, #tpu.memory_space<vmem_shared>>
      %dma_wait3A_84 = arith.constant 0 : i32
      %dma_wait3A_85 = arith.constant 0 : i32
      %dma_wait3A_86 = tpu.memref_slice %arg8[%run_scoped3A_59, %dma_wait3A_84, %dma_wait3A_85] : memref<4x128x64xf32, #tpu.memory_space<vmem>> -> memref<1x128x64xf32, #tpu.memory_space<vmem>>
      %dma_wait3A_87 = tpu.memref_squeeze %dma_wait3A_86 : memref<1x128x64xf32, #tpu.memory_space<vmem>> -> memref<128x64xf32, #tpu.memory_space<vmem>>
      %dma_wait3A_88 = arith.constant 0 : i32
      %dma_wait3A_89 = tpu.memref_slice %arg9[%add3A_58, %dma_wait3A_88] : memref<10240x64xf32, #tpu.memory_space<vmem_shared>> -> memref<128x64xf32, #tpu.memory_space<vmem_shared>>
      tpu.wait_dma2 semaphore(%run_scoped3A_67 : memref<!tpu.dma_semaphore, #tpu.memory_space<semaphore_mem>>) src(%dma_wait3A_89 : memref<128x64xf32, #tpu.memory_space<vmem_shared>>) dst(%dma_wait3A_87 : memref<128x64xf32, #tpu.memory_space<vmem>>)
      tpu.yield
    }) : () -> ()
    %run_scoped3A_60 = arith.constant 3 : i32
    "tpu.region"() ({
      %run_scoped3A_67 = tpu.sem_alloc : memref<!tpu.dma_semaphore, #tpu.memory_space<semaphore_mem>>
      %dma_start3A = arith.constant 0 : i32
      %dma_start3A_68 = arith.constant 0 : i32
      %dma_start3A_69 = tpu.memref_slice %arg8[%run_scoped3A_60, %dma_start3A, %dma_start3A_68] : memref<4x128x64xf32, #tpu.memory_space<vmem>> -> memref<1x128x64xf32, #tpu.memory_space<vmem>>
      %dma_start3A_70 = tpu.memref_squeeze %dma_start3A_69 : memref<1x128x64xf32, #tpu.memory_space<vmem>> -> memref<128x64xf32, #tpu.memory_space<vmem>>
      %dma_start3A_71 = arith.constant 0 : i32
      %dma_start3A_72 = arith.constant 0 : i32
      %dma_start3A_73 = tpu.memref_slice %arg5[%arg0, %dma_start3A_71, %dma_start3A_72] : memref<2x10240x64xf32, #tpu.memory_space<hbm>> -> memref<1x10240x64xf32, #tpu.memory_space<hbm>>
      %dma_start3A_74 = tpu.memref_squeeze %dma_start3A_73 : memref<1x10240x64xf32, #tpu.memory_space<hbm>> -> memref<10240x64xf32, #tpu.memory_space<hbm>>
      %dma_start3A_75 = arith.constant 0 : i32
      %dma_start3A_76 = tpu.memref_slice %dma_start3A_74[%add3A_58, %dma_start3A_75] : memref<10240x64xf32, #tpu.memory_space<hbm>> -> memref<128x64xf32, #tpu.memory_space<hbm>>
      %dma_start3A_77 = arith.constant 0 : i32
      %dma_start3A_78 = arith.constant 0 : i32
      %dma_start3A_79 = tpu.memref_slice %arg5[%arg0, %dma_start3A_77, %dma_start3A_78] : memref<2x10240x64xf32, #tpu.memory_space<hbm>> -> memref<1x10240x64xf32, #tpu.memory_space<hbm>>
      %dma_start3A_80 = tpu.memref_squeeze %dma_start3A_79 : memref<1x10240x64xf32, #tpu.memory_space<hbm>> -> memref<10240x64xf32, #tpu.memory_space<hbm>>
      %dma_start3A_81 = arith.constant 0 : i32
      %dma_start3A_82 = tpu.memref_slice %dma_start3A_80[%add3A_58, %dma_start3A_81] : memref<10240x64xf32, #tpu.memory_space<hbm>> -> memref<128x64xf32, #tpu.memory_space<hbm>>
      %dma_start3A_83 = arith.constant 0 : i32
      %dma_start3A_84 = arith.constant 0 : i32
      %dma_start3A_85 = tpu.memref_slice %arg8[%run_scoped3A_60, %dma_start3A_83, %dma_start3A_84] : memref<4x128x64xf32, #tpu.memory_space<vmem>> -> memref<1x128x64xf32, #tpu.memory_space<vmem>>
      %dma_start3A_86 = tpu.memref_squeeze %dma_start3A_85 : memref<1x128x64xf32, #tpu.memory_space<vmem>> -> memref<128x64xf32, #tpu.memory_space<vmem>>
      tpu.enqueue_dma source(%dma_start3A_86 : memref<128x64xf32, #tpu.memory_space<vmem>>) target(%dma_start3A_82 : memref<128x64xf32, #tpu.memory_space<hbm>>) target_semaphore(%run_scoped3A_67 : memref<!tpu.dma_semaphore, #tpu.memory_space<semaphore_mem>>)
      %dma_wait3A = arith.constant 0 : i32
      %dma_wait3A_87 = arith.constant 0 : i32
      %dma_wait3A_88 = tpu.memref_slice %arg8[%run_scoped3A_60, %dma_wait3A, %dma_wait3A_87] : memref<4x128x64xf32, #tpu.memory_space<vmem>> -> memref<1x128x64xf32, #tpu.memory_space<vmem>>
      %dma_wait3A_89 = tpu.memref_squeeze %dma_wait3A_88 : memref<1x128x64xf32, #tpu.memory_space<vmem>> -> memref<128x64xf32, #tpu.memory_space<vmem>>
      %dma_wait3A_90 = arith.constant 0 : i32
      %dma_wait3A_91 = arith.constant 0 : i32
      %dma_wait3A_92 = tpu.memref_slice %arg5[%arg0, %dma_wait3A_90, %dma_wait3A_91] : memref<2x10240x64xf32, #tpu.memory_space<hbm>> -> memref<1x10240x64xf32, #tpu.memory_space<hbm>>
      %dma_wait3A_93 = tpu.memref_squeeze %dma_wait3A_92 : memref<1x10240x64xf32, #tpu.memory_space<hbm>> -> memref<10240x64xf32, #tpu.memory_space<hbm>>
      %dma_wait3A_94 = arith.constant 0 : i32
      %dma_wait3A_95 = tpu.memref_slice %dma_wait3A_93[%add3A_58, %dma_wait3A_94] : memref<10240x64xf32, #tpu.memory_space<hbm>> -> memref<128x64xf32, #tpu.memory_space<hbm>>
      %dma_wait3A_96 = arith.constant 0 : i32
      %dma_wait3A_97 = arith.constant 0 : i32
      %dma_wait3A_98 = tpu.memref_slice %arg5[%arg0, %dma_wait3A_96, %dma_wait3A_97] : memref<2x10240x64xf32, #tpu.memory_space<hbm>> -> memref<1x10240x64xf32, #tpu.memory_space<hbm>>
      %dma_wait3A_99 = tpu.memref_squeeze %dma_wait3A_98 : memref<1x10240x64xf32, #tpu.memory_space<hbm>> -> memref<10240x64xf32, #tpu.memory_space<hbm>>
      %dma_wait3A_100 = arith.constant 0 : i32
      %dma_wait3A_101 = tpu.memref_slice %dma_wait3A_99[%add3A_58, %dma_wait3A_100] : memref<10240x64xf32, #tpu.memory_space<hbm>> -> memref<128x64xf32, #tpu.memory_space<hbm>>
      %dma_wait3A_102 = arith.constant 0 : i32
      %dma_wait3A_103 = arith.constant 0 : i32
      %dma_wait3A_104 = tpu.memref_slice %arg8[%run_scoped3A_60, %dma_wait3A_102, %dma_wait3A_103] : memref<4x128x64xf32, #tpu.memory_space<vmem>> -> memref<1x128x64xf32, #tpu.memory_space<vmem>>
      %dma_wait3A_105 = tpu.memref_squeeze %dma_wait3A_104 : memref<1x128x64xf32, #tpu.memory_space<vmem>> -> memref<128x64xf32, #tpu.memory_space<vmem>>
      tpu.wait_dma2 semaphore(%run_scoped3A_67 : memref<!tpu.dma_semaphore, #tpu.memory_space<semaphore_mem>>) src(%dma_wait3A_105 : memref<128x64xf32, #tpu.memory_space<vmem>>) dst(%dma_wait3A_101 : memref<128x64xf32, #tpu.memory_space<hbm>>)
      tpu.yield
    }) : () -> ()
    %mul3A_61 = arith.constant 640 : i32
    %mul3A_62 = arith.muli %arg1, %mul3A_61 : i32
    %add3A_63 = arith.constant 512 : i32
    %add3A_64 = arith.addi %mul3A_62, %add3A_63 : i32
    %run_scoped3A_65 = arith.constant 0 : i32
    "tpu.region"() ({
      %run_scoped3A_67 = tpu.sem_alloc : memref<!tpu.dma_semaphore, #tpu.memory_space<semaphore_mem>>
      %dma_start3A = arith.constant 0 : i32
      %dma_start3A_68 = arith.constant 0 : i32
      %dma_start3A_69 = tpu.memref_slice %arg8[%run_scoped3A_65, %dma_start3A, %dma_start3A_68] : memref<4x128x64xf32, #tpu.memory_space<vmem>> -> memref<1x128x64xf32, #tpu.memory_space<vmem>>
      %dma_start3A_70 = tpu.memref_squeeze %dma_start3A_69 : memref<1x128x64xf32, #tpu.memory_space<vmem>> -> memref<128x64xf32, #tpu.memory_space<vmem>>
      %dma_start3A_71 = arith.constant 0 : i32
      %dma_start3A_72 = tpu.memref_slice %arg9[%add3A_64, %dma_start3A_71] : memref<10240x64xf32, #tpu.memory_space<vmem_shared>> -> memref<128x64xf32, #tpu.memory_space<vmem_shared>>
      %dma_start3A_73 = arith.constant 0 : i32
      %dma_start3A_74 = arith.constant 0 : i32
      %dma_start3A_75 = tpu.memref_slice %arg8[%run_scoped3A_65, %dma_start3A_73, %dma_start3A_74] : memref<4x128x64xf32, #tpu.memory_space<vmem>> -> memref<1x128x64xf32, #tpu.memory_space<vmem>>
      %dma_start3A_76 = tpu.memref_squeeze %dma_start3A_75 : memref<1x128x64xf32, #tpu.memory_space<vmem>> -> memref<128x64xf32, #tpu.memory_space<vmem>>
      %dma_start3A_77 = arith.constant 0 : i32
      %dma_start3A_78 = tpu.memref_slice %arg9[%add3A_64, %dma_start3A_77] : memref<10240x64xf32, #tpu.memory_space<vmem_shared>> -> memref<128x64xf32, #tpu.memory_space<vmem_shared>>
      tpu.enqueue_dma source(%dma_start3A_78 : memref<128x64xf32, #tpu.memory_space<vmem_shared>>) target(%dma_start3A_76 : memref<128x64xf32, #tpu.memory_space<vmem>>) target_semaphore(%run_scoped3A_67 : memref<!tpu.dma_semaphore, #tpu.memory_space<semaphore_mem>>)
      %dma_wait3A = arith.constant 0 : i32
      %dma_wait3A_79 = arith.constant 0 : i32
      %dma_wait3A_80 = tpu.memref_slice %arg8[%run_scoped3A_65, %dma_wait3A, %dma_wait3A_79] : memref<4x128x64xf32, #tpu.memory_space<vmem>> -> memref<1x128x64xf32, #tpu.memory_space<vmem>>
      %dma_wait3A_81 = tpu.memref_squeeze %dma_wait3A_80 : memref<1x128x64xf32, #tpu.memory_space<vmem>> -> memref<128x64xf32, #tpu.memory_space<vmem>>
      %dma_wait3A_82 = arith.constant 0 : i32
      %dma_wait3A_83 = tpu.memref_slice %arg9[%add3A_64, %dma_wait3A_82] : memref<10240x64xf32, #tpu.memory_space<vmem_shared>> -> memref<128x64xf32, #tpu.memory_space<vmem_shared>>
      %dma_wait3A_84 = arith.constant 0 : i32
      %dma_wait3A_85 = arith.constant 0 : i32
      %dma_wait3A_86 = tpu.memref_slice %arg8[%run_scoped3A_65, %dma_wait3A_84, %dma_wait3A_85] : memref<4x128x64xf32, #tpu.memory_space<vmem>> -> memref<1x128x64xf32, #tpu.memory_space<vmem>>
      %dma_wait3A_87 = tpu.memref_squeeze %dma_wait3A_86 : memref<1x128x64xf32, #tpu.memory_space<vmem>> -> memref<128x64xf32, #tpu.memory_space<vmem>>
      %dma_wait3A_88 = arith.constant 0 : i32
      %dma_wait3A_89 = tpu.memref_slice %arg9[%add3A_64, %dma_wait3A_88] : memref<10240x64xf32, #tpu.memory_space<vmem_shared>> -> memref<128x64xf32, #tpu.memory_space<vmem_shared>>
      tpu.wait_dma2 semaphore(%run_scoped3A_67 : memref<!tpu.dma_semaphore, #tpu.memory_space<semaphore_mem>>) src(%dma_wait3A_89 : memref<128x64xf32, #tpu.memory_space<vmem_shared>>) dst(%dma_wait3A_87 : memref<128x64xf32, #tpu.memory_space<vmem>>)
      tpu.yield
    }) : () -> ()
    %run_scoped3A_66 = arith.constant 0 : i32
    "tpu.region"() ({
      %run_scoped3A_67 = tpu.sem_alloc : memref<!tpu.dma_semaphore, #tpu.memory_space<semaphore_mem>>
      %dma_start3A = arith.constant 0 : i32
      %dma_start3A_68 = arith.constant 0 : i32
      %dma_start3A_69 = tpu.memref_slice %arg8[%run_scoped3A_66, %dma_start3A, %dma_start3A_68] : memref<4x128x64xf32, #tpu.memory_space<vmem>> -> memref<1x128x64xf32, #tpu.memory_space<vmem>>
      %dma_start3A_70 = tpu.memref_squeeze %dma_start3A_69 : memref<1x128x64xf32, #tpu.memory_space<vmem>> -> memref<128x64xf32, #tpu.memory_space<vmem>>
      %dma_start3A_71 = arith.constant 0 : i32
      %dma_start3A_72 = arith.constant 0 : i32
      %dma_start3A_73 = tpu.memref_slice %arg5[%arg0, %dma_start3A_71, %dma_start3A_72] : memref<2x10240x64xf32, #tpu.memory_space<hbm>> -> memref<1x10240x64xf32, #tpu.memory_space<hbm>>
      %dma_start3A_74 = tpu.memref_squeeze %dma_start3A_73 : memref<1x10240x64xf32, #tpu.memory_space<hbm>> -> memref<10240x64xf32, #tpu.memory_space<hbm>>
      %dma_start3A_75 = arith.constant 0 : i32
      %dma_start3A_76 = tpu.memref_slice %dma_start3A_74[%add3A_64, %dma_start3A_75] : memref<10240x64xf32, #tpu.memory_space<hbm>> -> memref<128x64xf32, #tpu.memory_space<hbm>>
      %dma_start3A_77 = arith.constant 0 : i32
      %dma_start3A_78 = arith.constant 0 : i32
      %dma_start3A_79 = tpu.memref_slice %arg5[%arg0, %dma_start3A_77, %dma_start3A_78] : memref<2x10240x64xf32, #tpu.memory_space<hbm>> -> memref<1x10240x64xf32, #tpu.memory_space<hbm>>
      %dma_start3A_80 = tpu.memref_squeeze %dma_start3A_79 : memref<1x10240x64xf32, #tpu.memory_space<hbm>> -> memref<10240x64xf32, #tpu.memory_space<hbm>>
      %dma_start3A_81 = arith.constant 0 : i32
      %dma_start3A_82 = tpu.memref_slice %dma_start3A_80[%add3A_64, %dma_start3A_81] : memref<10240x64xf32, #tpu.memory_space<hbm>> -> memref<128x64xf32, #tpu.memory_space<hbm>>
      %dma_start3A_83 = arith.constant 0 : i32
      %dma_start3A_84 = arith.constant 0 : i32
      %dma_start3A_85 = tpu.memref_slice %arg8[%run_scoped3A_66, %dma_start3A_83, %dma_start3A_84] : memref<4x128x64xf32, #tpu.memory_space<vmem>> -> memref<1x128x64xf32, #tpu.memory_space<vmem>>
      %dma_start3A_86 = tpu.memref_squeeze %dma_start3A_85 : memref<1x128x64xf32, #tpu.memory_space<vmem>> -> memref<128x64xf32, #tpu.memory_space<vmem>>
      tpu.enqueue_dma source(%dma_start3A_86 : memref<128x64xf32, #tpu.memory_space<vmem>>) target(%dma_start3A_82 : memref<128x64xf32, #tpu.memory_space<hbm>>) target_semaphore(%run_scoped3A_67 : memref<!tpu.dma_semaphore, #tpu.memory_space<semaphore_mem>>)
      %dma_wait3A = arith.constant 0 : i32
      %dma_wait3A_87 = arith.constant 0 : i32
      %dma_wait3A_88 = tpu.memref_slice %arg8[%run_scoped3A_66, %dma_wait3A, %dma_wait3A_87] : memref<4x128x64xf32, #tpu.memory_space<vmem>> -> memref<1x128x64xf32, #tpu.memory_space<vmem>>
      %dma_wait3A_89 = tpu.memref_squeeze %dma_wait3A_88 : memref<1x128x64xf32, #tpu.memory_space<vmem>> -> memref<128x64xf32, #tpu.memory_space<vmem>>
      %dma_wait3A_90 = arith.constant 0 : i32
      %dma_wait3A_91 = arith.constant 0 : i32
      %dma_wait3A_92 = tpu.memref_slice %arg5[%arg0, %dma_wait3A_90, %dma_wait3A_91] : memref<2x10240x64xf32, #tpu.memory_space<hbm>> -> memref<1x10240x64xf32, #tpu.memory_space<hbm>>
      %dma_wait3A_93 = tpu.memref_squeeze %dma_wait3A_92 : memref<1x10240x64xf32, #tpu.memory_space<hbm>> -> memref<10240x64xf32, #tpu.memory_space<hbm>>
      %dma_wait3A_94 = arith.constant 0 : i32
      %dma_wait3A_95 = tpu.memref_slice %dma_wait3A_93[%add3A_64, %dma_wait3A_94] : memref<10240x64xf32, #tpu.memory_space<hbm>> -> memref<128x64xf32, #tpu.memory_space<hbm>>
      %dma_wait3A_96 = arith.constant 0 : i32
      %dma_wait3A_97 = arith.constant 0 : i32
      %dma_wait3A_98 = tpu.memref_slice %arg5[%arg0, %dma_wait3A_96, %dma_wait3A_97] : memref<2x10240x64xf32, #tpu.memory_space<hbm>> -> memref<1x10240x64xf32, #tpu.memory_space<hbm>>
      %dma_wait3A_99 = tpu.memref_squeeze %dma_wait3A_98 : memref<1x10240x64xf32, #tpu.memory_space<hbm>> -> memref<10240x64xf32, #tpu.memory_space<hbm>>
      %dma_wait3A_100 = arith.constant 0 : i32
      %dma_wait3A_101 = tpu.memref_slice %dma_wait3A_99[%add3A_64, %dma_wait3A_100] : memref<10240x64xf32, #tpu.memory_space<hbm>> -> memref<128x64xf32, #tpu.memory_space<hbm>>
      %dma_wait3A_102 = arith.constant 0 : i32
      %dma_wait3A_103 = arith.constant 0 : i32
      %dma_wait3A_104 = tpu.memref_slice %arg8[%run_scoped3A_66, %dma_wait3A_102, %dma_wait3A_103] : memref<4x128x64xf32, #tpu.memory_space<vmem>> -> memref<1x128x64xf32, #tpu.memory_space<vmem>>
      %dma_wait3A_105 = tpu.memref_squeeze %dma_wait3A_104 : memref<1x128x64xf32, #tpu.memory_space<vmem>> -> memref<128x64xf32, #tpu.memory_space<vmem>>
      tpu.wait_dma2 semaphore(%run_scoped3A_67 : memref<!tpu.dma_semaphore, #tpu.memory_space<semaphore_mem>>) src(%dma_wait3A_105 : memref<128x64xf32, #tpu.memory_space<vmem>>) dst(%dma_wait3A_101 : memref<128x64xf32, #tpu.memory_space<hbm>>)
      tpu.yield
    }) : () -> ()
    return
  }
}

#map = affine_map<(d0, d1) -> (0, 0, 0)>
module attributes {stable_mosaic.version = 14 : i64} {
  func.func @_deg_body(%arg0: i32, %arg1: i32, %arg2: memref<32x80x128xi32, #tpu.memory_space<hbm>>, %arg3: memref<2x10240x8xf32, #tpu.memory_space<hbm>>, %arg4: memref<80x128xi32, #tpu.memory_space<vmem>>, %arg5: memref<128x8xf32, #tpu.memory_space<vmem>>, %arg6: memref<640x8xf32, #tpu.memory_space<vmem>>, %arg7: memref<10240x8xf32, #tpu.memory_space<vmem_shared>>, %arg8: memref<!tpu.dma_semaphore, #tpu.memory_space<semaphore_mem>>) attributes {dimension_semantics = [#tpu.dimension_semantics<core_parallel>, #tpu.dimension_semantics<subcore_parallel>], iteration_bounds = array<i64: 2, 16>, scalar_prefetch = 0 : i64, scratch_operands = 5 : i64, tpu.core_type = #tpu.core_type<sc_vector_subcore>, window_params = [{transform_indices = #map}, {transform_indices = #map}]} {
    %mul3A = arith.constant 2 : i32
    %mul3A_0 = arith.muli %arg1, %mul3A : i32
    %add3A = arith.addi %mul3A_0, %arg0 : i32
    %scan3A = arith.constant 0 : i32
    %scan3A_1 = arith.constant 640 : i32
    %scan3A_2 = arith.addi %scan3A, %scan3A_1 : i32
    %scan3A_3 = arith.constant 1 : i32
    scf.for %scan3A_20 = %scan3A to %scan3A_2 step %scan3A_3  : i32 {
      %mul3A_21 = arith.constant 1 : i32
      %mul3A_22 = arith.muli %scan3A_20, %mul3A_21 : i32
      %add3A_23 = arith.constant 0 : i32
      %add3A_24 = arith.addi %add3A_23, %mul3A_22 : i32
      %broadcast_in_dim3A = arith.constant 0.000000e+00 : f32
      %broadcast_in_dim3A_25 = vector.broadcast %broadcast_in_dim3A : f32 to vector<8xf32>
      %swap3A = arith.index_cast %add3A_24 : i32 to index
      %swap3A_26 = arith.constant 0 : index
      %swap3A_27 = tpu.vector_load %arg6[%swap3A, %swap3A_26] {strides = array<i32>} : memref<640x8xf32, #tpu.memory_space<vmem>>, vector<1x8xf32>,
      %swap3A_28 = vector.shape_cast %swap3A_27 : vector<1x8xf32> to vector<8xf32>
      %swap3A_29 = vector.shape_cast %broadcast_in_dim3A_25 : vector<8xf32> to vector<1x8xf32>
      tpu.vector_store %arg6[%swap3A, %swap3A_26], %swap3A_29 {strides = array<i32>} : memref<640x8xf32, #tpu.memory_space<vmem>>, vector<1x8xf32>,
    }
    %scan3A_4 = arith.constant 640 : i32
    %mul3A_5 = arith.constant 640 : i32
    %mul3A_6 = arith.muli %arg1, %mul3A_5 : i32
    "tpu.region"() ({
      %run_scoped3A = tpu.sem_alloc : memref<!tpu.dma_semaphore, #tpu.memory_space<semaphore_mem>>
      %dma_start3A = arith.constant 0 : i32
      %dma_start3A_20 = tpu.memref_slice %arg7[%mul3A_6, %dma_start3A] : memref<10240x8xf32, #tpu.memory_space<vmem_shared>> -> memref<640x8xf32, #tpu.memory_space<vmem_shared>>
      %dma_start3A_21 = arith.constant 0 : i32
      %dma_start3A_22 = tpu.memref_slice %arg7[%mul3A_6, %dma_start3A_21] : memref<10240x8xf32, #tpu.memory_space<vmem_shared>> -> memref<640x8xf32, #tpu.memory_space<vmem_shared>>
      tpu.enqueue_dma source(%arg6 : memref<640x8xf32, #tpu.memory_space<vmem>>) target(%dma_start3A_22 : memref<640x8xf32, #tpu.memory_space<vmem_shared>>) target_semaphore(%run_scoped3A : memref<!tpu.dma_semaphore, #tpu.memory_space<semaphore_mem>>)
      %dma_wait3A = arith.constant 0 : i32
      %dma_wait3A_23 = tpu.memref_slice %arg7[%mul3A_6, %dma_wait3A] : memref<10240x8xf32, #tpu.memory_space<vmem_shared>> -> memref<640x8xf32, #tpu.memory_space<vmem_shared>>
      %dma_wait3A_24 = arith.constant 0 : i32
      %dma_wait3A_25 = tpu.memref_slice %arg7[%mul3A_6, %dma_wait3A_24] : memref<10240x8xf32, #tpu.memory_space<vmem_shared>> -> memref<640x8xf32, #tpu.memory_space<vmem_shared>>
      tpu.wait_dma2 semaphore(%run_scoped3A : memref<!tpu.dma_semaphore, #tpu.memory_space<semaphore_mem>>) src(%arg6 : memref<640x8xf32, #tpu.memory_space<vmem>>) dst(%dma_wait3A_25 : memref<640x8xf32, #tpu.memory_space<vmem_shared>>)
      tpu.yield
    }) : () -> ()
    %scan3A_7 = arith.constant 0 : i32
    %scan3A_8 = arith.constant 128 : i32
    %scan3A_9 = arith.addi %scan3A_7, %scan3A_8 : i32
    %scan3A_10 = arith.constant 1 : i32
    scf.for %scan3A_20 = %scan3A_7 to %scan3A_9 step %scan3A_10  : i32 {
      %mul3A_21 = arith.constant 1 : i32
      %mul3A_22 = arith.muli %scan3A_20, %mul3A_21 : i32
      %add3A_23 = arith.constant 0 : i32
      %add3A_24 = arith.addi %add3A_23, %mul3A_22 : i32
      %broadcast_in_dim3A = arith.constant 1.000000e+00 : f32
      %broadcast_in_dim3A_25 = vector.broadcast %broadcast_in_dim3A : f32 to vector<8xf32>
      %swap3A = arith.index_cast %add3A_24 : i32 to index
      %swap3A_26 = arith.constant 0 : index
      %swap3A_27 = tpu.vector_load %arg5[%swap3A, %swap3A_26] {strides = array<i32>} : memref<128x8xf32, #tpu.memory_space<vmem>>, vector<1x8xf32>,
      %swap3A_28 = vector.shape_cast %swap3A_27 : vector<1x8xf32> to vector<8xf32>
      %swap3A_29 = vector.shape_cast %broadcast_in_dim3A_25 : vector<8xf32> to vector<1x8xf32>
      tpu.vector_store %arg5[%swap3A, %swap3A_26], %swap3A_29 {strides = array<i32>} : memref<128x8xf32, #tpu.memory_space<vmem>>, vector<1x8xf32>,
    }
    %scan3A_11 = arith.constant 128 : i32
    "tpu.region"() ({
      %run_scoped3A = tpu.sem_alloc : memref<!tpu.dma_semaphore, #tpu.memory_space<semaphore_mem>>
      %dma_start3A = arith.constant 0 : i32
      %dma_start3A_20 = arith.constant 0 : i32
      %dma_start3A_21 = tpu.memref_slice %arg2[%add3A, %dma_start3A, %dma_start3A_20] : memref<32x80x128xi32, #tpu.memory_space<hbm>> -> memref<1x80x128xi32, #tpu.memory_space<hbm>>
      %dma_start3A_22 = tpu.memref_squeeze %dma_start3A_21 : memref<1x80x128xi32, #tpu.memory_space<hbm>> -> memref<80x128xi32, #tpu.memory_space<hbm>>
      %dma_start3A_23 = arith.constant 0 : i32
      %dma_start3A_24 = arith.constant 0 : i32
      %dma_start3A_25 = tpu.memref_slice %arg2[%add3A, %dma_start3A_23, %dma_start3A_24] : memref<32x80x128xi32, #tpu.memory_space<hbm>> -> memref<1x80x128xi32, #tpu.memory_space<hbm>>
      %dma_start3A_26 = tpu.memref_squeeze %dma_start3A_25 : memref<1x80x128xi32, #tpu.memory_space<hbm>> -> memref<80x128xi32, #tpu.memory_space<hbm>>
      tpu.enqueue_dma source(%dma_start3A_26 : memref<80x128xi32, #tpu.memory_space<hbm>>) target(%arg4 : memref<80x128xi32, #tpu.memory_space<vmem>>) target_semaphore(%run_scoped3A : memref<!tpu.dma_semaphore, #tpu.memory_space<semaphore_mem>>)
      %dma_wait3A = arith.constant 0 : i32
      %dma_wait3A_27 = arith.constant 0 : i32
      %dma_wait3A_28 = tpu.memref_slice %arg2[%add3A, %dma_wait3A, %dma_wait3A_27] : memref<32x80x128xi32, #tpu.memory_space<hbm>> -> memref<1x80x128xi32, #tpu.memory_space<hbm>>
      %dma_wait3A_29 = tpu.memref_squeeze %dma_wait3A_28 : memref<1x80x128xi32, #tpu.memory_space<hbm>> -> memref<80x128xi32, #tpu.memory_space<hbm>>
      %dma_wait3A_30 = arith.constant 0 : i32
      %dma_wait3A_31 = arith.constant 0 : i32
      %dma_wait3A_32 = tpu.memref_slice %arg2[%add3A, %dma_wait3A_30, %dma_wait3A_31] : memref<32x80x128xi32, #tpu.memory_space<hbm>> -> memref<1x80x128xi32, #tpu.memory_space<hbm>>
      %dma_wait3A_33 = tpu.memref_squeeze %dma_wait3A_32 : memref<1x80x128xi32, #tpu.memory_space<hbm>> -> memref<80x128xi32, #tpu.memory_space<hbm>>
      tpu.wait_dma2 semaphore(%run_scoped3A : memref<!tpu.dma_semaphore, #tpu.memory_space<semaphore_mem>>) src(%dma_wait3A_33 : memref<80x128xi32, #tpu.memory_space<hbm>>) dst(%arg4 : memref<80x128xi32, #tpu.memory_space<vmem>>)
      tpu.yield
    }) : () -> ()
    %barrier3A = arith.constant 0 : index
    tpu.barrier barrier_id(%barrier3A)
    %scan3A_12 = arith.constant 0 : i32
    %scan3A_13 = arith.constant 5 : i32
    %scan3A_14 = arith.addi %scan3A_12, %scan3A_13 : i32
    %scan3A_15 = arith.constant 1 : i32
    scf.for %scan3A_20 = %scan3A_12 to %scan3A_14 step %scan3A_15  : i32 {
      %mul3A_21 = arith.constant 16 : i32
      %mul3A_22 = arith.muli %scan3A_20, %mul3A_21 : i32
      %add3A_23 = arith.constant 0 : i32
      %add3A_24 = arith.addi %add3A_23, %mul3A_22 : i32
      %add3A_25 = arith.constant 0 : i32
      %add3A_26 = arith.addi %add3A_24, %add3A_25 : i32
      %dma_start3A = arith.constant 0 : i32
      %dma_start3A_27 = tpu.memref_slice %arg4[%add3A_26, %dma_start3A] : memref<80x128xi32, #tpu.memory_space<vmem>> -> memref<1x128xi32, #tpu.memory_space<vmem>>
      %dma_start3A_28 = tpu.memref_squeeze %dma_start3A_27 : memref<1x128xi32, #tpu.memory_space<vmem>> -> memref<128xi32, #tpu.memory_space<vmem>>
      %dma_start3A_29 = arith.constant 0 : i32
      %dma_start3A_30 = arith.constant 0 : i32
      %dma_start3A_31 = tpu.memref_slice %arg7[%dma_start3A_29, %dma_start3A_30] : memref<10240x8xf32, #tpu.memory_space<vmem_shared>> -> memref<10240x8xf32, #tpu.memory_space<vmem_shared>>
      tpu.enqueue_indirect_dma source(%arg5 : memref<128x8xf32, #tpu.memory_space<vmem>>) target(%dma_start3A_31 : memref<10240x8xf32, #tpu.memory_space<vmem_shared>>) offsets(%dma_start3A_28 : memref<128xi32, #tpu.memory_space<vmem>>) semaphore(%arg8 : memref<!tpu.dma_semaphore, #tpu.memory_space<semaphore_mem>>) {add = true}
      %add3A_32 = arith.constant 1 : i32
      %add3A_33 = arith.addi %add3A_24, %add3A_32 : i32
      %dma_start3A_34 = arith.constant 0 : i32
      %dma_start3A_35 = tpu.memref_slice %arg4[%add3A_33, %dma_start3A_34] : memref<80x128xi32, #tpu.memory_space<vmem>> -> memref<1x128xi32, #tpu.memory_space<vmem>>
      %dma_start3A_36 = tpu.memref_squeeze %dma_start3A_35 : memref<1x128xi32, #tpu.memory_space<vmem>> -> memref<128xi32, #tpu.memory_space<vmem>>
      %dma_start3A_37 = arith.constant 0 : i32
      %dma_start3A_38 = arith.constant 0 : i32
      %dma_start3A_39 = tpu.memref_slice %arg7[%dma_start3A_37, %dma_start3A_38] : memref<10240x8xf32, #tpu.memory_space<vmem_shared>> -> memref<10240x8xf32, #tpu.memory_space<vmem_shared>>
      tpu.enqueue_indirect_dma source(%arg5 : memref<128x8xf32, #tpu.memory_space<vmem>>) target(%dma_start3A_39 : memref<10240x8xf32, #tpu.memory_space<vmem_shared>>) offsets(%dma_start3A_36 : memref<128xi32, #tpu.memory_space<vmem>>) semaphore(%arg8 : memref<!tpu.dma_semaphore, #tpu.memory_space<semaphore_mem>>) {add = true}
      %add3A_40 = arith.constant 2 : i32
      %add3A_41 = arith.addi %add3A_24, %add3A_40 : i32
      %dma_start3A_42 = arith.constant 0 : i32
      %dma_start3A_43 = tpu.memref_slice %arg4[%add3A_41, %dma_start3A_42] : memref<80x128xi32, #tpu.memory_space<vmem>> -> memref<1x128xi32, #tpu.memory_space<vmem>>
      %dma_start3A_44 = tpu.memref_squeeze %dma_start3A_43 : memref<1x128xi32, #tpu.memory_space<vmem>> -> memref<128xi32, #tpu.memory_space<vmem>>
      %dma_start3A_45 = arith.constant 0 : i32
      %dma_start3A_46 = arith.constant 0 : i32
      %dma_start3A_47 = tpu.memref_slice %arg7[%dma_start3A_45, %dma_start3A_46] : memref<10240x8xf32, #tpu.memory_space<vmem_shared>> -> memref<10240x8xf32, #tpu.memory_space<vmem_shared>>
      tpu.enqueue_indirect_dma source(%arg5 : memref<128x8xf32, #tpu.memory_space<vmem>>) target(%dma_start3A_47 : memref<10240x8xf32, #tpu.memory_space<vmem_shared>>) offsets(%dma_start3A_44 : memref<128xi32, #tpu.memory_space<vmem>>) semaphore(%arg8 : memref<!tpu.dma_semaphore, #tpu.memory_space<semaphore_mem>>) {add = true}
      %add3A_48 = arith.constant 3 : i32
      %add3A_49 = arith.addi %add3A_24, %add3A_48 : i32
      %dma_start3A_50 = arith.constant 0 : i32
      %dma_start3A_51 = tpu.memref_slice %arg4[%add3A_49, %dma_start3A_50] : memref<80x128xi32, #tpu.memory_space<vmem>> -> memref<1x128xi32, #tpu.memory_space<vmem>>
      %dma_start3A_52 = tpu.memref_squeeze %dma_start3A_51 : memref<1x128xi32, #tpu.memory_space<vmem>> -> memref<128xi32, #tpu.memory_space<vmem>>
      %dma_start3A_53 = arith.constant 0 : i32
      %dma_start3A_54 = arith.constant 0 : i32
      %dma_start3A_55 = tpu.memref_slice %arg7[%dma_start3A_53, %dma_start3A_54] : memref<10240x8xf32, #tpu.memory_space<vmem_shared>> -> memref<10240x8xf32, #tpu.memory_space<vmem_shared>>
      tpu.enqueue_indirect_dma source(%arg5 : memref<128x8xf32, #tpu.memory_space<vmem>>) target(%dma_start3A_55 : memref<10240x8xf32, #tpu.memory_space<vmem_shared>>) offsets(%dma_start3A_52 : memref<128xi32, #tpu.memory_space<vmem>>) semaphore(%arg8 : memref<!tpu.dma_semaphore, #tpu.memory_space<semaphore_mem>>) {add = true}
      %add3A_56 = arith.constant 4 : i32
      %add3A_57 = arith.addi %add3A_24, %add3A_56 : i32
      %dma_start3A_58 = arith.constant 0 : i32
      %dma_start3A_59 = tpu.memref_slice %arg4[%add3A_57, %dma_start3A_58] : memref<80x128xi32, #tpu.memory_space<vmem>> -> memref<1x128xi32, #tpu.memory_space<vmem>>
      %dma_start3A_60 = tpu.memref_squeeze %dma_start3A_59 : memref<1x128xi32, #tpu.memory_space<vmem>> -> memref<128xi32, #tpu.memory_space<vmem>>
      %dma_start3A_61 = arith.constant 0 : i32
      %dma_start3A_62 = arith.constant 0 : i32
      %dma_start3A_63 = tpu.memref_slice %arg7[%dma_start3A_61, %dma_start3A_62] : memref<10240x8xf32, #tpu.memory_space<vmem_shared>> -> memref<10240x8xf32, #tpu.memory_space<vmem_shared>>
      tpu.enqueue_indirect_dma source(%arg5 : memref<128x8xf32, #tpu.memory_space<vmem>>) target(%dma_start3A_63 : memref<10240x8xf32, #tpu.memory_space<vmem_shared>>) offsets(%dma_start3A_60 : memref<128xi32, #tpu.memory_space<vmem>>) semaphore(%arg8 : memref<!tpu.dma_semaphore, #tpu.memory_space<semaphore_mem>>) {add = true}
      %add3A_64 = arith.constant 5 : i32
      %add3A_65 = arith.addi %add3A_24, %add3A_64 : i32
      %dma_start3A_66 = arith.constant 0 : i32
      %dma_start3A_67 = tpu.memref_slice %arg4[%add3A_65, %dma_start3A_66] : memref<80x128xi32, #tpu.memory_space<vmem>> -> memref<1x128xi32, #tpu.memory_space<vmem>>
      %dma_start3A_68 = tpu.memref_squeeze %dma_start3A_67 : memref<1x128xi32, #tpu.memory_space<vmem>> -> memref<128xi32, #tpu.memory_space<vmem>>
      %dma_start3A_69 = arith.constant 0 : i32
      %dma_start3A_70 = arith.constant 0 : i32
      %dma_start3A_71 = tpu.memref_slice %arg7[%dma_start3A_69, %dma_start3A_70] : memref<10240x8xf32, #tpu.memory_space<vmem_shared>> -> memref<10240x8xf32, #tpu.memory_space<vmem_shared>>
      tpu.enqueue_indirect_dma source(%arg5 : memref<128x8xf32, #tpu.memory_space<vmem>>) target(%dma_start3A_71 : memref<10240x8xf32, #tpu.memory_space<vmem_shared>>) offsets(%dma_start3A_68 : memref<128xi32, #tpu.memory_space<vmem>>) semaphore(%arg8 : memref<!tpu.dma_semaphore, #tpu.memory_space<semaphore_mem>>) {add = true}
      %add3A_72 = arith.constant 6 : i32
      %add3A_73 = arith.addi %add3A_24, %add3A_72 : i32
      %dma_start3A_74 = arith.constant 0 : i32
      %dma_start3A_75 = tpu.memref_slice %arg4[%add3A_73, %dma_start3A_74] : memref<80x128xi32, #tpu.memory_space<vmem>> -> memref<1x128xi32, #tpu.memory_space<vmem>>
      %dma_start3A_76 = tpu.memref_squeeze %dma_start3A_75 : memref<1x128xi32, #tpu.memory_space<vmem>> -> memref<128xi32, #tpu.memory_space<vmem>>
      %dma_start3A_77 = arith.constant 0 : i32
      %dma_start3A_78 = arith.constant 0 : i32
      %dma_start3A_79 = tpu.memref_slice %arg7[%dma_start3A_77, %dma_start3A_78] : memref<10240x8xf32, #tpu.memory_space<vmem_shared>> -> memref<10240x8xf32, #tpu.memory_space<vmem_shared>>
      tpu.enqueue_indirect_dma source(%arg5 : memref<128x8xf32, #tpu.memory_space<vmem>>) target(%dma_start3A_79 : memref<10240x8xf32, #tpu.memory_space<vmem_shared>>) offsets(%dma_start3A_76 : memref<128xi32, #tpu.memory_space<vmem>>) semaphore(%arg8 : memref<!tpu.dma_semaphore, #tpu.memory_space<semaphore_mem>>) {add = true}
      %add3A_80 = arith.constant 7 : i32
      %add3A_81 = arith.addi %add3A_24, %add3A_80 : i32
      %dma_start3A_82 = arith.constant 0 : i32
      %dma_start3A_83 = tpu.memref_slice %arg4[%add3A_81, %dma_start3A_82] : memref<80x128xi32, #tpu.memory_space<vmem>> -> memref<1x128xi32, #tpu.memory_space<vmem>>
      %dma_start3A_84 = tpu.memref_squeeze %dma_start3A_83 : memref<1x128xi32, #tpu.memory_space<vmem>> -> memref<128xi32, #tpu.memory_space<vmem>>
      %dma_start3A_85 = arith.constant 0 : i32
      %dma_start3A_86 = arith.constant 0 : i32
      %dma_start3A_87 = tpu.memref_slice %arg7[%dma_start3A_85, %dma_start3A_86] : memref<10240x8xf32, #tpu.memory_space<vmem_shared>> -> memref<10240x8xf32, #tpu.memory_space<vmem_shared>>
      tpu.enqueue_indirect_dma source(%arg5 : memref<128x8xf32, #tpu.memory_space<vmem>>) target(%dma_start3A_87 : memref<10240x8xf32, #tpu.memory_space<vmem_shared>>) offsets(%dma_start3A_84 : memref<128xi32, #tpu.memory_space<vmem>>) semaphore(%arg8 : memref<!tpu.dma_semaphore, #tpu.memory_space<semaphore_mem>>) {add = true}
      %add3A_88 = arith.constant 8 : i32
      %add3A_89 = arith.addi %add3A_24, %add3A_88 : i32
      %dma_start3A_90 = arith.constant 0 : i32
      %dma_start3A_91 = tpu.memref_slice %arg4[%add3A_89, %dma_start3A_90] : memref<80x128xi32, #tpu.memory_space<vmem>> -> memref<1x128xi32, #tpu.memory_space<vmem>>
      %dma_start3A_92 = tpu.memref_squeeze %dma_start3A_91 : memref<1x128xi32, #tpu.memory_space<vmem>> -> memref<128xi32, #tpu.memory_space<vmem>>
      %dma_start3A_93 = arith.constant 0 : i32
      %dma_start3A_94 = arith.constant 0 : i32
      %dma_start3A_95 = tpu.memref_slice %arg7[%dma_start3A_93, %dma_start3A_94] : memref<10240x8xf32, #tpu.memory_space<vmem_shared>> -> memref<10240x8xf32, #tpu.memory_space<vmem_shared>>
      tpu.enqueue_indirect_dma source(%arg5 : memref<128x8xf32, #tpu.memory_space<vmem>>) target(%dma_start3A_95 : memref<10240x8xf32, #tpu.memory_space<vmem_shared>>) offsets(%dma_start3A_92 : memref<128xi32, #tpu.memory_space<vmem>>) semaphore(%arg8 : memref<!tpu.dma_semaphore, #tpu.memory_space<semaphore_mem>>) {add = true}
      %add3A_96 = arith.constant 9 : i32
      %add3A_97 = arith.addi %add3A_24, %add3A_96 : i32
      %dma_start3A_98 = arith.constant 0 : i32
      %dma_start3A_99 = tpu.memref_slice %arg4[%add3A_97, %dma_start3A_98] : memref<80x128xi32, #tpu.memory_space<vmem>> -> memref<1x128xi32, #tpu.memory_space<vmem>>
      %dma_start3A_100 = tpu.memref_squeeze %dma_start3A_99 : memref<1x128xi32, #tpu.memory_space<vmem>> -> memref<128xi32, #tpu.memory_space<vmem>>
      %dma_start3A_101 = arith.constant 0 : i32
      %dma_start3A_102 = arith.constant 0 : i32
      %dma_start3A_103 = tpu.memref_slice %arg7[%dma_start3A_101, %dma_start3A_102] : memref<10240x8xf32, #tpu.memory_space<vmem_shared>> -> memref<10240x8xf32, #tpu.memory_space<vmem_shared>>
      tpu.enqueue_indirect_dma source(%arg5 : memref<128x8xf32, #tpu.memory_space<vmem>>) target(%dma_start3A_103 : memref<10240x8xf32, #tpu.memory_space<vmem_shared>>) offsets(%dma_start3A_100 : memref<128xi32, #tpu.memory_space<vmem>>) semaphore(%arg8 : memref<!tpu.dma_semaphore, #tpu.memory_space<semaphore_mem>>) {add = true}
      %add3A_104 = arith.constant 10 : i32
      %add3A_105 = arith.addi %add3A_24, %add3A_104 : i32
      %dma_start3A_106 = arith.constant 0 : i32
      %dma_start3A_107 = tpu.memref_slice %arg4[%add3A_105, %dma_start3A_106] : memref<80x128xi32, #tpu.memory_space<vmem>> -> memref<1x128xi32, #tpu.memory_space<vmem>>
      %dma_start3A_108 = tpu.memref_squeeze %dma_start3A_107 : memref<1x128xi32, #tpu.memory_space<vmem>> -> memref<128xi32, #tpu.memory_space<vmem>>
      %dma_start3A_109 = arith.constant 0 : i32
      %dma_start3A_110 = arith.constant 0 : i32
      %dma_start3A_111 = tpu.memref_slice %arg7[%dma_start3A_109, %dma_start3A_110] : memref<10240x8xf32, #tpu.memory_space<vmem_shared>> -> memref<10240x8xf32, #tpu.memory_space<vmem_shared>>
      tpu.enqueue_indirect_dma source(%arg5 : memref<128x8xf32, #tpu.memory_space<vmem>>) target(%dma_start3A_111 : memref<10240x8xf32, #tpu.memory_space<vmem_shared>>) offsets(%dma_start3A_108 : memref<128xi32, #tpu.memory_space<vmem>>) semaphore(%arg8 : memref<!tpu.dma_semaphore, #tpu.memory_space<semaphore_mem>>) {add = true}
      %add3A_112 = arith.constant 11 : i32
      %add3A_113 = arith.addi %add3A_24, %add3A_112 : i32
      %dma_start3A_114 = arith.constant 0 : i32
      %dma_start3A_115 = tpu.memref_slice %arg4[%add3A_113, %dma_start3A_114] : memref<80x128xi32, #tpu.memory_space<vmem>> -> memref<1x128xi32, #tpu.memory_space<vmem>>
      %dma_start3A_116 = tpu.memref_squeeze %dma_start3A_115 : memref<1x128xi32, #tpu.memory_space<vmem>> -> memref<128xi32, #tpu.memory_space<vmem>>
      %dma_start3A_117 = arith.constant 0 : i32
      %dma_start3A_118 = arith.constant 0 : i32
      %dma_start3A_119 = tpu.memref_slice %arg7[%dma_start3A_117, %dma_start3A_118] : memref<10240x8xf32, #tpu.memory_space<vmem_shared>> -> memref<10240x8xf32, #tpu.memory_space<vmem_shared>>
      tpu.enqueue_indirect_dma source(%arg5 : memref<128x8xf32, #tpu.memory_space<vmem>>) target(%dma_start3A_119 : memref<10240x8xf32, #tpu.memory_space<vmem_shared>>) offsets(%dma_start3A_116 : memref<128xi32, #tpu.memory_space<vmem>>) semaphore(%arg8 : memref<!tpu.dma_semaphore, #tpu.memory_space<semaphore_mem>>) {add = true}
      %add3A_120 = arith.constant 12 : i32
      %add3A_121 = arith.addi %add3A_24, %add3A_120 : i32
      %dma_start3A_122 = arith.constant 0 : i32
      %dma_start3A_123 = tpu.memref_slice %arg4[%add3A_121, %dma_start3A_122] : memref<80x128xi32, #tpu.memory_space<vmem>> -> memref<1x128xi32, #tpu.memory_space<vmem>>
      %dma_start3A_124 = tpu.memref_squeeze %dma_start3A_123 : memref<1x128xi32, #tpu.memory_space<vmem>> -> memref<128xi32, #tpu.memory_space<vmem>>
      %dma_start3A_125 = arith.constant 0 : i32
      %dma_start3A_126 = arith.constant 0 : i32
      %dma_start3A_127 = tpu.memref_slice %arg7[%dma_start3A_125, %dma_start3A_126] : memref<10240x8xf32, #tpu.memory_space<vmem_shared>> -> memref<10240x8xf32, #tpu.memory_space<vmem_shared>>
      tpu.enqueue_indirect_dma source(%arg5 : memref<128x8xf32, #tpu.memory_space<vmem>>) target(%dma_start3A_127 : memref<10240x8xf32, #tpu.memory_space<vmem_shared>>) offsets(%dma_start3A_124 : memref<128xi32, #tpu.memory_space<vmem>>) semaphore(%arg8 : memref<!tpu.dma_semaphore, #tpu.memory_space<semaphore_mem>>) {add = true}
      %add3A_128 = arith.constant 13 : i32
      %add3A_129 = arith.addi %add3A_24, %add3A_128 : i32
      %dma_start3A_130 = arith.constant 0 : i32
      %dma_start3A_131 = tpu.memref_slice %arg4[%add3A_129, %dma_start3A_130] : memref<80x128xi32, #tpu.memory_space<vmem>> -> memref<1x128xi32, #tpu.memory_space<vmem>>
      %dma_start3A_132 = tpu.memref_squeeze %dma_start3A_131 : memref<1x128xi32, #tpu.memory_space<vmem>> -> memref<128xi32, #tpu.memory_space<vmem>>
      %dma_start3A_133 = arith.constant 0 : i32
      %dma_start3A_134 = arith.constant 0 : i32
      %dma_start3A_135 = tpu.memref_slice %arg7[%dma_start3A_133, %dma_start3A_134] : memref<10240x8xf32, #tpu.memory_space<vmem_shared>> -> memref<10240x8xf32, #tpu.memory_space<vmem_shared>>
      tpu.enqueue_indirect_dma source(%arg5 : memref<128x8xf32, #tpu.memory_space<vmem>>) target(%dma_start3A_135 : memref<10240x8xf32, #tpu.memory_space<vmem_shared>>) offsets(%dma_start3A_132 : memref<128xi32, #tpu.memory_space<vmem>>) semaphore(%arg8 : memref<!tpu.dma_semaphore, #tpu.memory_space<semaphore_mem>>) {add = true}
      %add3A_136 = arith.constant 14 : i32
      %add3A_137 = arith.addi %add3A_24, %add3A_136 : i32
      %dma_start3A_138 = arith.constant 0 : i32
      %dma_start3A_139 = tpu.memref_slice %arg4[%add3A_137, %dma_start3A_138] : memref<80x128xi32, #tpu.memory_space<vmem>> -> memref<1x128xi32, #tpu.memory_space<vmem>>
      %dma_start3A_140 = tpu.memref_squeeze %dma_start3A_139 : memref<1x128xi32, #tpu.memory_space<vmem>> -> memref<128xi32, #tpu.memory_space<vmem>>
      %dma_start3A_141 = arith.constant 0 : i32
      %dma_start3A_142 = arith.constant 0 : i32
      %dma_start3A_143 = tpu.memref_slice %arg7[%dma_start3A_141, %dma_start3A_142] : memref<10240x8xf32, #tpu.memory_space<vmem_shared>> -> memref<10240x8xf32, #tpu.memory_space<vmem_shared>>
      tpu.enqueue_indirect_dma source(%arg5 : memref<128x8xf32, #tpu.memory_space<vmem>>) target(%dma_start3A_143 : memref<10240x8xf32, #tpu.memory_space<vmem_shared>>) offsets(%dma_start3A_140 : memref<128xi32, #tpu.memory_space<vmem>>) semaphore(%arg8 : memref<!tpu.dma_semaphore, #tpu.memory_space<semaphore_mem>>) {add = true}
      %add3A_144 = arith.constant 15 : i32
      %add3A_145 = arith.addi %add3A_24, %add3A_144 : i32
      %dma_start3A_146 = arith.constant 0 : i32
      %dma_start3A_147 = tpu.memref_slice %arg4[%add3A_145, %dma_start3A_146] : memref<80x128xi32, #tpu.memory_space<vmem>> -> memref<1x128xi32, #tpu.memory_space<vmem>>
      %dma_start3A_148 = tpu.memref_squeeze %dma_start3A_147 : memref<1x128xi32, #tpu.memory_space<vmem>> -> memref<128xi32, #tpu.memory_space<vmem>>
      %dma_start3A_149 = arith.constant 0 : i32
      %dma_start3A_150 = arith.constant 0 : i32
      %dma_start3A_151 = tpu.memref_slice %arg7[%dma_start3A_149, %dma_start3A_150] : memref<10240x8xf32, #tpu.memory_space<vmem_shared>> -> memref<10240x8xf32, #tpu.memory_space<vmem_shared>>
      tpu.enqueue_indirect_dma source(%arg5 : memref<128x8xf32, #tpu.memory_space<vmem>>) target(%dma_start3A_151 : memref<10240x8xf32, #tpu.memory_space<vmem_shared>>) offsets(%dma_start3A_148 : memref<128xi32, #tpu.memory_space<vmem>>) semaphore(%arg8 : memref<!tpu.dma_semaphore, #tpu.memory_space<semaphore_mem>>) {add = true}
      %dma_wait3A = arith.constant 0 : i32
      %dma_wait3A_152 = tpu.memref_slice %arg4[%add3A_26, %dma_wait3A] : memref<80x128xi32, #tpu.memory_space<vmem>> -> memref<1x128xi32, #tpu.memory_space<vmem>>
      %dma_wait3A_153 = tpu.memref_squeeze %dma_wait3A_152 : memref<1x128xi32, #tpu.memory_space<vmem>> -> memref<128xi32, #tpu.memory_space<vmem>>
      %dma_wait3A_154 = arith.constant 0 : i32
      %dma_wait3A_155 = arith.constant 0 : i32
      %dma_wait3A_156 = tpu.memref_slice %arg7[%dma_wait3A_154, %dma_wait3A_155] : memref<10240x8xf32, #tpu.memory_space<vmem_shared>> -> memref<10240x8xf32, #tpu.memory_space<vmem_shared>>
      tpu.wait_indirect_dma semaphore(%arg8 : memref<!tpu.dma_semaphore, #tpu.memory_space<semaphore_mem>>) src(%arg5 : memref<128x8xf32, #tpu.memory_space<vmem>>) dst(%dma_wait3A_156 : memref<10240x8xf32, #tpu.memory_space<vmem_shared>>)
      %dma_wait3A_157 = arith.constant 0 : i32
      %dma_wait3A_158 = tpu.memref_slice %arg4[%add3A_33, %dma_wait3A_157] : memref<80x128xi32, #tpu.memory_space<vmem>> -> memref<1x128xi32, #tpu.memory_space<vmem>>
      %dma_wait3A_159 = tpu.memref_squeeze %dma_wait3A_158 : memref<1x128xi32, #tpu.memory_space<vmem>> -> memref<128xi32, #tpu.memory_space<vmem>>
      %dma_wait3A_160 = arith.constant 0 : i32
      %dma_wait3A_161 = arith.constant 0 : i32
      %dma_wait3A_162 = tpu.memref_slice %arg7[%dma_wait3A_160, %dma_wait3A_161] : memref<10240x8xf32, #tpu.memory_space<vmem_shared>> -> memref<10240x8xf32, #tpu.memory_space<vmem_shared>>
      tpu.wait_indirect_dma semaphore(%arg8 : memref<!tpu.dma_semaphore, #tpu.memory_space<semaphore_mem>>) src(%arg5 : memref<128x8xf32, #tpu.memory_space<vmem>>) dst(%dma_wait3A_162 : memref<10240x8xf32, #tpu.memory_space<vmem_shared>>)
      %dma_wait3A_163 = arith.constant 0 : i32
      %dma_wait3A_164 = tpu.memref_slice %arg4[%add3A_41, %dma_wait3A_163] : memref<80x128xi32, #tpu.memory_space<vmem>> -> memref<1x128xi32, #tpu.memory_space<vmem>>
      %dma_wait3A_165 = tpu.memref_squeeze %dma_wait3A_164 : memref<1x128xi32, #tpu.memory_space<vmem>> -> memref<128xi32, #tpu.memory_space<vmem>>
      %dma_wait3A_166 = arith.constant 0 : i32
      %dma_wait3A_167 = arith.constant 0 : i32
      %dma_wait3A_168 = tpu.memref_slice %arg7[%dma_wait3A_166, %dma_wait3A_167] : memref<10240x8xf32, #tpu.memory_space<vmem_shared>> -> memref<10240x8xf32, #tpu.memory_space<vmem_shared>>
      tpu.wait_indirect_dma semaphore(%arg8 : memref<!tpu.dma_semaphore, #tpu.memory_space<semaphore_mem>>) src(%arg5 : memref<128x8xf32, #tpu.memory_space<vmem>>) dst(%dma_wait3A_168 : memref<10240x8xf32, #tpu.memory_space<vmem_shared>>)
      %dma_wait3A_169 = arith.constant 0 : i32
      %dma_wait3A_170 = tpu.memref_slice %arg4[%add3A_49, %dma_wait3A_169] : memref<80x128xi32, #tpu.memory_space<vmem>> -> memref<1x128xi32, #tpu.memory_space<vmem>>
      %dma_wait3A_171 = tpu.memref_squeeze %dma_wait3A_170 : memref<1x128xi32, #tpu.memory_space<vmem>> -> memref<128xi32, #tpu.memory_space<vmem>>
      %dma_wait3A_172 = arith.constant 0 : i32
      %dma_wait3A_173 = arith.constant 0 : i32
      %dma_wait3A_174 = tpu.memref_slice %arg7[%dma_wait3A_172, %dma_wait3A_173] : memref<10240x8xf32, #tpu.memory_space<vmem_shared>> -> memref<10240x8xf32, #tpu.memory_space<vmem_shared>>
      tpu.wait_indirect_dma semaphore(%arg8 : memref<!tpu.dma_semaphore, #tpu.memory_space<semaphore_mem>>) src(%arg5 : memref<128x8xf32, #tpu.memory_space<vmem>>) dst(%dma_wait3A_174 : memref<10240x8xf32, #tpu.memory_space<vmem_shared>>)
      %dma_wait3A_175 = arith.constant 0 : i32
      %dma_wait3A_176 = tpu.memref_slice %arg4[%add3A_57, %dma_wait3A_175] : memref<80x128xi32, #tpu.memory_space<vmem>> -> memref<1x128xi32, #tpu.memory_space<vmem>>
      %dma_wait3A_177 = tpu.memref_squeeze %dma_wait3A_176 : memref<1x128xi32, #tpu.memory_space<vmem>> -> memref<128xi32, #tpu.memory_space<vmem>>
      %dma_wait3A_178 = arith.constant 0 : i32
      %dma_wait3A_179 = arith.constant 0 : i32
      %dma_wait3A_180 = tpu.memref_slice %arg7[%dma_wait3A_178, %dma_wait3A_179] : memref<10240x8xf32, #tpu.memory_space<vmem_shared>> -> memref<10240x8xf32, #tpu.memory_space<vmem_shared>>
      tpu.wait_indirect_dma semaphore(%arg8 : memref<!tpu.dma_semaphore, #tpu.memory_space<semaphore_mem>>) src(%arg5 : memref<128x8xf32, #tpu.memory_space<vmem>>) dst(%dma_wait3A_180 : memref<10240x8xf32, #tpu.memory_space<vmem_shared>>)
      %dma_wait3A_181 = arith.constant 0 : i32
      %dma_wait3A_182 = tpu.memref_slice %arg4[%add3A_65, %dma_wait3A_181] : memref<80x128xi32, #tpu.memory_space<vmem>> -> memref<1x128xi32, #tpu.memory_space<vmem>>
      %dma_wait3A_183 = tpu.memref_squeeze %dma_wait3A_182 : memref<1x128xi32, #tpu.memory_space<vmem>> -> memref<128xi32, #tpu.memory_space<vmem>>
      %dma_wait3A_184 = arith.constant 0 : i32
      %dma_wait3A_185 = arith.constant 0 : i32
      %dma_wait3A_186 = tpu.memref_slice %arg7[%dma_wait3A_184, %dma_wait3A_185] : memref<10240x8xf32, #tpu.memory_space<vmem_shared>> -> memref<10240x8xf32, #tpu.memory_space<vmem_shared>>
      tpu.wait_indirect_dma semaphore(%arg8 : memref<!tpu.dma_semaphore, #tpu.memory_space<semaphore_mem>>) src(%arg5 : memref<128x8xf32, #tpu.memory_space<vmem>>) dst(%dma_wait3A_186 : memref<10240x8xf32, #tpu.memory_space<vmem_shared>>)
      %dma_wait3A_187 = arith.constant 0 : i32
      %dma_wait3A_188 = tpu.memref_slice %arg4[%add3A_73, %dma_wait3A_187] : memref<80x128xi32, #tpu.memory_space<vmem>> -> memref<1x128xi32, #tpu.memory_space<vmem>>
      %dma_wait3A_189 = tpu.memref_squeeze %dma_wait3A_188 : memref<1x128xi32, #tpu.memory_space<vmem>> -> memref<128xi32, #tpu.memory_space<vmem>>
      %dma_wait3A_190 = arith.constant 0 : i32
      %dma_wait3A_191 = arith.constant 0 : i32
      %dma_wait3A_192 = tpu.memref_slice %arg7[%dma_wait3A_190, %dma_wait3A_191] : memref<10240x8xf32, #tpu.memory_space<vmem_shared>> -> memref<10240x8xf32, #tpu.memory_space<vmem_shared>>
      tpu.wait_indirect_dma semaphore(%arg8 : memref<!tpu.dma_semaphore, #tpu.memory_space<semaphore_mem>>) src(%arg5 : memref<128x8xf32, #tpu.memory_space<vmem>>) dst(%dma_wait3A_192 : memref<10240x8xf32, #tpu.memory_space<vmem_shared>>)
      %dma_wait3A_193 = arith.constant 0 : i32
      %dma_wait3A_194 = tpu.memref_slice %arg4[%add3A_81, %dma_wait3A_193] : memref<80x128xi32, #tpu.memory_space<vmem>> -> memref<1x128xi32, #tpu.memory_space<vmem>>
      %dma_wait3A_195 = tpu.memref_squeeze %dma_wait3A_194 : memref<1x128xi32, #tpu.memory_space<vmem>> -> memref<128xi32, #tpu.memory_space<vmem>>
      %dma_wait3A_196 = arith.constant 0 : i32
      %dma_wait3A_197 = arith.constant 0 : i32
      %dma_wait3A_198 = tpu.memref_slice %arg7[%dma_wait3A_196, %dma_wait3A_197] : memref<10240x8xf32, #tpu.memory_space<vmem_shared>> -> memref<10240x8xf32, #tpu.memory_space<vmem_shared>>
      tpu.wait_indirect_dma semaphore(%arg8 : memref<!tpu.dma_semaphore, #tpu.memory_space<semaphore_mem>>) src(%arg5 : memref<128x8xf32, #tpu.memory_space<vmem>>) dst(%dma_wait3A_198 : memref<10240x8xf32, #tpu.memory_space<vmem_shared>>)
      %dma_wait3A_199 = arith.constant 0 : i32
      %dma_wait3A_200 = tpu.memref_slice %arg4[%add3A_89, %dma_wait3A_199] : memref<80x128xi32, #tpu.memory_space<vmem>> -> memref<1x128xi32, #tpu.memory_space<vmem>>
      %dma_wait3A_201 = tpu.memref_squeeze %dma_wait3A_200 : memref<1x128xi32, #tpu.memory_space<vmem>> -> memref<128xi32, #tpu.memory_space<vmem>>
      %dma_wait3A_202 = arith.constant 0 : i32
      %dma_wait3A_203 = arith.constant 0 : i32
      %dma_wait3A_204 = tpu.memref_slice %arg7[%dma_wait3A_202, %dma_wait3A_203] : memref<10240x8xf32, #tpu.memory_space<vmem_shared>> -> memref<10240x8xf32, #tpu.memory_space<vmem_shared>>
      tpu.wait_indirect_dma semaphore(%arg8 : memref<!tpu.dma_semaphore, #tpu.memory_space<semaphore_mem>>) src(%arg5 : memref<128x8xf32, #tpu.memory_space<vmem>>) dst(%dma_wait3A_204 : memref<10240x8xf32, #tpu.memory_space<vmem_shared>>)
      %dma_wait3A_205 = arith.constant 0 : i32
      %dma_wait3A_206 = tpu.memref_slice %arg4[%add3A_97, %dma_wait3A_205] : memref<80x128xi32, #tpu.memory_space<vmem>> -> memref<1x128xi32, #tpu.memory_space<vmem>>
      %dma_wait3A_207 = tpu.memref_squeeze %dma_wait3A_206 : memref<1x128xi32, #tpu.memory_space<vmem>> -> memref<128xi32, #tpu.memory_space<vmem>>
      %dma_wait3A_208 = arith.constant 0 : i32
      %dma_wait3A_209 = arith.constant 0 : i32
      %dma_wait3A_210 = tpu.memref_slice %arg7[%dma_wait3A_208, %dma_wait3A_209] : memref<10240x8xf32, #tpu.memory_space<vmem_shared>> -> memref<10240x8xf32, #tpu.memory_space<vmem_shared>>
      tpu.wait_indirect_dma semaphore(%arg8 : memref<!tpu.dma_semaphore, #tpu.memory_space<semaphore_mem>>) src(%arg5 : memref<128x8xf32, #tpu.memory_space<vmem>>) dst(%dma_wait3A_210 : memref<10240x8xf32, #tpu.memory_space<vmem_shared>>)
      %dma_wait3A_211 = arith.constant 0 : i32
      %dma_wait3A_212 = tpu.memref_slice %arg4[%add3A_105, %dma_wait3A_211] : memref<80x128xi32, #tpu.memory_space<vmem>> -> memref<1x128xi32, #tpu.memory_space<vmem>>
      %dma_wait3A_213 = tpu.memref_squeeze %dma_wait3A_212 : memref<1x128xi32, #tpu.memory_space<vmem>> -> memref<128xi32, #tpu.memory_space<vmem>>
      %dma_wait3A_214 = arith.constant 0 : i32
      %dma_wait3A_215 = arith.constant 0 : i32
      %dma_wait3A_216 = tpu.memref_slice %arg7[%dma_wait3A_214, %dma_wait3A_215] : memref<10240x8xf32, #tpu.memory_space<vmem_shared>> -> memref<10240x8xf32, #tpu.memory_space<vmem_shared>>
      tpu.wait_indirect_dma semaphore(%arg8 : memref<!tpu.dma_semaphore, #tpu.memory_space<semaphore_mem>>) src(%arg5 : memref<128x8xf32, #tpu.memory_space<vmem>>) dst(%dma_wait3A_216 : memref<10240x8xf32, #tpu.memory_space<vmem_shared>>)
      %dma_wait3A_217 = arith.constant 0 : i32
      %dma_wait3A_218 = tpu.memref_slice %arg4[%add3A_113, %dma_wait3A_217] : memref<80x128xi32, #tpu.memory_space<vmem>> -> memref<1x128xi32, #tpu.memory_space<vmem>>
      %dma_wait3A_219 = tpu.memref_squeeze %dma_wait3A_218 : memref<1x128xi32, #tpu.memory_space<vmem>> -> memref<128xi32, #tpu.memory_space<vmem>>
      %dma_wait3A_220 = arith.constant 0 : i32
      %dma_wait3A_221 = arith.constant 0 : i32
      %dma_wait3A_222 = tpu.memref_slice %arg7[%dma_wait3A_220, %dma_wait3A_221] : memref<10240x8xf32, #tpu.memory_space<vmem_shared>> -> memref<10240x8xf32, #tpu.memory_space<vmem_shared>>
      tpu.wait_indirect_dma semaphore(%arg8 : memref<!tpu.dma_semaphore, #tpu.memory_space<semaphore_mem>>) src(%arg5 : memref<128x8xf32, #tpu.memory_space<vmem>>) dst(%dma_wait3A_222 : memref<10240x8xf32, #tpu.memory_space<vmem_shared>>)
      %dma_wait3A_223 = arith.constant 0 : i32
      %dma_wait3A_224 = tpu.memref_slice %arg4[%add3A_121, %dma_wait3A_223] : memref<80x128xi32, #tpu.memory_space<vmem>> -> memref<1x128xi32, #tpu.memory_space<vmem>>
      %dma_wait3A_225 = tpu.memref_squeeze %dma_wait3A_224 : memref<1x128xi32, #tpu.memory_space<vmem>> -> memref<128xi32, #tpu.memory_space<vmem>>
      %dma_wait3A_226 = arith.constant 0 : i32
      %dma_wait3A_227 = arith.constant 0 : i32
      %dma_wait3A_228 = tpu.memref_slice %arg7[%dma_wait3A_226, %dma_wait3A_227] : memref<10240x8xf32, #tpu.memory_space<vmem_shared>> -> memref<10240x8xf32, #tpu.memory_space<vmem_shared>>
      tpu.wait_indirect_dma semaphore(%arg8 : memref<!tpu.dma_semaphore, #tpu.memory_space<semaphore_mem>>) src(%arg5 : memref<128x8xf32, #tpu.memory_space<vmem>>) dst(%dma_wait3A_228 : memref<10240x8xf32, #tpu.memory_space<vmem_shared>>)
      %dma_wait3A_229 = arith.constant 0 : i32
      %dma_wait3A_230 = tpu.memref_slice %arg4[%add3A_129, %dma_wait3A_229] : memref<80x128xi32, #tpu.memory_space<vmem>> -> memref<1x128xi32, #tpu.memory_space<vmem>>
      %dma_wait3A_231 = tpu.memref_squeeze %dma_wait3A_230 : memref<1x128xi32, #tpu.memory_space<vmem>> -> memref<128xi32, #tpu.memory_space<vmem>>
      %dma_wait3A_232 = arith.constant 0 : i32
      %dma_wait3A_233 = arith.constant 0 : i32
      %dma_wait3A_234 = tpu.memref_slice %arg7[%dma_wait3A_232, %dma_wait3A_233] : memref<10240x8xf32, #tpu.memory_space<vmem_shared>> -> memref<10240x8xf32, #tpu.memory_space<vmem_shared>>
      tpu.wait_indirect_dma semaphore(%arg8 : memref<!tpu.dma_semaphore, #tpu.memory_space<semaphore_mem>>) src(%arg5 : memref<128x8xf32, #tpu.memory_space<vmem>>) dst(%dma_wait3A_234 : memref<10240x8xf32, #tpu.memory_space<vmem_shared>>)
      %dma_wait3A_235 = arith.constant 0 : i32
      %dma_wait3A_236 = tpu.memref_slice %arg4[%add3A_137, %dma_wait3A_235] : memref<80x128xi32, #tpu.memory_space<vmem>> -> memref<1x128xi32, #tpu.memory_space<vmem>>
      %dma_wait3A_237 = tpu.memref_squeeze %dma_wait3A_236 : memref<1x128xi32, #tpu.memory_space<vmem>> -> memref<128xi32, #tpu.memory_space<vmem>>
      %dma_wait3A_238 = arith.constant 0 : i32
      %dma_wait3A_239 = arith.constant 0 : i32
      %dma_wait3A_240 = tpu.memref_slice %arg7[%dma_wait3A_238, %dma_wait3A_239] : memref<10240x8xf32, #tpu.memory_space<vmem_shared>> -> memref<10240x8xf32, #tpu.memory_space<vmem_shared>>
      tpu.wait_indirect_dma semaphore(%arg8 : memref<!tpu.dma_semaphore, #tpu.memory_space<semaphore_mem>>) src(%arg5 : memref<128x8xf32, #tpu.memory_space<vmem>>) dst(%dma_wait3A_240 : memref<10240x8xf32, #tpu.memory_space<vmem_shared>>)
      %dma_wait3A_241 = arith.constant 0 : i32
      %dma_wait3A_242 = tpu.memref_slice %arg4[%add3A_145, %dma_wait3A_241] : memref<80x128xi32, #tpu.memory_space<vmem>> -> memref<1x128xi32, #tpu.memory_space<vmem>>
      %dma_wait3A_243 = tpu.memref_squeeze %dma_wait3A_242 : memref<1x128xi32, #tpu.memory_space<vmem>> -> memref<128xi32, #tpu.memory_space<vmem>>
      %dma_wait3A_244 = arith.constant 0 : i32
      %dma_wait3A_245 = arith.constant 0 : i32
      %dma_wait3A_246 = tpu.memref_slice %arg7[%dma_wait3A_244, %dma_wait3A_245] : memref<10240x8xf32, #tpu.memory_space<vmem_shared>> -> memref<10240x8xf32, #tpu.memory_space<vmem_shared>>
      tpu.wait_indirect_dma semaphore(%arg8 : memref<!tpu.dma_semaphore, #tpu.memory_space<semaphore_mem>>) src(%arg5 : memref<128x8xf32, #tpu.memory_space<vmem>>) dst(%dma_wait3A_246 : memref<10240x8xf32, #tpu.memory_space<vmem_shared>>)
    }
    %scan3A_16 = arith.constant 5 : i32
    %barrier3A_17 = arith.constant 0 : index
    tpu.barrier barrier_id(%barrier3A_17)
    %mul3A_18 = arith.constant 640 : i32
    %mul3A_19 = arith.muli %arg1, %mul3A_18 : i32
    "tpu.region"() ({
      %run_scoped3A = tpu.sem_alloc : memref<!tpu.dma_semaphore, #tpu.memory_space<semaphore_mem>>
      %dma_start3A = arith.constant 0 : i32
      %dma_start3A_20 = tpu.memref_slice %arg7[%mul3A_19, %dma_start3A] : memref<10240x8xf32, #tpu.memory_space<vmem_shared>> -> memref<640x8xf32, #tpu.memory_space<vmem_shared>>
      %dma_start3A_21 = arith.constant 0 : i32
      %dma_start3A_22 = tpu.memref_slice %arg7[%mul3A_19, %dma_start3A_21] : memref<10240x8xf32, #tpu.memory_space<vmem_shared>> -> memref<640x8xf32, #tpu.memory_space<vmem_shared>>
      tpu.enqueue_dma source(%dma_start3A_22 : memref<640x8xf32, #tpu.memory_space<vmem_shared>>) target(%arg6 : memref<640x8xf32, #tpu.memory_space<vmem>>) target_semaphore(%run_scoped3A : memref<!tpu.dma_semaphore, #tpu.memory_space<semaphore_mem>>)
      %dma_wait3A = arith.constant 0 : i32
      %dma_wait3A_23 = tpu.memref_slice %arg7[%mul3A_19, %dma_wait3A] : memref<10240x8xf32, #tpu.memory_space<vmem_shared>> -> memref<640x8xf32, #tpu.memory_space<vmem_shared>>
      %dma_wait3A_24 = arith.constant 0 : i32
      %dma_wait3A_25 = tpu.memref_slice %arg7[%mul3A_19, %dma_wait3A_24] : memref<10240x8xf32, #tpu.memory_space<vmem_shared>> -> memref<640x8xf32, #tpu.memory_space<vmem_shared>>
      tpu.wait_dma2 semaphore(%run_scoped3A : memref<!tpu.dma_semaphore, #tpu.memory_space<semaphore_mem>>) src(%dma_wait3A_25 : memref<640x8xf32, #tpu.memory_space<vmem_shared>>) dst(%arg6 : memref<640x8xf32, #tpu.memory_space<vmem>>)
      tpu.yield
    }) : () -> ()
    "tpu.region"() ({
      %run_scoped3A = tpu.sem_alloc : memref<!tpu.dma_semaphore, #tpu.memory_space<semaphore_mem>>
      %dma_start3A = arith.constant 0 : i32
      %dma_start3A_20 = arith.constant 0 : i32
      %dma_start3A_21 = tpu.memref_slice %arg3[%arg0, %dma_start3A, %dma_start3A_20] : memref<2x10240x8xf32, #tpu.memory_space<hbm>> -> memref<1x10240x8xf32, #tpu.memory_space<hbm>>
      %dma_start3A_22 = tpu.memref_squeeze %dma_start3A_21 : memref<1x10240x8xf32, #tpu.memory_space<hbm>> -> memref<10240x8xf32, #tpu.memory_space<hbm>>
      %dma_start3A_23 = arith.constant 0 : i32
      %dma_start3A_24 = tpu.memref_slice %dma_start3A_22[%mul3A_19, %dma_start3A_23] : memref<10240x8xf32, #tpu.memory_space<hbm>> -> memref<640x8xf32, #tpu.memory_space<hbm>>
      %dma_start3A_25 = arith.constant 0 : i32
      %dma_start3A_26 = arith.constant 0 : i32
      %dma_start3A_27 = tpu.memref_slice %arg3[%arg0, %dma_start3A_25, %dma_start3A_26] : memref<2x10240x8xf32, #tpu.memory_space<hbm>> -> memref<1x10240x8xf32, #tpu.memory_space<hbm>>
      %dma_start3A_28 = tpu.memref_squeeze %dma_start3A_27 : memref<1x10240x8xf32, #tpu.memory_space<hbm>> -> memref<10240x8xf32, #tpu.memory_space<hbm>>
      %dma_start3A_29 = arith.constant 0 : i32
      %dma_start3A_30 = tpu.memref_slice %dma_start3A_28[%mul3A_19, %dma_start3A_29] : memref<10240x8xf32, #tpu.memory_space<hbm>> -> memref<640x8xf32, #tpu.memory_space<hbm>>
      tpu.enqueue_dma source(%arg6 : memref<640x8xf32, #tpu.memory_space<vmem>>) target(%dma_start3A_30 : memref<640x8xf32, #tpu.memory_space<hbm>>) target_semaphore(%run_scoped3A : memref<!tpu.dma_semaphore, #tpu.memory_space<semaphore_mem>>)
      %dma_wait3A = arith.constant 0 : i32
      %dma_wait3A_31 = arith.constant 0 : i32
      %dma_wait3A_32 = tpu.memref_slice %arg3[%arg0, %dma_wait3A, %dma_wait3A_31] : memref<2x10240x8xf32, #tpu.memory_space<hbm>> -> memref<1x10240x8xf32, #tpu.memory_space<hbm>>
      %dma_wait3A_33 = tpu.memref_squeeze %dma_wait3A_32 : memref<1x10240x8xf32, #tpu.memory_space<hbm>> -> memref<10240x8xf32, #tpu.memory_space<hbm>>
      %dma_wait3A_34 = arith.constant 0 : i32
      %dma_wait3A_35 = tpu.memref_slice %dma_wait3A_33[%mul3A_19, %dma_wait3A_34] : memref<10240x8xf32, #tpu.memory_space<hbm>> -> memref<640x8xf32, #tpu.memory_space<hbm>>
      %dma_wait3A_36 = arith.constant 0 : i32
      %dma_wait3A_37 = arith.constant 0 : i32
      %dma_wait3A_38 = tpu.memref_slice %arg3[%arg0, %dma_wait3A_36, %dma_wait3A_37] : memref<2x10240x8xf32, #tpu.memory_space<hbm>> -> memref<1x10240x8xf32, #tpu.memory_space<hbm>>
      %dma_wait3A_39 = tpu.memref_squeeze %dma_wait3A_38 : memref<1x10240x8xf32, #tpu.memory_space<hbm>> -> memref<10240x8xf32, #tpu.memory_space<hbm>>
      %dma_wait3A_40 = arith.constant 0 : i32
      %dma_wait3A_41 = tpu.memref_slice %dma_wait3A_39[%mul3A_19, %dma_wait3A_40] : memref<10240x8xf32, #tpu.memory_space<hbm>> -> memref<640x8xf32, #tpu.memory_space<hbm>>
      tpu.wait_dma2 semaphore(%run_scoped3A : memref<!tpu.dma_semaphore, #tpu.memory_space<semaphore_mem>>) src(%arg6 : memref<640x8xf32, #tpu.memory_space<vmem>>) dst(%dma_wait3A_41 : memref<640x8xf32, #tpu.memory_space<hbm>>)
      tpu.yield
    }) : () -> ()
    return
  }
}

module attributes {stable_mosaic.version = 14 : i64} {
  func.func @_xw_scale_body(%arg0: memref<10240x128xf32, #tpu.memory_space<vmem>>, %arg1: memref<128x64xf32, #tpu.memory_space<vmem>>, %arg2: memref<2x10240x1xf32, #tpu.memory_space<vmem>>, %arg3: memref<10240x64xf32, #tpu.memory_space<vmem>>, %arg4: memref<10240x1xf32, #tpu.memory_space<vmem>>) attributes {dimension_semantics = [], scalar_prefetch = 0 : i64, scratch_operands = 0 : i64, tpu.core_type = #tpu.core_type<tc>} {
    %get3A = arith.constant 0 : index
    %get3A_0 = arith.constant 0 : index
    %get3A_1 = vector.load %arg0[%get3A, %get3A_0] : memref<10240x128xf32, #tpu.memory_space<vmem>>, vector<10240x128xf32>
    %get3A_2 = arith.constant 0 : index
    %get3A_3 = arith.constant 0 : index
    %get3A_4 = vector.load %arg1[%get3A_2, %get3A_3] : memref<128x64xf32, #tpu.memory_space<vmem>>, vector<128x64xf32>
    %dot_general3A = arith.constant dense<0.000000e+00> : vector<10240x64xf32>
    %dot_general3A_5 = tpu.matmul %get3A_1, %get3A_4, %dot_general3A {dimension_numbers = #tpu.dot_dimension_numbers<[1], [0], [0], [1], [0, 0, 1, 1], [], []>, transpose_lhs_hint = false} : vector<10240x128xf32>, vector<128x64xf32>, vector<10240x64xf32> -> vector<10240x64xf32>
    %get3A_6 = arith.constant 0 : index
    %get3A_7 = arith.constant 0 : index
    %get3A_8 = arith.constant 0 : index
    %get3A_9 = vector.load %arg2[%get3A_6, %get3A_7, %get3A_8] : memref<2x10240x1xf32, #tpu.memory_space<vmem>>, vector<1x10240x1xf32>
    %get3A_10 = vector.shape_cast %get3A_9 : vector<1x10240x1xf32> to vector<10240x1xf32>
    %get3A_11 = arith.constant 1 : index
    %get3A_12 = arith.constant 0 : index
    %get3A_13 = arith.constant 0 : index
    %get3A_14 = vector.load %arg2[%get3A_11, %get3A_12, %get3A_13] : memref<2x10240x1xf32, #tpu.memory_space<vmem>>, vector<1x10240x1xf32>
    %get3A_15 = vector.shape_cast %get3A_14 : vector<1x10240x1xf32> to vector<10240x1xf32>
    %add3A = arith.addf %get3A_10, %get3A_15 : vector<10240x1xf32>
    %add3A_16 = arith.constant 1.000000e+00 : f32
    %add3A_17 = vector.broadcast %add3A_16 : f32 to vector<10240x1xf32>
    %add3A_18 = arith.addf %add3A, %add3A_17 : vector<10240x1xf32>
    %rsqrt3A = math.rsqrt %add3A_18 : vector<10240x1xf32>
    %swap3A = arith.constant 0 : index
    %swap3A_19 = arith.constant 0 : index
    %swap3A_20 = vector.load %arg4[%swap3A, %swap3A_19] : memref<10240x1xf32, #tpu.memory_space<vmem>>, vector<10240x1xf32>
    tpu.vector_store %arg4[%swap3A, %swap3A_19], %rsqrt3A {strides = array<i32>} : memref<10240x1xf32, #tpu.memory_space<vmem>>, vector<10240x1xf32>,
    %mul3A = vector.broadcast %rsqrt3A : vector<10240x1xf32> to vector<10240x64xf32>
    %mul3A_21 = arith.mulf %dot_general3A_5, %mul3A : vector<10240x64xf32>
    %swap3A_22 = arith.constant 0 : index
    %swap3A_23 = arith.constant 0 : index
    %swap3A_24 = vector.load %arg3[%swap3A_22, %swap3A_23] : memref<10240x64xf32, #tpu.memory_space<vmem>>, vector<10240x64xf32>
    tpu.vector_store %arg3[%swap3A_22, %swap3A_23], %mul3A_21 {strides = array<i32>} : memref<10240x64xf32, #tpu.memory_space<vmem>>, vector<10240x64xf32>,
    return
  }
}

module attributes {stable_mosaic.version = 14 : i64} {
  func.func @_mlp_body(%arg0: memref<2x10240x64xf32, #tpu.memory_space<vmem>>, %arg1: memref<10240x64xf32, #tpu.memory_space<vmem>>, %arg2: memref<10240x1xf32, #tpu.memory_space<vmem>>, %arg3: memref<1x64xf32, #tpu.memory_space<vmem>>, %arg4: memref<64x32xf32, #tpu.memory_space<vmem>>, %arg5: memref<1x32xf32, #tpu.memory_space<vmem>>, %arg6: memref<32x16xf32, #tpu.memory_space<vmem>>, %arg7: memref<1x16xf32, #tpu.memory_space<vmem>>, %arg8: memref<16x10xf32, #tpu.memory_space<vmem>>, %arg9: memref<1x10xf32, #tpu.memory_space<vmem>>, %arg10: memref<10240x10xf32, #tpu.memory_space<vmem>>) attributes {dimension_semantics = [], scalar_prefetch = 0 : i64, scratch_operands = 0 : i64, tpu.core_type = #tpu.core_type<tc>} {
    %get3A = arith.constant 0 : index
    %get3A_0 = arith.constant 0 : index
    %get3A_1 = arith.constant 0 : index
    %get3A_2 = vector.load %arg0[%get3A, %get3A_0, %get3A_1] : memref<2x10240x64xf32, #tpu.memory_space<vmem>>, vector<1x10240x64xf32>
    %get3A_3 = vector.shape_cast %get3A_2 : vector<1x10240x64xf32> to vector<10240x64xf32>
    %get3A_4 = arith.constant 1 : index
    %get3A_5 = arith.constant 0 : index
    %get3A_6 = arith.constant 0 : index
    %get3A_7 = vector.load %arg0[%get3A_4, %get3A_5, %get3A_6] : memref<2x10240x64xf32, #tpu.memory_space<vmem>>, vector<1x10240x64xf32>
    %get3A_8 = vector.shape_cast %get3A_7 : vector<1x10240x64xf32> to vector<10240x64xf32>
    %add3A = arith.addf %get3A_3, %get3A_8 : vector<10240x64xf32>
    %get3A_9 = arith.constant 0 : index
    %get3A_10 = arith.constant 0 : index
    %get3A_11 = vector.load %arg1[%get3A_9, %get3A_10] : memref<10240x64xf32, #tpu.memory_space<vmem>>, vector<10240x64xf32>
    %add3A_12 = arith.addf %add3A, %get3A_11 : vector<10240x64xf32>
    %get3A_13 = arith.constant 0 : index
    %get3A_14 = arith.constant 0 : index
    %get3A_15 = vector.load %arg2[%get3A_13, %get3A_14] : memref<10240x1xf32, #tpu.memory_space<vmem>>, vector<10240x1xf32>
    %mul3A = vector.broadcast %get3A_15 : vector<10240x1xf32> to vector<10240x64xf32>
    %mul3A_16 = arith.mulf %add3A_12, %mul3A : vector<10240x64xf32>
    %get3A_17 = arith.constant 0 : index
    %get3A_18 = arith.constant 0 : index
    %get3A_19 = vector.load %arg3[%get3A_17, %get3A_18] : memref<1x64xf32, #tpu.memory_space<vmem>>, vector<1x64xf32>
    %add3A_20 = vector.broadcast %get3A_19 : vector<1x64xf32> to vector<10240x64xf32>
    %add3A_21 = arith.addf %mul3A_16, %add3A_20 : vector<10240x64xf32>
    %max3A = arith.constant 0.000000e+00 : f32
    %max3A_22 = vector.broadcast %max3A : f32 to vector<10240x64xf32>
    %max3A_23 = arith.maximumf %add3A_21, %max3A_22 : vector<10240x64xf32>
    %get3A_24 = arith.constant 0 : index
    %get3A_25 = arith.constant 0 : index
    %get3A_26 = vector.load %arg4[%get3A_24, %get3A_25] : memref<64x32xf32, #tpu.memory_space<vmem>>, vector<64x32xf32>
    %dot_general3A = arith.constant dense<0.000000e+00> : vector<10240x32xf32>
    %dot_general3A_27 = tpu.matmul %max3A_23, %get3A_26, %dot_general3A {dimension_numbers = #tpu.dot_dimension_numbers<[1], [0], [0], [1], [0, 0, 1, 1], [], []>, transpose_lhs_hint = false} : vector<10240x64xf32>, vector<64x32xf32>, vector<10240x32xf32> -> vector<10240x32xf32>
    %get3A_28 = arith.constant 0 : index
    %get3A_29 = arith.constant 0 : index
    %get3A_30 = vector.load %arg5[%get3A_28, %get3A_29] : memref<1x32xf32, #tpu.memory_space<vmem>>, vector<1x32xf32>
    %add3A_31 = vector.broadcast %get3A_30 : vector<1x32xf32> to vector<10240x32xf32>
    %add3A_32 = arith.addf %dot_general3A_27, %add3A_31 : vector<10240x32xf32>
    %max3A_33 = arith.constant 0.000000e+00 : f32
    %max3A_34 = vector.broadcast %max3A_33 : f32 to vector<10240x32xf32>
    %max3A_35 = arith.maximumf %add3A_32, %max3A_34 : vector<10240x32xf32>
    %get3A_36 = arith.constant 0 : index
    %get3A_37 = arith.constant 0 : index
    %get3A_38 = vector.load %arg6[%get3A_36, %get3A_37] : memref<32x16xf32, #tpu.memory_space<vmem>>, vector<32x16xf32>
    %dot_general3A_39 = arith.constant dense<0.000000e+00> : vector<10240x16xf32>
    %dot_general3A_40 = tpu.matmul %max3A_35, %get3A_38, %dot_general3A_39 {dimension_numbers = #tpu.dot_dimension_numbers<[1], [0], [0], [1], [0, 0, 1, 1], [], []>, transpose_lhs_hint = false} : vector<10240x32xf32>, vector<32x16xf32>, vector<10240x16xf32> -> vector<10240x16xf32>
    %get3A_41 = arith.constant 0 : index
    %get3A_42 = arith.constant 0 : index
    %get3A_43 = vector.load %arg7[%get3A_41, %get3A_42] : memref<1x16xf32, #tpu.memory_space<vmem>>, vector<1x16xf32>
    %add3A_44 = vector.broadcast %get3A_43 : vector<1x16xf32> to vector<10240x16xf32>
    %add3A_45 = arith.addf %dot_general3A_40, %add3A_44 : vector<10240x16xf32>
    %max3A_46 = arith.constant 0.000000e+00 : f32
    %max3A_47 = vector.broadcast %max3A_46 : f32 to vector<10240x16xf32>
    %max3A_48 = arith.maximumf %add3A_45, %max3A_47 : vector<10240x16xf32>
    %get3A_49 = arith.constant 0 : index
    %get3A_50 = arith.constant 0 : index
    %get3A_51 = vector.load %arg8[%get3A_49, %get3A_50] : memref<16x10xf32, #tpu.memory_space<vmem>>, vector<16x10xf32>
    %dot_general3A_52 = arith.constant dense<0.000000e+00> : vector<10240x10xf32>
    %dot_general3A_53 = tpu.matmul %max3A_48, %get3A_51, %dot_general3A_52 {dimension_numbers = #tpu.dot_dimension_numbers<[1], [0], [0], [1], [0, 0, 1, 1], [], []>, transpose_lhs_hint = false} : vector<10240x16xf32>, vector<16x10xf32>, vector<10240x10xf32> -> vector<10240x10xf32>
    %get3A_54 = arith.constant 0 : index
    %get3A_55 = arith.constant 0 : index
    %get3A_56 = vector.load %arg9[%get3A_54, %get3A_55] : memref<1x10xf32, #tpu.memory_space<vmem>>, vector<1x10xf32>
    %add3A_57 = vector.broadcast %get3A_56 : vector<1x10xf32> to vector<10240x10xf32>
    %add3A_58 = arith.addf %dot_general3A_53, %add3A_57 : vector<10240x10xf32>
    %swap3A = arith.constant 0 : index
    %swap3A_59 = arith.constant 0 : index
    %swap3A_60 = vector.load %arg10[%swap3A, %swap3A_59] : memref<10240x10xf32, #tpu.memory_space<vmem>>, vector<10240x10xf32>
    tpu.vector_store %arg10[%swap3A, %swap3A_59], %add3A_58 {strides = array<i32>} : memref<10240x10xf32, #tpu.memory_space<vmem>>, vector<10240x10xf32>,
    return
  }
}

</mosaic_0001>

<sc_bundles>
// kernel: kernel.6.cloned.1.call-start
scs
__scs_entry_jumppad:
0x0: {  	(pc) =	sbr.rel $0x88, $3  }
0x1: {  	(tag) =	ssettag $0x0;
	lr =	simm.s32 $0x1  }
0x2: {  	[smem:$0x3F97] =	sst lr;
	_ =	strace $0xD0000000  }
0x3: {  	_ = 	snop  }
0x4: {  	_ = 	snop  }
0x5: {  	_ = 	snop  }
0x6: {  	_ = 	snop  }
0x7: {  	_ = 	snop  }
__scs_overlays_trampoline_lowered:
0x8: {  	[smem:$0x3FA6] =	sst s0  }
0x9: {  	[smem:$0x3FA7] =	sst s1  }
0xa: {  	[smem:$0x3FA8] =	sst s2  }
0xb: {  	[smem:$0x3FA9] =	sst s3  }
0xc: {  	[smem:$0x3FAA] =	sst s4  }
0xd: {  	[smem:$0x3FAB] =	sst s5  }
0xe: {  	[smem:$0x3FAC] =	sst s6  }
0xf: {  	[smem:$0x3FAD] =	sst s7  }
0x10: {  	[smem:$0x3FAE] =	sst s8  }
0x11: {  	[smem:$0x3FAF] =	sst s9;
	s0 =	simm.s32 @!p0 $0x0  }
0x12: {  	s1 =	sld [smem:$0x3F95];
	s0 =	simm.s32 @p0 $0x1  }
0x13: {  	[smem:$0x3FB0] =	sst s0;
	s0 =	simm.s32 @!p1 $0x0  }
0x14: {  	s2 =	sld [smem:$0x3F94];
	s0 =	simm.s32 @p1 $0x1  }
0x15: {  	[smem:$0x3FB1] =	sst s0;
	s0 =	simm.s32 @!p2 $0x0  }
0x16: {  	s3 =	sld [smem:$0x3FDB];
	s0 =	simm.s32 @p2 $0x1  }
0x17: {  	s4 =	simm.s32 $0x1BF5;
	[smem:$0x3FB3] =	sst s0  }
0x18: {  	s0 =	sld [smem:$0x3F96];
	_ =	swait.ge [sflag:s4], $0x0  }
0x19: {  	s7 =	sld [smem:$0x3F97]  }
0x1a: {  	s8 =	sadd.s32 $0xFFFFE003, lr  }
0x1b: {  	s9 =	sadd.s32 $0xFFFFFEF7, lr;
	s5 =	simm.s32 $0xFFFFFFFF;
	p2 =	slt.u32 s8, $0xFFFFF086  }
0x1c: {  	p1 =	slt.u32 s9, $0xF7A;
	s5 =	simm.s32 @!p2 $0x0  }
0x1d: {  	s5 =	simm.s32 @p1 $0x1;
	p0 =	seq.s32 s7, s2  }
0x1e: {  	s7 =	smul.u32 @!p0 $0xF7A, s2;
	p2 =	seq.s32 @!p0 s5, $0x0  }
0x1f: {  	s9 =	smul.u32 $0xF7A, s1;
	s8 =	simm.s32 @!p0 $0x1BF5;
	p2 =	por !p2, p0  }
0x20: {  	[sflag:s8] =	ssyncset.s32 @!p0 $0xFFFFF086;
	s6 =	sadd.s32 @!p0 s3, s7;
	s7 =	simm.s32 @!p0 $0x108  }
0x21: {  	s3 =	sadd.s32 s3, s9;
	s6 =	sadd.s32 @!p0 $0x88, s6;
	s7 =	simm.s32 @p2 $0x1082  }
0x22: {  	[simem:s7], [sflag:s8] =	dma.local @!p0 [hbm:s6], $0xF7A  }
0x23: {  	s9 =	sor.u32 $0xD0000000, s2;
	s6 =	simm.s32 $0x108;
	_ =	swait.ge @!p0 [sflag:s8], $0x0  }
0x24: {  	s3 =	sadd.s32 $0x88, s3;
	s6 =	simm.s32 @!p1 $0x1082;
	[sflag:s4] =	ssyncset.s32 $0xFFFFF086  }
0x25: {  	[simem:s6], [sflag:s4] =	dma.local [hbm:s3], $0xF7A  }
0x26: {  	[smem:$0x3F97] =	sst s1;
	(tag) =	ssettag s2;
	_ =	strace s9  }
0x27: {  	s1 =	sld [smem:$0x3FA7]  }
0x28: {  	s2 =	sld [smem:$0x3FA8]  }
0x29: {  	s4 =	sld [smem:$0x3FAA]  }
0x2a: {  	p0 =	seq.s32 s5, $0x0;
	s5 =	sld [smem:$0x3FAB]  }
0x2b: {  	s6 =	sld [smem:$0x3FAC]  }
0x2c: {  	s7 =	sld [smem:$0x3FAD]  }
0x2d: {  	s3 =	simm.s32 $0x108;
	s8 =	sld [smem:$0x3FAE]  }
0x2e: {  	s3 =	simm.s32 @!p0 $0x1082;
	s9 =	sld [smem:$0x3FAF]  }
0x2f: {  	lr =	sadd.s32 s0, s3;
	s0 =	sld [smem:$0x3FA6]  }
0x30: {  	s3 =	sld [smem:$0x3FA9]  }
0x31: {  	[smem:$0x3FB2] =	sst s10  }
0x32: {  	s10 =	sld [smem:$0x3FB0];
	_ =	sdelay $0x3  }
0x33: {  	p0 =	seq.s32 s10, $0x1;
	s10 =	sld [smem:$0x3FB2];
	_ =	sdelay $0x3  }
0x34: {  	[smem:$0x3FB2] =	sst s10  }
0x35: {  	s10 =	sld [smem:$0x3FB1];
	_ =	sdelay $0x3  }
0x36: {  	p1 =	seq.s32 s10, $0x1;
	s10 =	sld [smem:$0x3FB2];
	_ =	sdelay $0x3  }
0x37: {  	[smem:$0x3FB2] =	sst s10  }
0x38: {  	s10 =	sld [smem:$0x3FB3]  }
0x39: {  	_ = 	snop;
	(pc) =	sbr.ind lr, $3  }
0x3a: {  	_ = 	snop  }
0x3b: {  	_ = 	snop  }
0x3c: {  	p2 =	seq.s32 s10, $0x1;
	s10 =	sld [smem:$0x3FB2]  }
0x3d: {  	_ =	shalt  }
0x3e: {  	_ =	shalt  }
0x3f: {  	_ =	shalt  }
0x40: {  	_ =	shalt  }
0x41: {  	_ =	shalt  }
0x42: {  	_ =	shalt  }
0x43: {  	_ =	shalt  }
0x44: {  	_ =	shalt  }
0x45: {  	_ =	shalt  }
0x46: {  	_ =	shalt  }
0x47: {  	_ =	shalt  }
0x48: {  	_ =	shalt  }
0x49: {  	_ =	shalt  }
0x4a: {  	_ =	shalt  }
0x4b: {  	_ =	shalt  }
0x4c: {  	_ =	shalt  }
0x4d: {  	_ =	shalt  }
0x4e: {  	_ =	shalt  }
0x4f: {  	_ =	shalt  }
0x50: {  	_ =	shalt  }
0x51: {  	_ =	shalt  }
0x52: {  	_ =	shalt  }
0x53: {  	_ =	shalt  }
0x54: {  	_ =	shalt  }
0x55: {  	_ =	shalt  }
0x56: {  	_ =	shalt  }
0x57: {  	_ =	shalt  }
0x58: {  	_ =	shalt  }
0x59: {  	_ =	shalt  }
0x5a: {  	_ =	shalt  }
0x5b: {  	_ =	shalt  }
0x5c: {  	_ =	shalt  }
0x5d: {  	_ =	shalt  }
0x5e: {  	_ =	shalt  }
0x5f: {  	_ =	shalt  }
0x60: {  	_ =	shalt  }
0x61: {  	_ =	shalt  }
0x62: {  	_ =	shalt  }
0x63: {  	_ =	shalt  }
0x64: {  	_ =	shalt  }
0x65: {  	_ =	shalt  }
0x66: {  	_ =	shalt  }
0x67: {  	_ =	shalt  }
0x68: {  	_ =	shalt  }
0x69: {  	_ =	shalt  }
0x6a: {  	_ =	shalt  }
0x6b: {  	_ =	shalt  }
0x6c: {  	_ =	shalt  }
0x6d: {  	_ =	shalt  }
0x6e: {  	_ =	shalt  }
0x6f: {  	_ =	shalt  }
0x70: {  	_ =	shalt  }
0x71: {  	_ =	shalt  }
0x72: {  	_ =	shalt  }
0x73: {  	_ =	shalt  }
0x74: {  	_ =	shalt  }
0x75: {  	_ =	shalt  }
0x76: {  	_ =	shalt  }
0x77: {  	_ =	shalt  }
0x78: {  	_ =	shalt  }
0x79: {  	_ =	shalt  }
0x7a: {  	_ =	shalt  }
0x7b: {  	_ =	shalt  }
0x7c: {  	_ =	shalt  }
0x7d: {  	_ =	shalt  }
0x7e: {  	_ =	shalt  }
0x7f: {  	_ =	shalt  }
0x80: {  	_ =	shalt  }
0x81: {  	_ =	shalt  }
0x82: {  	_ =	shalt  }
0x83: {  	_ =	shalt  }
0x84: {  	_ =	shalt  }
0x85: {  	_ =	shalt  }
0x86: {  	_ =	shalt  }
0x87: {  	_ =	shalt  }
.Lfunc_end0:
.L_simem_size_0:
called_computation_lowered:
.L_overlay_start_0:
0x88: {  	s2 =	sld [smem:$0x3FD9]  }
0x89: {  	s3 =	sld [smem:$0x3FFE];
	_ =	sdelay $0x1  }
0x8a: {  	s1 =	srdreg.scid  }
0x8b: {  	s0 =	sand.u32 $0x1, s1  }
0x8c: {  	s16 =	sshll.u32 s0, $0xA;
	s2 =	sadd.s32 s3, s2  }
0x8d: {  	s2 =	sadd.s32 s2, s16  }
0x8e: {  	[smem:$0x3FBE] =	sst s2  }
0x8f: {  	_ = 	snop  }
0x90: {  	(tm) =	ssettm $0x1  }
0x91: {  	s17 =	sld [smem:$0x3FFB];
	_ =	sdelay $0x3  }
0x92: {  	_ =	strace s17  }
0x93: {  	s2 =	sld [smem:$0x3FFC];
	_ =	sdelay $0x3  }
0x94: {  	_ =	strace s2  }
0x95: {  	s2 =	sld [smem:$0x3FFD];
	_ =	sdelay $0x3  }
0x96: {  	_ =	strace s2  }
0x97: {  	_ =	strace $0x8FFFFFFF  }
0x98: {  	s18 =	sld [smem:$0x3FDB];
	_ =	sdelay $0x1  }
0x99: {  	s19 =	simm.s32 $_scs_section_size  }
0x9a: {  	s4 =	simm.s32 $_size__tile_overlayer_lowered;
	s5 =	simm.s32 $_tile_overlayer_lowered  }
0x9b: {  	s22 =	simm.s32 $0x1BFF;
	s21 =	sshll.u32 s5, $0x1;
	s2 =	sadd.s32 s19, s18  }
0x9c: {  	s6 =	simm.s32 $0x0;
	s20 =	sshll.u32 s4, $0x1;
	s4 =	sadd.s32 s21, s2  }
0x9d: {  	[timem:s6], [sflag:s22] =	dma.local [hbm:s4], s20  }
0x9e: {  	_ =	swait.ge [sflag:s22], s20  }
0x9f: {  	s3 =	ssub.s32 $0x0, s20;
	[sflag:s22] =	ssyncset.done $0x0  }
0xa0: {  	[sflag:s22] =	ssyncadd.s32 s3;
	_ =	sdelay $0x1  }
0xa1: {  	s23 =	simm.s32 $0x1B8B  }
0xa2: {  	_ =	swait.ge [sflag:s23], $0x1  }
0xa3: {  	[sflag:s23] =	ssyncset.done $0x0  }
0xa4: {  	s25 =	simm.s32 $0x1B8E;
	s24 =	sld [smem:$0x3FFE];
	[sflag:s23] =	ssyncadd.s32 $0xFFFFFFFF  }
0xa5: {  	s26 =	simm.s32 $execute0_lowered;
	[smem:$0x3FD2] =	sst s25  }
0xa6: {  	s4 =	sshll.u32 s26, $0x1;
	_ =	strace $0x80000046;
	[dreg:$0x1] =	wrdreg $0xFFFFFFFF  }
0xa7: {  	s28 =	simm.s32 $_size_execute0_lowered;
	s2 =	sadd.s32 s2, s4;
	[dreg:$0x0] =	wrdreg $0x0  }
0xa8: {  	s4 =	sshll.u32 s28, $0x1;
	[dreg:$0x2] =	wrdreg s2  }
0xa9: {  	[dreg:$0x3] =	wrdreg s4  }
0xaa: {  	[dreg:$0x4] =	wrdreg $0xC0  }
0xab: {  	_ =	task [dreg:s6], $0x5FFFF  }
0xac: {  	[dreg:$0x1] =	wrdreg $0xFFFFFFFF  }
0xad: {  	[dreg:$0x0] =	wrdreg $0x60  }
0xae: {  	[dreg:$0x2] =	wrdreg s24  }
0xaf: {  	[dreg:$0x3] =	wrdreg $0x40000  }
0xb0: {  	[dreg:$0x4] =	wrdreg $0x9  }
0xb1: {  	_ =	task.clear_ibuf [dreg:s6], $0x5FFFF;
	_ =	strace $0x90000046  }
0xb2: {  	s29 =	simm.s32 $0x9;
	_ =	strace $0x80000048  }
0xb3: {  	_ =	swait.ge [sflag:s29], $0x1  }
0xb4: {  	[sflag:s29] =	ssyncadd.s32 $0xFFFFFFFF  }
0xb5: {  	_ =	strace $0x90000048  }
0xb6: {  	_ =	sfence  }
0xb7: {  	s30 =	sld [smem:$0x0];
	_ =	sdelay $0x2  }
0xb8: {  	s31 =	sshll.u32 s1, $0xD;
	s1 =	sshrl.u32 s1, $0x2  }
0xb9: {  	s3 =	sand.u32 $0x4000, s31;
	s1 =	sadd.s32 s1, s30  }
0xba: {  	s0 =	sor.u32 s3, s0;
	s1 =	sshll.u32 s1, $0x11  }
0xbb: {  	s0 =	sor.u32 s1, s0  }
0xbc: {  	s0 =	sadd.s32 $0x8F2B, s0  }
0xbd: {  	[sflag:s0] =	ssyncadd.remote.s32 $0x1  }
0xbe: {  	_ =	sfence.sel $0xFFFF  }
0xbf: {  	[dreg:$0x0] =	wrdreg $0xFFFFFFFF;
	(pc) =	sbr.abs _section_cstart, $3  }
0xc0: {  	[dreg:$0x1] =	wrdreg $0xFFFFFFFF  }
0xc1: {  	_ =	task.clear_ibuf [dreg:s6], $0x2FFFF;
	_ =	strace $0x9FFFFFFF  }
0xc2: {  	(tm) =	ssettm $0x7FFFFFFF  }
0xc3: {  	_ =	shalt  }
tec
execute0_lowered:
.L_overlay_start_1:
0x0: {  	(tag) =	ssettag $0x1  }
0x1: {  	s1 =	srdreg.scid;
	s4 =	rddreg [dreg:$0x0]  }
0x2: {  	s0 =	stileid.u32;
	s2 =	rddreg [dreg:$0x1]  }
0x3: {  	s3 =	simm.s32 $0x0;
	s10 =	simm.s32 $0x2800;
	s11 =	simm.s32 $0x1  }
0x4: {  	s5 =	sand.u32 $0x1, s1;
	s31 =	sshll.u32 s0, $0x1;
	s9 =	smul.u32 $0x1400, s0  }
0x5: {  	s1 =	rddreg [dreg:$0x2];
	s6 =	sor.u32 s5, s31;
	s7 =	smul.u32 $0x2800, s5  }
0x6: {  	[smem:$0x7FF] =	sst s3;
	s5 =	ssub.s32 $0x2, s5;
	s6 =	smul.u32 $0x500, s6  }
0x7: {  	_ =	strace $0x80000047;
	s8 =	sshrl.u32 s5, $0x1;
	s13 =	sshrl.u32 s9, $0x3  }
0x8: {  	s7 =	sadd.s32 s7, s4;
	s8 =	ssub.s32 s5, s8;
	s6 =	sadd.s32 s6, s4  }
0x9: {  	s4 =	sadd.s32 s9, s2;
	s12 =	sadd.s32 $0xBA00, s7;
	s7 =	simm.s32 $0x2C00  }
0xa: {  	s9 =	simm.s32 $0x80;
	s5 =	sadd.s32 $0x1A00, s6;
	s6 =	smax.u32 s8, $0x1  }
0xb: {  	v0 =	vimm.f32 $0.0e+00;
	v1 =	vimm.f32 $1.000000000e+00;
	s8 =	simm.s32 $0x2;
	s12 =	sadd.s32 s13, s12;
	s13 =	simm.s32 $0x0  }
.LBB2_1:
0xc: {  	s14 =	simm.s32 $0x20;
	s15 =	simm.s32 $0x0  }
.LBB2_2:
0xd: {  	p0 =	sne.s32 s14, $0x4FE0;
	[tilespmem:s15+$0x2C00] =	vst.msk $0xff, v0;
	s15 =	smov.u32 s14;
	s14 =	sadd.s32 $0x20, s14  }
.Ltmp0:
0xe: {  	(pc) =	sbr.rel @p0 .LBB2_2-.Ltmp0, $2  }
0xf: {  	_ =	sdelay $0x2  }
0x10: {  	s15 =	sshra.s32 s15, $0x2  }
0x11: {  	[tilespmem:s15+$0x2C00] =	vst.msk $0xff, v0  }
0x12: {  	[spmem:s4] =	stream.linear.scatter [tilespmem:s7], [sflag:$0x2], $0x1400, $0x38;
	[tilespmem:$0x5400] =	vst v63  }
0x13: {  	_ =	swait.ge [sflag:s8], $0x1400  }
0x14: {  	[sflag:s8] =	ssyncset.done $0x0  }
0x15: {  	s14 =	simm.s32 $0x20;
	s15 =	simm.s32 $0x0;
	[sflag:s8] =	ssyncadd.s32 $0xFFFFEC00  }
.LBB2_4:
0x16: {  	p0 =	sne.s32 s14, $0xFE0;
	[tilespmem:s15+$0x2800] =	vst.msk $0xff, v1;
	s15 =	smov.u32 s14;
	s14 =	sadd.s32 $0x20, s14  }
.Ltmp1:
0x17: {  	(pc) =	sbr.rel @p0 .LBB2_4-.Ltmp1, $2  }
0x18: {  	_ =	sdelay $0x2  }
0x19: {  	s15 =	sshra.s32 s15, $0x2  }
0x1a: {  	[tilespmem:s15+$0x2800] =	vst.msk $0xff, v1;
	s14 =	simm.s32 $0x0  }
0x1b: {  	[tilespmem:s14], [sflag:$0x2] =	stream.linear.gather [hbm4b:s5+s14], $0x2800, $0x38;
	[tilespmem:$0x5400] =	vst v63  }
0x1c: {  	_ =	swait.ge [sflag:s8], $0x2800  }
0x1d: {  	[sflag:s8] =	ssyncset.done $0x0  }
0x1e: {  	[sflag:s8] =	ssyncadd.s32 $0xFFFFD800  }
0x1f: {  	s15 =	simm.s32 $0x0;
	[bflag:$0x0] =	sbarrier.arrive $0xFFFF  }
0x20: {  	[spmem:s2] =	stream.indirect.scatter.add.f32 [tilespmem:s10], [sflag:$0x1], $0x8, s15, s9, $0xb8;
	[tilespmem:$0x5400] =	vst v63  }
0x21: {  	s16 =	simm.s32 $0x80  }
0x22: {  	[spmem:s2] =	stream.indirect.scatter.add.f32 [tilespmem:s10], [sflag:$0x1], $0x8, s16, s9, $0xb8;
	[tilespmem:$0x5400] =	vst v63  }
0x23: {  	s17 =	simm.s32 $0x100  }
0x24: {  	[spmem:s2] =	stream.indirect.scatter.add.f32 [tilespmem:s10], [sflag:$0x1], $0x8, s17, s9, $0xb8;
	[tilespmem:$0x5400] =	vst v63  }
0x25: {  	s18 =	simm.s32 $0x180  }
0x26: {  	[spmem:s2] =	stream.indirect.scatter.add.f32 [tilespmem:s10], [sflag:$0x1], $0x8, s18, s9, $0xb8;
	[tilespmem:$0x5400] =	vst v63  }
0x27: {  	s19 =	simm.s32 $0x200  }
0x28: {  	[spmem:s2] =	stream.indirect.scatter.add.f32 [tilespmem:s10], [sflag:$0x1], $0x8, s19, s9, $0xb8;
	[tilespmem:$0x5400] =	vst v63  }
0x29: {  	s20 =	simm.s32 $0x280  }
0x2a: {  	[spmem:s2] =	stream.indirect.scatter.add.f32 [tilespmem:s10], [sflag:$0x1], $0x8, s20, s9, $0xb8;
	[tilespmem:$0x5400] =	vst v63  }
0x2b: {  	s21 =	simm.s32 $0x300  }
0x2c: {  	[spmem:s2] =	stream.indirect.scatter.add.f32 [tilespmem:s10], [sflag:$0x1], $0x8, s21, s9, $0xb8;
	[tilespmem:$0x5400] =	vst v63  }
0x2d: {  	s22 =	simm.s32 $0x380  }
0x2e: {  	[spmem:s2] =	stream.indirect.scatter.add.f32 [tilespmem:s10], [sflag:$0x1], $0x8, s22, s9, $0xb8;
	[tilespmem:$0x5400] =	vst v63  }
0x2f: {  	s23 =	simm.s32 $0x400  }
0x30: {  	[spmem:s2] =	stream.indirect.scatter.add.f32 [tilespmem:s10], [sflag:$0x1], $0x8, s23, s9, $0xb8;
	[tilespmem:$0x5400] =	vst v63  }
0x31: {  	s24 =	simm.s32 $0x480  }
0x32: {  	[spmem:s2] =	stream.indirect.scatter.add.f32 [tilespmem:s10], [sflag:$0x1], $0x8, s24, s9, $0xb8;
	[tilespmem:$0x5400] =	vst v63  }
0x33: {  	s25 =	simm.s32 $0x500  }
0x34: {  	[spmem:s2] =	stream.indirect.scatter.add.f32 [tilespmem:s10], [sflag:$0x1], $0x8, s25, s9, $0xb8;
	[tilespmem:$0x5400] =	vst v63  }
0x35: {  	s26 =	simm.s32 $0x580  }
0x36: {  	[spmem:s2] =	stream.indirect.scatter.add.f32 [tilespmem:s10], [sflag:$0x1], $0x8, s26, s9, $0xb8;
	[tilespmem:$0x5400] =	vst v63  }
0x37: {  	s28 =	simm.s32 $0x600  }
0x38: {  	[spmem:s2] =	stream.indirect.scatter.add.f32 [tilespmem:s10], [sflag:$0x1], $0x8, s28, s9, $0xb8;
	[tilespmem:$0x5400] =	vst v63  }
0x39: {  	s29 =	simm.s32 $0x680  }
0x3a: {  	[spmem:s2] =	stream.indirect.scatter.add.f32 [tilespmem:s10], [sflag:$0x1], $0x8, s29, s9, $0xb8;
	[tilespmem:$0x5400] =	vst v63  }
0x3b: {  	s30 =	simm.s32 $0x700  }
0x3c: {  	[spmem:s2] =	stream.indirect.scatter.add.f32 [tilespmem:s10], [sflag:$0x1], $0x8, s30, s9, $0xb8;
	[tilespmem:$0x5400] =	vst v63  }
0x3d: {  	s31 =	simm.s32 $0x780  }
0x3e: {  	[spmem:s2] =	stream.indirect.scatter.add.f32 [tilespmem:s10], [sflag:$0x1], $0x8, s31, s9, $0xb8;
	[tilespmem:$0x5400] =	vst v63  }
0x3f: {  	_ =	swait.ge [sflag:s11], $0x400  }
0x40: {  	[sflag:s11] =	ssyncset.done $0x0  }
0x41: {  	[sflag:s11] =	ssyncadd.s32 $0xFFFFFC00  }
0x42: {  	_ =	swait.ge [sflag:s11], $0x400  }
0x43: {  	[sflag:s11] =	ssyncset.done $0x0  }
0x44: {  	[sflag:s11] =	ssyncadd.s32 $0xFFFFFC00  }
0x45: {  	_ =	swait.ge [sflag:s11], $0x400  }
0x46: {  	[sflag:s11] =	ssyncset.done $0x0  }
0x47: {  	[sflag:s11] =	ssyncadd.s32 $0xFFFFFC00  }
0x48: {  	_ =	swait.ge [sflag:s11], $0x400  }
0x49: {  	[sflag:s11] =	ssyncset.done $0x0  }
0x4a: {  	[sflag:s11] =	ssyncadd.s32 $0xFFFFFC00  }
0x4b: {  	_ =	swait.ge [sflag:s11], $0x400  }
0x4c: {  	[sflag:s11] =	ssyncset.done $0x0  }
0x4d: {  	[sflag:s11] =	ssyncadd.s32 $0xFFFFFC00  }
0x4e: {  	_ =	swait.ge [sflag:s11], $0x400  }
0x4f: {  	[sflag:s11] =	ssyncset.done $0x0  }
0x50: {  	[sflag:s11] =	ssyncadd.s32 $0xFFFFFC00  }
0x51: {  	_ =	swait.ge [sflag:s11], $0x400  }
0x52: {  	[sflag:s11] =	ssyncset.done $0x0  }
0x53: {  	[sflag:s11] =	ssyncadd.s32 $0xFFFFFC00  }
0x54: {  	_ =	swait.ge [sflag:s11], $0x400  }
0x55: {  	[sflag:s11] =	ssyncset.done $0x0  }
0x56: {  	[sflag:s11] =	ssyncadd.s32 $0xFFFFFC00  }
0x57: {  	_ =	swait.ge [sflag:s11], $0x400  }
0x58: {  	[sflag:s11] =	ssyncset.done $0x0  }
0x59: {  	[sflag:s11] =	ssyncadd.s32 $0xFFFFFC00  }
0x5a: {  	_ =	swait.ge [sflag:s11], $0x400  }
0x5b: {  	[sflag:s11] =	ssyncset.done $0x0  }
0x5c: {  	[sflag:s11] =	ssyncadd.s32 $0xFFFFFC00  }
0x5d: {  	_ =	swait.ge [sflag:s11], $0x400  }
0x5e: {  	[sflag:s11] =	ssyncset.done $0x0  }
0x5f: {  	[sflag:s11] =	ssyncadd.s32 $0xFFFFFC00  }
0x60: {  	_ =	swait.ge [sflag:s11], $0x400  }
0x61: {  	[sflag:s11] =	ssyncset.done $0x0  }
0x62: {  	[sflag:s11] =	ssyncadd.s32 $0xFFFFFC00  }
0x63: {  	_ =	swait.ge [sflag:s11], $0x400  }
0x64: {  	[sflag:s11] =	ssyncset.done $0x0  }
0x65: {  	[sflag:s11] =	ssyncadd.s32 $0xFFFFFC00  }
0x66: {  	_ =	swait.ge [sflag:s11], $0x400  }
0x67: {  	[sflag:s11] =	ssyncset.done $0x0  }
0x68: {  	[sflag:s11] =	ssyncadd.s32 $0xFFFFFC00  }
0x69: {  	_ =	swait.ge [sflag:s11], $0x400  }
0x6a: {  	[sflag:s11] =	ssyncset.done $0x0  }
0x6b: {  	[sflag:s11] =	ssyncadd.s32 $0xFFFFFC00  }
0x6c: {  	_ =	swait.ge [sflag:s11], $0x400  }
0x6d: {  	s14 =	simm.s32 $0x2000;
	s17 =	simm.s32 $0x4000;
	[sflag:s11] =	ssyncset.done $0x0  }
.LBB2_6:
0x6e: {  	s16 =	sshra.s32 s14, $0x2  }
0x6f: {  	[sflag:s11] =	ssyncadd.s32 $0xFFFFFC00;
	s14 =	smov.u32 s17;
	s15 =	sadd.s32 $0x2000, s17  }
0x70: {  	[spmem:s2] =	stream.indirect.scatter.add.f32 [tilespmem:s10], [sflag:$0x1], $0x8, s16, s9, $0xb8;
	[tilespmem:$0x5400] =	vst v63  }
0x71: {  	p0 =	sne.s32 s17, $0x8000;
	s17 =	sadd.s32 $0x80, s16  }
0x72: {  	[spmem:s2] =	stream.indirect.scatter.add.f32 [tilespmem:s10], [sflag:$0x1], $0x8, s17, s9, $0xb8;
	[tilespmem:$0x5400] =	vst v63  }
0x73: {  	s17 =	sadd.s32 $0x100, s16  }
0x74: {  	[spmem:s2] =	stream.indirect.scatter.add.f32 [tilespmem:s10], [sflag:$0x1], $0x8, s17, s9, $0xb8;
	[tilespmem:$0x5400] =	vst v63  }
0x75: {  	s17 =	sadd.s32 $0x180, s16  }
0x76: {  	[spmem:s2] =	stream.indirect.scatter.add.f32 [tilespmem:s10], [sflag:$0x1], $0x8, s17, s9, $0xb8;
	[tilespmem:$0x5400] =	vst v63  }
0x77: {  	s17 =	sadd.s32 $0x200, s16  }
0x78: {  	[spmem:s2] =	stream.indirect.scatter.add.f32 [tilespmem:s10], [sflag:$0x1], $0x8, s17, s9, $0xb8;
	[tilespmem:$0x5400] =	vst v63  }
0x79: {  	s17 =	sadd.s32 $0x280, s16  }
0x7a: {  	[spmem:s2] =	stream.indirect.scatter.add.f32 [tilespmem:s10], [sflag:$0x1], $0x8, s17, s9, $0xb8;
	[tilespmem:$0x5400] =	vst v63  }
0x7b: {  	s17 =	sadd.s32 $0x300, s16  }
0x7c: {  	[spmem:s2] =	stream.indirect.scatter.add.f32 [tilespmem:s10], [sflag:$0x1], $0x8, s17, s9, $0xb8;
	[tilespmem:$0x5400] =	vst v63  }
0x7d: {  	s17 =	sadd.s32 $0x380, s16  }
0x7e: {  	[spmem:s2] =	stream.indirect.scatter.add.f32 [tilespmem:s10], [sflag:$0x1], $0x8, s17, s9, $0xb8;
	[tilespmem:$0x5400] =	vst v63  }
0x7f: {  	s17 =	sadd.s32 $0x400, s16  }
0x80: {  	[spmem:s2] =	stream.indirect.scatter.add.f32 [tilespmem:s10], [sflag:$0x1], $0x8, s17, s9, $0xb8;
	[tilespmem:$0x5400] =	vst v63  }
0x81: {  	s17 =	sadd.s32 $0x480, s16  }
0x82: {  	[spmem:s2] =	stream.indirect.scatter.add.f32 [tilespmem:s10], [sflag:$0x1], $0x8, s17, s9, $0xb8;
	[tilespmem:$0x5400] =	vst v63  }
0x83: {  	s17 =	sadd.s32 $0x500, s16  }
0x84: {  	[spmem:s2] =	stream.indirect.scatter.add.f32 [tilespmem:s10], [sflag:$0x1], $0x8, s17, s9, $0xb8;
	[tilespmem:$0x5400] =	vst v63  }
0x85: {  	s17 =	sadd.s32 $0x580, s16  }
0x86: {  	[spmem:s2] =	stream.indirect.scatter.add.f32 [tilespmem:s10], [sflag:$0x1], $0x8, s17, s9, $0xb8;
	[tilespmem:$0x5400] =	vst v63  }
0x87: {  	s17 =	sadd.s32 $0x600, s16  }
0x88: {  	[spmem:s2] =	stream.indirect.scatter.add.f32 [tilespmem:s10], [sflag:$0x1], $0x8, s17, s9, $0xb8;
	[tilespmem:$0x5400] =	vst v63  }
0x89: {  	s17 =	sadd.s32 $0x680, s16  }
0x8a: {  	[spmem:s2] =	stream.indirect.scatter.add.f32 [tilespmem:s10], [sflag:$0x1], $0x8, s17, s9, $0xb8;
	[tilespmem:$0x5400] =	vst v63  }
0x8b: {  	s17 =	sadd.s32 $0x700, s16  }
0x8c: {  	[spmem:s2] =	stream.indirect.scatter.add.f32 [tilespmem:s10], [sflag:$0x1], $0x8, s17, s9, $0xb8;
	[tilespmem:$0x5400] =	vst v63  }
0x8d: {  	s16 =	sadd.s32 $0x780, s16  }
0x8e: {  	[spmem:s2] =	stream.indirect.scatter.add.f32 [tilespmem:s10], [sflag:$0x1], $0x8, s16, s9, $0xb8;
	[tilespmem:$0x5400] =	vst v63  }
0x8f: {  	_ =	swait.ge [sflag:s11], $0x400  }
0x90: {  	[sflag:s11] =	ssyncset.done $0x0  }
0x91: {  	[sflag:s11] =	ssyncadd.s32 $0xFFFFFC00  }
0x92: {  	_ =	swait.ge [sflag:s11], $0x400  }
0x93: {  	[sflag:s11] =	ssyncset.done $0x0  }
0x94: {  	[sflag:s11] =	ssyncadd.s32 $0xFFFFFC00  }
0x95: {  	_ =	swait.ge [sflag:s11], $0x400  }
0x96: {  	[sflag:s11] =	ssyncset.done $0x0  }
0x97: {  	[sflag:s11] =	ssyncadd.s32 $0xFFFFFC00  }
0x98: {  	_ =	swait.ge [sflag:s11], $0x400  }
0x99: {  	[sflag:s11] =	ssyncset.done $0x0  }
0x9a: {  	[sflag:s11] =	ssyncadd.s32 $0xFFFFFC00  }
0x9b: {  	_ =	swait.ge [sflag:s11], $0x400  }
0x9c: {  	[sflag:s11] =	ssyncset.done $0x0  }
0x9d: {  	[sflag:s11] =	ssyncadd.s32 $0xFFFFFC00  }
0x9e: {  	_ =	swait.ge [sflag:s11], $0x400  }
0x9f: {  	[sflag:s11] =	ssyncset.done $0x0  }
0xa0: {  	[sflag:s11] =	ssyncadd.s32 $0xFFFFFC00  }
0xa1: {  	_ =	swait.ge [sflag:s11], $0x400  }
0xa2: {  	[sflag:s11] =	ssyncset.done $0x0  }
0xa3: {  	[sflag:s11] =	ssyncadd.s32 $0xFFFFFC00  }
0xa4: {  	_ =	swait.ge [sflag:s11], $0x400  }
0xa5: {  	[sflag:s11] =	ssyncset.done $0x0  }
0xa6: {  	[sflag:s11] =	ssyncadd.s32 $0xFFFFFC00  }
0xa7: {  	_ =	swait.ge [sflag:s11], $0x400  }
0xa8: {  	[sflag:s11] =	ssyncset.done $0x0  }
0xa9: {  	[sflag:s11] =	ssyncadd.s32 $0xFFFFFC00  }
0xaa: {  	_ =	swait.ge [sflag:s11], $0x400  }
0xab: {  	[sflag:s11] =	ssyncset.done $0x0  }
0xac: {  	[sflag:s11] =	ssyncadd.s32 $0xFFFFFC00  }
0xad: {  	_ =	swait.ge [sflag:s11], $0x400  }
0xae: {  	[sflag:s11] =	ssyncset.done $0x0  }
0xaf: {  	[sflag:s11] =	ssyncadd.s32 $0xFFFFFC00  }
0xb0: {  	_ =	swait.ge [sflag:s11], $0x400  }
0xb1: {  	[sflag:s11] =	ssyncset.done $0x0  }
0xb2: {  	[sflag:s11] =	ssyncadd.s32 $0xFFFFFC00  }
0xb3: {  	_ =	swait.ge [sflag:s11], $0x400  }
0xb4: {  	[sflag:s11] =	ssyncset.done $0x0  }
0xb5: {  	[sflag:s11] =	ssyncadd.s32 $0xFFFFFC00  }
0xb6: {  	_ =	swait.ge [sflag:s11], $0x400  }
0xb7: {  	[sflag:s11] =	ssyncset.done $0x0  }
0xb8: {  	[sflag:s11] =	ssyncadd.s32 $0xFFFFFC00  }
.Ltmp2:
0xb9: {  	_ =	swait.ge [sflag:s11], $0x400;
	(pc) =	sbr.rel @p0 .LBB2_6-.Ltmp2, $4  }
0xba: {  	[sflag:s11] =	ssyncset.done $0x0  }
0xbb: {  	[sflag:s11] =	ssyncadd.s32 $0xFFFFFC00  }
0xbc: {  	_ =	swait.ge [sflag:s11], $0x400  }
0xbd: {  	s17 =	smov.u32 s15;
	[sflag:s11] =	ssyncset.done $0x0  }
0xbe: {  	s14 =	sshra.s32 s14, $0x2;
	[sflag:s11] =	ssyncadd.s32 $0xFFFFFC00  }
0xbf: {  	[spmem:s2] =	stream.indirect.scatter.add.f32 [tilespmem:s10], [sflag:$0x1], $0x8, s14, s9, $0xb8;
	[tilespmem:$0x5400] =	vst v63  }
0xc0: {  	s15 =	sadd.s32 $0x80, s14  }
0xc1: {  	[spmem:s2] =	stream.indirect.scatter.add.f32 [tilespmem:s10], [sflag:$0x1], $0x8, s15, s9, $0xb8;
	[tilespmem:$0x5400] =	vst v63  }
0xc2: {  	s18 =	sadd.s32 $0x100, s14  }
0xc3: {  	[spmem:s2] =	stream.indirect.scatter.add.f32 [tilespmem:s10], [sflag:$0x1], $0x8, s18, s9, $0xb8;
	[tilespmem:$0x5400] =	vst v63  }
0xc4: {  	s19 =	sadd.s32 $0x180, s14  }
0xc5: {  	[spmem:s2] =	stream.indirect.scatter.add.f32 [tilespmem:s10], [sflag:$0x1], $0x8, s19, s9, $0xb8;
	[tilespmem:$0x5400] =	vst v63  }
0xc6: {  	s20 =	sadd.s32 $0x200, s14  }
0xc7: {  	[spmem:s2] =	stream.indirect.scatter.add.f32 [tilespmem:s10], [sflag:$0x1], $0x8, s20, s9, $0xb8;
	[tilespmem:$0x5400] =	vst v63  }
0xc8: {  	s21 =	sadd.s32 $0x280, s14  }
0xc9: {  	[spmem:s2] =	stream.indirect.scatter.add.f32 [tilespmem:s10], [sflag:$0x1], $0x8, s21, s9, $0xb8;
	[tilespmem:$0x5400] =	vst v63  }
0xca: {  	s22 =	sadd.s32 $0x300, s14  }
0xcb: {  	[spmem:s2] =	stream.indirect.scatter.add.f32 [tilespmem:s10], [sflag:$0x1], $0x8, s22, s9, $0xb8;
	[tilespmem:$0x5400] =	vst v63  }
0xcc: {  	s23 =	sadd.s32 $0x380, s14  }
0xcd: {  	[spmem:s2] =	stream.indirect.scatter.add.f32 [tilespmem:s10], [sflag:$0x1], $0x8, s23, s9, $0xb8;
	[tilespmem:$0x5400] =	vst v63  }
0xce: {  	s24 =	sadd.s32 $0x400, s14  }
0xcf: {  	[spmem:s2] =	stream.indirect.scatter.add.f32 [tilespmem:s10], [sflag:$0x1], $0x8, s24, s9, $0xb8;
	[tilespmem:$0x5400] =	vst v63  }
0xd0: {  	s25 =	sadd.s32 $0x480, s14  }
0xd1: {  	[spmem:s2] =	stream.indirect.scatter.add.f32 [tilespmem:s10], [sflag:$0x1], $0x8, s25, s9, $0xb8;
	[tilespmem:$0x5400] =	vst v63  }
0xd2: {  	s26 =	sadd.s32 $0x500, s14  }
0xd3: {  	[spmem:s2] =	stream.indirect.scatter.add.f32 [tilespmem:s10], [sflag:$0x1], $0x8, s26, s9, $0xb8;
	[tilespmem:$0x5400] =	vst v63  }
0xd4: {  	s28 =	sadd.s32 $0x580, s14  }
0xd5: {  	[spmem:s2] =	stream.indirect.scatter.add.f32 [tilespmem:s10], [sflag:$0x1], $0x8, s28, s9, $0xb8;
	[tilespmem:$0x5400] =	vst v63  }
0xd6: {  	s29 =	sadd.s32 $0x600, s14  }
0xd7: {  	[spmem:s2] =	stream.indirect.scatter.add.f32 [tilespmem:s10], [sflag:$0x1], $0x8, s29, s9, $0xb8;
	[tilespmem:$0x5400] =	vst v63  }
0xd8: {  	s30 =	sadd.s32 $0x680, s14  }
0xd9: {  	[spmem:s2] =	stream.indirect.scatter.add.f32 [tilespmem:s10], [sflag:$0x1], $0x8, s30, s9, $0xb8;
	[tilespmem:$0x5400] =	vst v63  }
0xda: {  	s31 =	sadd.s32 $0x700, s14  }
0xdb: {  	[spmem:s2] =	stream.indirect.scatter.add.f32 [tilespmem:s10], [sflag:$0x1], $0x8, s31, s9, $0xb8;
	[tilespmem:$0x5400] =	vst v63  }
0xdc: {  	s14 =	sadd.s32 $0x780, s14  }
0xdd: {  	[spmem:s2] =	stream.indirect.scatter.add.f32 [tilespmem:s10], [sflag:$0x1], $0x8, s14, s9, $0xb8;
	[tilespmem:$0x5400] =	vst v63  }
0xde: {  	_ =	swait.ge [sflag:s11], $0x400  }
0xdf: {  	[sflag:s11] =	ssyncset.done $0x0  }
0xe0: {  	[sflag:s11] =	ssyncadd.s32 $0xFFFFFC00  }
0xe1: {  	_ =	swait.ge [sflag:s11], $0x400  }
0xe2: {  	[sflag:s11] =	ssyncset.done $0x0  }
0xe3: {  	[sflag:s11] =	ssyncadd.s32 $0xFFFFFC00  }
0xe4: {  	_ =	swait.ge [sflag:s11], $0x400  }
0xe5: {  	[sflag:s11] =	ssyncset.done $0x0  }
0xe6: {  	[sflag:s11] =	ssyncadd.s32 $0xFFFFFC00  }
0xe7: {  	_ =	swait.ge [sflag:s11], $0x400  }
0xe8: {  	[sflag:s11] =	ssyncset.done $0x0  }
0xe9: {  	[sflag:s11] =	ssyncadd.s32 $0xFFFFFC00  }
0xea: {  	_ =	swait.ge [sflag:s11], $0x400  }
0xeb: {  	[sflag:s11] =	ssyncset.done $0x0  }
0xec: {  	[sflag:s11] =	ssyncadd.s32 $0xFFFFFC00  }
0xed: {  	_ =	swait.ge [sflag:s11], $0x400  }
0xee: {  	[sflag:s11] =	ssyncset.done $0x0  }
0xef: {  	[sflag:s11] =	ssyncadd.s32 $0xFFFFFC00  }
0xf0: {  	_ =	swait.ge [sflag:s11], $0x400  }
0xf1: {  	[sflag:s11] =	ssyncset.done $0x0  }
0xf2: {  	[sflag:s11] =	ssyncadd.s32 $0xFFFFFC00  }
0xf3: {  	_ =	swait.ge [sflag:s11], $0x400  }
0xf4: {  	[sflag:s11] =	ssyncset.done $0x0  }
0xf5: {  	[sflag:s11] =	ssyncadd.s32 $0xFFFFFC00  }
0xf6: {  	_ =	swait.ge [sflag:s11], $0x400  }
0xf7: {  	[sflag:s11] =	ssyncset.done $0x0  }
0xf8: {  	[sflag:s11] =	ssyncadd.s32 $0xFFFFFC00  }
0xf9: {  	_ =	swait.ge [sflag:s11], $0x400  }
0xfa: {  	[sflag:s11] =	ssyncset.done $0x0  }
0xfb: {  	[sflag:s11] =	ssyncadd.s32 $0xFFFFFC00  }
0xfc: {  	_ =	swait.ge [sflag:s11], $0x400  }
0xfd: {  	[sflag:s11] =	ssyncset.done $0x0  }
0xfe: {  	[sflag:s11] =	ssyncadd.s32 $0xFFFFFC00  }
0xff: {  	_ =	swait.ge [sflag:s11], $0x400  }
0x100: {  	[sflag:s11] =	ssyncset.done $0x0  }
0x101: {  	[sflag:s11] =	ssyncadd.s32 $0xFFFFFC00  }
0x102: {  	_ =	swait.ge [sflag:s11], $0x400  }
0x103: {  	[sflag:s11] =	ssyncset.done $0x0  }
0x104: {  	[sflag:s11] =	ssyncadd.s32 $0xFFFFFC00  }
0x105: {  	_ =	swait.ge [sflag:s11], $0x400  }
0x106: {  	[sflag:s11] =	ssyncset.done $0x0  }
0x107: {  	[sflag:s11] =	ssyncadd.s32 $0xFFFFFC00  }
0x108: {  	_ =	swait.ge [sflag:s11], $0x400  }
0x109: {  	[sflag:s11] =	ssyncset.done $0x0  }
0x10a: {  	[sflag:s11] =	ssyncadd.s32 $0xFFFFFC00  }
0x10b: {  	_ =	swait.ge [sflag:s11], $0x400  }
0x10c: {  	[sflag:s11] =	ssyncset.done $0x0  }
0x10d: {  	[sflag:s11] =	ssyncadd.s32 $0xFFFFFC00  }
0x10e: {  	[bflag:$0x0] =	sbarrier.arrive $0xFFFF  }
0x10f: {  	[tilespmem:s7], [sflag:$0x2] =	stream.linear.gather [spmem:s4], $0x1400, $0x38;
	[tilespmem:$0x5400] =	vst v63  }
0x110: {  	s13 =	sadd.s32 $0x1, s13;
	_ =	swait.ge [sflag:s8], $0x1400  }
0x111: {  	p0 =	sne.s32 s13, s6;
	[sflag:s8] =	ssyncset.done $0x0  }
.Ltmp3:
0x112: {  	[sflag:s8] =	ssyncadd.s32 $0xFFFFEC00;
	(pc) =	sbr.rel @p0 .LBB2_1-.Ltmp3, $4  }
0x113: {  	[hbm4b:s12+s3] =	stream.linear.scatter [tilespmem:s7], [sflag:$0x2], $0x1400, $0x38;
	[tilespmem:$0x5400] =	vst v63  }
0x114: {  	_ =	swait.ge [sflag:s8], $0x1400  }
0x115: {  	[sflag:s8] =	ssyncset.done $0x0  }
0x116: {  	[sflag:s8] =	ssyncadd.s32 $0xFFFFEC00  }
0x117: {  	_ =	sfence.sel $0x180000  }
0x118: {  	[bflag:$0x0] =	sbarrier.arrive $0xFFFF  }
0x119: {  	p0 =	sne.s32 s0, $0x0;
	_ =	strace $0x90000047  }
0x11a: {  	s0 =	sadd.s32 @!p0 $0x100000, s1;
	[bflag:$0x2] =	sbarrier.arrive $0xFFFF  }
0x11b: {  	[sflag:s0] =	ssyncadd.tile.s32 @!p0 $0x1;
	_ =	shalt  }
.Lfunc_end2:
_tile_overlayer_lowered:
.L_overlay_start_2:
0x11c: {  	(tag) =	ssettag $0x2  }
0x11d: {  	s0 =	rddreg [dreg:$0x0];
	s2 =	stileid.u32  }
0x11e: {  	s1 =	rddreg [dreg:$0x1];
	p0 =	sne.s32 s2, $0x0  }
0x11f: {  	s3 =	rddreg [dreg:$0x2];
	[bflag:$0x3] =	sbarrier.arrive $0xFFFF;
	s2 =	simm.s32 @!p0 $0x1C02  }
0x120: {  	[timem:s3], [sflag:s2] =	dma.local @!p0 [hbm:s0], s1  }
0x121: {  	s0 =	simm.s32 @!p0 $0x2  }
0x122: {  	_ =	swait.ge @!p0 [sflag:s0], s1  }
0x123: {  	s1 =	ssub.s32 @!p0 $0x0, s1;
	[sflag:s0] =	ssyncset.done @!p0 $0x0  }
0x124: {  	[sflag:s0] =	ssyncadd.s32 @!p0 s1  }
0x125: {  	[bflag:$0x3] =	sbarrier.arrive $0xFFFF  }
0x126: {  	_ =	shalt  }

// kernel: kernel.9.cloned.1.call-start
scs
__scs_entry_jumppad:
0x0: {  	(pc) =	sbr.rel $0x88, $3  }
0x1: {  	(tag) =	ssettag $0x0;
	lr =	simm.s32 $0x1  }
0x2: {  	[smem:$0x3F97] =	sst lr;
	_ =	strace $0xD0000000  }
0x3: {  	_ = 	snop  }
0x4: {  	_ = 	snop  }
0x5: {  	_ = 	snop  }
0x6: {  	_ = 	snop  }
0x7: {  	_ = 	snop  }
__scs_overlays_trampoline_lowered:
0x8: {  	[smem:$0x3FA6] =	sst s0  }
0x9: {  	[smem:$0x3FA7] =	sst s1  }
0xa: {  	[smem:$0x3FA8] =	sst s2  }
0xb: {  	[smem:$0x3FA9] =	sst s3  }
0xc: {  	[smem:$0x3FAA] =	sst s4  }
0xd: {  	[smem:$0x3FAB] =	sst s5  }
0xe: {  	[smem:$0x3FAC] =	sst s6  }
0xf: {  	[smem:$0x3FAD] =	sst s7  }
0x10: {  	[smem:$0x3FAE] =	sst s8  }
0x11: {  	[smem:$0x3FAF] =	sst s9;
	s0 =	simm.s32 @!p0 $0x0  }
0x12: {  	s1 =	sld [smem:$0x3F95];
	s0 =	simm.s32 @p0 $0x1  }
0x13: {  	[smem:$0x3FB0] =	sst s0;
	s0 =	simm.s32 @!p1 $0x0  }
0x14: {  	s2 =	sld [smem:$0x3F94];
	s0 =	simm.s32 @p1 $0x1  }
0x15: {  	[smem:$0x3FB1] =	sst s0;
	s0 =	simm.s32 @!p2 $0x0  }
0x16: {  	s3 =	sld [smem:$0x3FDB];
	s0 =	simm.s32 @p2 $0x1  }
0x17: {  	s4 =	simm.s32 $0x1BF5;
	[smem:$0x3FB3] =	sst s0  }
0x18: {  	s0 =	sld [smem:$0x3F96];
	_ =	swait.ge [sflag:s4], $0x0  }
0x19: {  	s7 =	sld [smem:$0x3F97]  }
0x1a: {  	s8 =	sadd.s32 $0xFFFFE003, lr  }
0x1b: {  	s9 =	sadd.s32 $0xFFFFFEF7, lr;
	s5 =	simm.s32 $0xFFFFFFFF;
	p2 =	slt.u32 s8, $0xFFFFF086  }
0x1c: {  	p1 =	slt.u32 s9, $0xF7A;
	s5 =	simm.s32 @!p2 $0x0  }
0x1d: {  	s5 =	simm.s32 @p1 $0x1;
	p0 =	seq.s32 s7, s2  }
0x1e: {  	s7 =	smul.u32 @!p0 $0xF7A, s2;
	p2 =	seq.s32 @!p0 s5, $0x0  }
0x1f: {  	s9 =	smul.u32 $0xF7A, s1;
	s8 =	simm.s32 @!p0 $0x1BF5;
	p2 =	por !p2, p0  }
0x20: {  	[sflag:s8] =	ssyncset.s32 @!p0 $0xFFFFF086;
	s6 =	sadd.s32 @!p0 s3, s7;
	s7 =	simm.s32 @!p0 $0x108  }
0x21: {  	s3 =	sadd.s32 s3, s9;
	s6 =	sadd.s32 @!p0 $0x88, s6;
	s7 =	simm.s32 @p2 $0x1082  }
0x22: {  	[simem:s7], [sflag:s8] =	dma.local @!p0 [hbm:s6], $0xF7A  }
0x23: {  	s9 =	sor.u32 $0xD0000000, s2;
	s6 =	simm.s32 $0x108;
	_ =	swait.ge @!p0 [sflag:s8], $0x0  }
0x24: {  	s3 =	sadd.s32 $0x88, s3;
	s6 =	simm.s32 @!p1 $0x1082;
	[sflag:s4] =	ssyncset.s32 $0xFFFFF086  }
0x25: {  	[simem:s6], [sflag:s4] =	dma.local [hbm:s3], $0xF7A  }
0x26: {  	[smem:$0x3F97] =	sst s1;
	(tag) =	ssettag s2;
	_ =	strace s9  }
0x27: {  	s1 =	sld [smem:$0x3FA7]  }
0x28: {  	s2 =	sld [smem:$0x3FA8]  }
0x29: {  	s4 =	sld [smem:$0x3FAA]  }
0x2a: {  	p0 =	seq.s32 s5, $0x0;
	s5 =	sld [smem:$0x3FAB]  }
0x2b: {  	s6 =	sld [smem:$0x3FAC]  }
0x2c: {  	s7 =	sld [smem:$0x3FAD]  }
0x2d: {  	s3 =	simm.s32 $0x108;
	s8 =	sld [smem:$0x3FAE]  }
0x2e: {  	s3 =	simm.s32 @!p0 $0x1082;
	s9 =	sld [smem:$0x3FAF]  }
0x2f: {  	lr =	sadd.s32 s0, s3;
	s0 =	sld [smem:$0x3FA6]  }
0x30: {  	s3 =	sld [smem:$0x3FA9]  }
0x31: {  	[smem:$0x3FB2] =	sst s10  }
0x32: {  	s10 =	sld [smem:$0x3FB0];
	_ =	sdelay $0x3  }
0x33: {  	p0 =	seq.s32 s10, $0x1;
	s10 =	sld [smem:$0x3FB2];
	_ =	sdelay $0x3  }
0x34: {  	[smem:$0x3FB2] =	sst s10  }
0x35: {  	s10 =	sld [smem:$0x3FB1];
	_ =	sdelay $0x3  }
0x36: {  	p1 =	seq.s32 s10, $0x1;
	s10 =	sld [smem:$0x3FB2];
	_ =	sdelay $0x3  }
0x37: {  	[smem:$0x3FB2] =	sst s10  }
0x38: {  	s10 =	sld [smem:$0x3FB3]  }
0x39: {  	_ = 	snop;
	(pc) =	sbr.ind lr, $3  }
0x3a: {  	_ = 	snop  }
0x3b: {  	_ = 	snop  }
0x3c: {  	p2 =	seq.s32 s10, $0x1;
	s10 =	sld [smem:$0x3FB2]  }
0x3d: {  	_ =	shalt  }
0x3e: {  	_ =	shalt  }
0x3f: {  	_ =	shalt  }
0x40: {  	_ =	shalt  }
0x41: {  	_ =	shalt  }
0x42: {  	_ =	shalt  }
0x43: {  	_ =	shalt  }
0x44: {  	_ =	shalt  }
0x45: {  	_ =	shalt  }
0x46: {  	_ =	shalt  }
0x47: {  	_ =	shalt  }
0x48: {  	_ =	shalt  }
0x49: {  	_ =	shalt  }
0x4a: {  	_ =	shalt  }
0x4b: {  	_ =	shalt  }
0x4c: {  	_ =	shalt  }
0x4d: {  	_ =	shalt  }
0x4e: {  	_ =	shalt  }
0x4f: {  	_ =	shalt  }
0x50: {  	_ =	shalt  }
0x51: {  	_ =	shalt  }
0x52: {  	_ =	shalt  }
0x53: {  	_ =	shalt  }
0x54: {  	_ =	shalt  }
0x55: {  	_ =	shalt  }
0x56: {  	_ =	shalt  }
0x57: {  	_ =	shalt  }
0x58: {  	_ =	shalt  }
0x59: {  	_ =	shalt  }
0x5a: {  	_ =	shalt  }
0x5b: {  	_ =	shalt  }
0x5c: {  	_ =	shalt  }
0x5d: {  	_ =	shalt  }
0x5e: {  	_ =	shalt  }
0x5f: {  	_ =	shalt  }
0x60: {  	_ =	shalt  }
0x61: {  	_ =	shalt  }
0x62: {  	_ =	shalt  }
0x63: {  	_ =	shalt  }
0x64: {  	_ =	shalt  }
0x65: {  	_ =	shalt  }
0x66: {  	_ =	shalt  }
0x67: {  	_ =	shalt  }
0x68: {  	_ =	shalt  }
0x69: {  	_ =	shalt  }
0x6a: {  	_ =	shalt  }
0x6b: {  	_ =	shalt  }
0x6c: {  	_ =	shalt  }
0x6d: {  	_ =	shalt  }
0x6e: {  	_ =	shalt  }
0x6f: {  	_ =	shalt  }
0x70: {  	_ =	shalt  }
0x71: {  	_ =	shalt  }
0x72: {  	_ =	shalt  }
0x73: {  	_ =	shalt  }
0x74: {  	_ =	shalt  }
0x75: {  	_ =	shalt  }
0x76: {  	_ =	shalt  }
0x77: {  	_ =	shalt  }
0x78: {  	_ =	shalt  }
0x79: {  	_ =	shalt  }
0x7a: {  	_ =	shalt  }
0x7b: {  	_ =	shalt  }
0x7c: {  	_ =	shalt  }
0x7d: {  	_ =	shalt  }
0x7e: {  	_ =	shalt  }
0x7f: {  	_ =	shalt  }
0x80: {  	_ =	shalt  }
0x81: {  	_ =	shalt  }
0x82: {  	_ =	shalt  }
0x83: {  	_ =	shalt  }
0x84: {  	_ =	shalt  }
0x85: {  	_ =	shalt  }
0x86: {  	_ =	shalt  }
0x87: {  	_ =	shalt  }
.Lfunc_end0:
.L_simem_size_0:
called_computation.1_lowered:
.L_overlay_start_0:
0x88: {  	s2 =	sld [smem:$0x3FD9]  }
0x89: {  	s3 =	sld [smem:$0x3FFE];
	_ =	sdelay $0x1  }
0x8a: {  	s1 =	srdreg.scid  }
0x8b: {  	s0 =	sand.u32 $0x1, s1  }
0x8c: {  	s16 =	sshll.u32 s0, $0xA;
	s2 =	sadd.s32 s3, s2  }
0x8d: {  	s2 =	sadd.s32 s2, s16  }
0x8e: {  	[smem:$0x3FBE] =	sst s2  }
0x8f: {  	_ = 	snop  }
0x90: {  	(tm) =	ssettm $0x1  }
0x91: {  	s17 =	sld [smem:$0x3FFB];
	_ =	sdelay $0x3  }
0x92: {  	_ =	strace s17  }
0x93: {  	s2 =	sld [smem:$0x3FFC];
	_ =	sdelay $0x3  }
0x94: {  	_ =	strace s2  }
0x95: {  	s2 =	sld [smem:$0x3FFD];
	_ =	sdelay $0x3  }
0x96: {  	_ =	strace s2  }
0x97: {  	_ =	strace $0x8FFFFFFF  }
0x98: {  	s18 =	sld [smem:$0x3FDB];
	_ =	sdelay $0x1  }
0x99: {  	s19 =	simm.s32 $_scs_section_size  }
0x9a: {  	s4 =	simm.s32 $_size__tile_overlayer_lowered;
	s5 =	simm.s32 $_tile_overlayer_lowered  }
0x9b: {  	s22 =	simm.s32 $0x1BFF;
	s21 =	sshll.u32 s5, $0x1;
	s2 =	sadd.s32 s19, s18  }
0x9c: {  	s6 =	simm.s32 $0x0;
	s20 =	sshll.u32 s4, $0x1;
	s4 =	sadd.s32 s21, s2  }
0x9d: {  	[timem:s6], [sflag:s22] =	dma.local [hbm:s4], s20  }
0x9e: {  	_ =	swait.ge [sflag:s22], s20  }
0x9f: {  	s3 =	ssub.s32 $0x0, s20;
	[sflag:s22] =	ssyncset.done $0x0  }
0xa0: {  	[sflag:s22] =	ssyncadd.s32 s3;
	_ =	sdelay $0x1  }
0xa1: {  	s23 =	simm.s32 $0x1B8B  }
0xa2: {  	_ =	swait.ge [sflag:s23], $0x1  }
0xa3: {  	[sflag:s23] =	ssyncset.done $0x0  }
0xa4: {  	s25 =	simm.s32 $0x1B8E;
	s24 =	sld [smem:$0x3FFE];
	[sflag:s23] =	ssyncadd.s32 $0xFFFFFFFF  }
0xa5: {  	s26 =	simm.s32 $execute0_lowered;
	[smem:$0x3FD2] =	sst s25  }
0xa6: {  	s4 =	sshll.u32 s26, $0x1;
	_ =	strace $0x80000049;
	[dreg:$0x1] =	wrdreg $0xFFFFFFFF  }
0xa7: {  	s28 =	simm.s32 $_size_execute0_lowered;
	s2 =	sadd.s32 s2, s4;
	[dreg:$0x0] =	wrdreg $0x0  }
0xa8: {  	s4 =	sshll.u32 s28, $0x1;
	[dreg:$0x2] =	wrdreg s2  }
0xa9: {  	[dreg:$0x3] =	wrdreg s4  }
0xaa: {  	[dreg:$0x4] =	wrdreg $0xC0  }
0xab: {  	_ =	task [dreg:s6], $0x5FFFF  }
0xac: {  	[dreg:$0x1] =	wrdreg $0xFFFFFFFF  }
0xad: {  	[dreg:$0x0] =	wrdreg $0x60  }
0xae: {  	[dreg:$0x2] =	wrdreg s24  }
0xaf: {  	[dreg:$0x3] =	wrdreg $0xA8000  }
0xb0: {  	[dreg:$0x4] =	wrdreg $0x148000  }
0xb1: {  	[dreg:$0x5] =	wrdreg $0x9  }
0xb2: {  	_ =	task.clear_ibuf [dreg:s6], $0x6FFFF;
	_ =	strace $0x90000049  }
0xb3: {  	s29 =	simm.s32 $0x9;
	_ =	strace $0x8000004B  }
0xb4: {  	_ =	swait.ge [sflag:s29], $0x1  }
0xb5: {  	[sflag:s29] =	ssyncadd.s32 $0xFFFFFFFF  }
0xb6: {  	_ =	strace $0x9000004B  }
0xb7: {  	_ =	sfence  }
0xb8: {  	s30 =	sld [smem:$0x0];
	_ =	sdelay $0x2  }
0xb9: {  	s31 =	sshll.u32 s1, $0xD;
	s1 =	sshrl.u32 s1, $0x2  }
0xba: {  	s3 =	sand.u32 $0x4000, s31;
	s1 =	sadd.s32 s1, s30  }
0xbb: {  	s0 =	sor.u32 s3, s0;
	s1 =	sshll.u32 s1, $0x11  }
0xbc: {  	s0 =	sor.u32 s1, s0  }
0xbd: {  	s0 =	sadd.s32 $0x8F2B, s0  }
0xbe: {  	[sflag:s0] =	ssyncadd.remote.s32 $0x1  }
0xbf: {  	_ =	sfence.sel $0xFFFF  }
0xc0: {  	[dreg:$0x0] =	wrdreg $0xFFFFFFFF;
	(pc) =	sbr.abs _section_cstart, $3  }
0xc1: {  	[dreg:$0x1] =	wrdreg $0xFFFFFFFF  }
0xc2: {  	_ =	task.clear_ibuf [dreg:s6], $0x2FFFF;
	_ =	strace $0x9FFFFFFF  }
0xc3: {  	(tm) =	ssettm $0x7FFFFFFF  }
tec
execute0_lowered:
.L_overlay_start_1:
0x0: {  	(tag) =	ssettag $0x1  }
0x1: {  	s0 =	rddreg [dreg:$0x0]  }
0x2: {  	s2 =	rddreg [dreg:$0x1]  }
0x3: {  	s3 =	rddreg [dreg:$0x2]  }
0x4: {  	s1 =	srdreg.scid;
	s6 =	stileid.u32  }
0x5: {  	s4 =	simm.s32 $0x0;
	s16 =	simm.s32 $0x2800;
	s17 =	simm.s32 $0x9  }
0x6: {  	s28 =	simm.s32 $0x6800;
	s29 =	simm.s32 $0x180;
	s30 =	simm.s32 $0x8800  }
0x7: {  	s31 =	simm.s32 $0x1;
	s1 =	sand.u32 $0x1, s1;
	s5 =	sshll.u32 s6, $0x1  }
0x8: {  	[smem:$0x7FF] =	sst s4;
	s6 =	smul.u32 $0xA000, s6;
	s5 =	sor.u32 s1, s5  }
0x9: {  	_ =	strace $0x8000004A;
	s7 =	smul.u32 $0x14000, s1;
	s1 =	ssub.s32 $0x2, s1  }
0xa: {  	s5 =	smul.u32 $0x500, s5;
	s8 =	sshrl.u32 s6, $0x3;
	s9 =	sshrl.u32 s1, $0x1  }
0xb: {  	s19 =	sadd.s32 $0x2000, s6;
	s10 =	sadd.s32 s6, s2;
	s21 =	sadd.s32 $0x4000, s6  }
0xc: {  	s11 =	sadd.s32 $0x6000, s6;
	s14 =	sadd.s32 $0x8000, s6;
	s6 =	sadd.s32 s6, s3  }
0xd: {  	[dreg:$0x4] =	wrdreg s8;
	s8 =	sadd.s32 s8, s0;
	s1 =	ssub.s32 s1, s9  }
0xe: {  	s20 =	sadd.s32 s19, s2;
	s22 =	sadd.s32 s21, s2;
	s23 =	sadd.s32 s11, s2  }
0xf: {  	s24 =	sadd.s32 s14, s2;
	s15 =	sshrl.u32 s21, $0x3;
	[dreg:$0x5] =	wrdreg s20  }
0x10: {  	s18 =	sshrl.u32 s11, $0x3;
	s21 =	simm.s32 $0x4800;
	[dreg:$0x6] =	wrdreg s22  }
0x11: {  	s11 =	simm.s32 $0x5;
	s5 =	sadd.s32 s5, s0;
	[dreg:$0x7] =	wrdreg s23  }
0x12: {  	s0 =	sadd.s32 s7, s0;
	[dreg:$0x8] =	wrdreg s24;
	s25 =	sadd.s32 $0x1AA00, s8  }
0x13: {  	s8 =	sshrl.u32 s19, $0x3;
	s22 =	sshrl.u32 s14, $0x3;
	s1 =	smax.u32 s1, $0x1  }
0x14: {  	s23 =	sshrl.u32 s6, $0x3;
	s19 =	simm.s32 $0x1400;
	s20 =	simm.s32 $0x80  }
0x15: {  	s14 =	simm.s32 $0x2780;
	s6 =	simm.s32 $0x0;
	[dreg:$0x9] =	wrdreg s25  }
0x16: {  	s12 =	sadd.s32 $0x10A00, s5;
	s13 =	sadd.s32 $0x1A00, s5;
	[dreg:$0xb] =	wrdreg s1  }
0x17: {  	s26 =	sadd.s32 $0x2EA00, s0;
	[dreg:$0xc] =	wrdreg s23;
	s1 =	simm.s32 $0x3  }
0x18: {  	s5 =	simm.s32 $0x4;
	s0 =	sadd.s32 s8, s26;
	[dreg:$0xa] =	wrdreg s26  }
0x19: {  	s23 =	simm.s32 $0x2600;
	s24 =	sadd.s32 s15, s26;
	[dreg:$0xd] =	wrdreg s0  }
0x1a: {  	s25 =	sadd.s32 s18, s26;
	s26 =	sadd.s32 s22, s26;
	[dreg:$0xe] =	wrdreg s24  }
0x1b: {  	s15 =	simm.s32 $0x6;
	s18 =	simm.s32 $0x7;
	[dreg:$0xf] =	wrdreg s25  }
0x1c: {  	s22 =	simm.s32 $0x8;
	[dreg:$0x10] =	wrdreg s26;
	s26 =	simm.s32 $0x100  }
0x1d: {  	v0 =	vimm.f32 $0.0e+00;
	s0 =	simm.s32 $0x2;
	s24 =	simm.s32 $0x2680;
	s25 =	simm.s32 $0x2700  }
.LBB2_1:
0x1e: {  	s8 =	simm.s32 $0x100;
	s7 =	simm.s32 $0x0  }
.LBB2_2:
0x1f: {  	p0 =	sne.s32 s8, $0x7F00;
	[tilespmem:s7+$0x2830] =	vst v0;
	s9 =	smov.u32 s8;
	s8 =	sadd.s32 $0x100, s8  }
.Ltmp0:
0x20: {  	[tilespmem:s7+$0x2820] =	vst v0;
	(pc) =	sbr.rel @p0 .LBB2_2-.Ltmp0, $3  }
0x21: {  	[tilespmem:s7+$0x2800] =	vst v0  }
0x22: {  	[tilespmem:s7+$0x2810] =	vst v0;
	_ =	sdelay $0x1  }
0x23: {  	s7 =	sshra.s32 s9, $0x2  }
0x24: {  	[tilespmem:s7+$0x2830] =	vst v0  }
0x25: {  	[tilespmem:s7+$0x2820] =	vst v0  }
0x26: {  	[tilespmem:s7+$0x2800] =	vst v0  }
0x27: {  	[tilespmem:s7+$0x2810] =	vst v0  }
0x28: {  	[spmem:s10] =	stream.linear.scatter [tilespmem:s16], [sflag:$0x9], $0x2000, $0x38;
	[tilespmem:$0x1E800] =	vst v63  }
0x29: {  	_ =	swait.ge [sflag:s17], $0x2000  }
0x2a: {  	[sflag:s17] =	ssyncset.done $0x0  }
0x2b: {  	s9 =	rddreg [dreg:$0x5];
	[sflag:s17] =	ssyncadd.s32 $0xFFFFE000  }
0x2c: {  	[spmem:s9] =	stream.linear.scatter [tilespmem:s16], [sflag:$0x9], $0x2000, $0x38;
	[tilespmem:$0x1E800] =	vst v63  }
0x2d: {  	_ =	swait.ge [sflag:s17], $0x2000  }
0x2e: {  	[sflag:s17] =	ssyncset.done $0x0  }
0x2f: {  	s4 =	smov.u32 s10;
	s10 =	rddreg [dreg:$0x6];
	[sflag:s17] =	ssyncadd.s32 $0xFFFFE000  }
0x30: {  	[spmem:s10] =	stream.linear.scatter [tilespmem:s16], [sflag:$0x9], $0x2000, $0x38;
	[tilespmem:$0x1E800] =	vst v63  }
0x31: {  	_ =	swait.ge [sflag:s17], $0x2000  }
0x32: {  	[sflag:s17] =	ssyncset.done $0x0  }
0x33: {  	s8 =	rddreg [dreg:$0x7];
	[sflag:s17] =	ssyncadd.s32 $0xFFFFE000  }
0x34: {  	[spmem:s8] =	stream.linear.scatter [tilespmem:s16], [sflag:$0x9], $0x2000, $0x38;
	[tilespmem:$0x1E800] =	vst v63  }
0x35: {  	_ =	swait.ge [sflag:s17], $0x2000  }
0x36: {  	[sflag:s17] =	ssyncset.done $0x0  }
0x37: {  	s9 =	rddreg [dreg:$0x8];
	[sflag:s17] =	ssyncadd.s32 $0xFFFFE000  }
0x38: {  	[spmem:s9] =	stream.linear.scatter [tilespmem:s16], [sflag:$0x9], $0x2000, $0x38;
	[tilespmem:$0x1E800] =	vst v63  }
0x39: {  	s10 =	stileid.u32;
	_ =	swait.ge [sflag:s17], $0x2000  }
0x3a: {  	s7 =	sshll.u32 s10, $0x6;
	[sflag:s17] =	ssyncset.done $0x0;
	s8 =	rddreg [dreg:$0x9]  }
0x3b: {  	s7 =	sor.u32 $0x1C09, s7;
	s9 =	rddreg [dreg:$0xc];
	[sflag:s17] =	ssyncadd.s32 $0xFFFFE000  }
0x3c: {  	[spmem:s9], [sflag:s7] =	dma.local [hbm:s8], $0x1400  }
0x3d: {  	_ =	swait.ge [sflag:s17], $0x1400  }
0x3e: {  	[sflag:s17] =	ssyncset.done $0x0  }
0x3f: {  	p1 =	por $0x1, $0x1;
	[sflag:s17] =	ssyncadd.s32 $0xFFFFEC00  }
0x40: {  	s7 =	simm.s32 $0x0;
	s8 =	simm.s32 $0x0;
	[bflag:$0x0] =	sbarrier.arrive $0xFFFF  }
.LBB2_4:
0x41: {  	s9 =	sadd.s32 s8, s12  }
0x42: {  	[tilespmem:s7], [sflag:$0x9] =	stream.linear.gather [hbm4b:s9+s7], $0x1400, $0x38;
	[tilespmem:$0x1E800] =	vst v63  }
0x43: {  	_ =	swait.ge [sflag:s17], $0x1400  }
0x44: {  	[sflag:s17] =	ssyncset.done $0x0  }
0x45: {  	s9 =	sadd.s32 s8, s13;
	[sflag:s17] =	ssyncadd.s32 $0xFFFFEC00  }
0x46: {  	[tilespmem:s19], [sflag:$0x9] =	stream.linear.gather [hbm4b:s9+s7], $0x1400, $0x38;
	[tilespmem:$0x1E800] =	vst v63  }
0x47: {  	_ =	swait.ge [sflag:s17], $0x1400  }
0x48: {  	[sflag:s17] =	ssyncset.done $0x0  }
0x49: {  	[sflag:s17] =	ssyncadd.s32 $0xFFFFEC00  }
0x4a: {  	[tilespmem:s16], [sflag:$0x1] =	stream.indirect.gather [spmem:s3], $0x40, s7, s20, $0xb8;
	[tilespmem:$0x1E800] =	vst v63  }
0x4b: {  	_ = 	snop  }
0x4c: {  	[tilespmem:s21], [sflag:$0x2] =	stream.indirect.gather [spmem:s3], $0x40, s20, s20, $0xb8;
	[tilespmem:$0x1E800] =	vst v63  }
0x4d: {  	_ = 	snop  }
0x4e: {  	[tilespmem:s28], [sflag:$0x3] =	stream.indirect.gather [spmem:s3], $0x40, s26, s20, $0xb8;
	[tilespmem:$0x1E800] =	vst v63  }
0x4f: {  	_ = 	snop  }
0x50: {  	[tilespmem:s30], [sflag:$0x4] =	stream.indirect.gather [spmem:s3], $0x40, s29, s20, $0xb8;
	[tilespmem:$0x1E800] =	vst v63  }
0x51: {  	_ =	swait.ge [sflag:s31], $0x2000  }
0x52: {  	[sflag:s31] =	ssyncset.done $0x0  }
0x53: {  	s10 =	simm.s32 $0x1400;
	[sflag:s31] =	ssyncadd.s32 $0xFFFFE000  }
0x54: {  	[spmem:s2] =	stream.indirect.scatter.add.f32 [tilespmem:s16], [sflag:$0x5], $0x40, s10, s20, $0xb8;
	[tilespmem:$0x1E800] =	vst v63  }
0x55: {  	_ =	swait.ge [sflag:s0], $0x2000  }
0x56: {  	[sflag:s0] =	ssyncset.done $0x0  }
0x57: {  	s9 =	simm.s32 $0x1480;
	[sflag:s0] =	ssyncadd.s32 $0xFFFFE000  }
0x58: {  	[spmem:s2] =	stream.indirect.scatter.add.f32 [tilespmem:s21], [sflag:$0x6], $0x40, s9, s20, $0xb8;
	[tilespmem:$0x1E800] =	vst v63  }
0x59: {  	_ =	swait.ge [sflag:s1], $0x2000  }
0x5a: {  	[sflag:s1] =	ssyncset.done $0x0  }
0x5b: {  	s10 =	simm.s32 $0x1500;
	[sflag:s1] =	ssyncadd.s32 $0xFFFFE000  }
0x5c: {  	[spmem:s2] =	stream.indirect.scatter.add.f32 [tilespmem:s28], [sflag:$0x7], $0x40, s10, s20, $0xb8;
	[tilespmem:$0x1E800] =	vst v63  }
0x5d: {  	_ =	swait.ge [sflag:s5], $0x2000  }
0x5e: {  	[sflag:s5] =	ssyncset.done $0x0  }
0x5f: {  	s9 =	simm.s32 $0x1580;
	[sflag:s5] =	ssyncadd.s32 $0xFFFFE000  }
0x60: {  	[spmem:s2] =	stream.indirect.scatter.add.f32 [tilespmem:s30], [sflag:$0x8], $0x40, s9, s20, $0xb8;
	[tilespmem:$0x1E800] =	vst v63  }
0x61: {  	_ =	swait.ge [sflag:s11], $0x2000  }
0x62: {  	[sflag:s11] =	ssyncset.done $0x0  }
0x63: {  	s10 =	simm.s32 $0x200;
	[sflag:s11] =	ssyncadd.s32 $0xFFFFE000  }
0x64: {  	[tilespmem:s16], [sflag:$0x1] =	stream.indirect.gather [spmem:s3], $0x40, s10, s20, $0xb8;
	[tilespmem:$0x1E800] =	vst v63  }
0x65: {  	_ =	swait.ge [sflag:s15], $0x2000  }
0x66: {  	[sflag:s15] =	ssyncset.done $0x0  }
0x67: {  	s9 =	simm.s32 $0x280;
	[sflag:s15] =	ssyncadd.s32 $0xFFFFE000  }
0x68: {  	[tilespmem:s21], [sflag:$0x2] =	stream.indirect.gather [spmem:s3], $0x40, s9, s20, $0xb8;
	[tilespmem:$0x1E800] =	vst v63  }
0x69: {  	_ =	swait.ge [sflag:s18], $0x2000  }
0x6a: {  	[sflag:s18] =	ssyncset.done $0x0  }
0x6b: {  	s10 =	simm.s32 $0x300;
	[sflag:s18] =	ssyncadd.s32 $0xFFFFE000  }
0x6c: {  	[tilespmem:s28], [sflag:$0x3] =	stream.indirect.gather [spmem:s3], $0x40, s10, s20, $0xb8;
	[tilespmem:$0x1E800] =	vst v63  }
0x6d: {  	_ =	swait.ge [sflag:s22], $0x2000  }
0x6e: {  	p0 =	por p1, p1;
	[sflag:s22] =	ssyncset.done $0x0  }
0x6f: {  	s8 =	simm.s32 $0x800;
	s9 =	simm.s32 $0x380;
	[sflag:s22] =	ssyncadd.s32 $0xFFFFE000  }
.LBB2_5:
0x70: {  	[tilespmem:s30], [sflag:$0x4] =	stream.indirect.gather [spmem:s3], $0x40, s9, s20, $0xb8;
	[tilespmem:$0x1E800] =	vst v63  }
0x71: {  	s9 =	smov.u32 s8  }
0x72: {  	p1 =	sne.s32 s8, $0x4000;
	s8 =	sadd.s32 $0x800, s8;
	_ =	swait.ge [sflag:s31], $0x2000  }
0x73: {  	s9 =	sshra.s32 s9, $0x2;
	[sflag:s31] =	ssyncset.done $0x0  }
0x74: {  	s10 =	sadd.s32 $0x1400, s9;
	[sflag:s31] =	ssyncadd.s32 $0xFFFFE000  }
0x75: {  	[spmem:s2] =	stream.indirect.scatter.add.f32 [tilespmem:s16], [sflag:$0x5], $0x40, s10, s20, $0xb8;
	[tilespmem:$0x1E800] =	vst v63  }
0x76: {  	_ =	swait.ge [sflag:s0], $0x2000  }
0x77: {  	[sflag:s0] =	ssyncset.done $0x0  }
0x78: {  	s10 =	sadd.s32 $0x1480, s9;
	[sflag:s0] =	ssyncadd.s32 $0xFFFFE000  }
0x79: {  	[spmem:s2] =	stream.indirect.scatter.add.f32 [tilespmem:s21], [sflag:$0x6], $0x40, s10, s20, $0xb8;
	[tilespmem:$0x1E800] =	vst v63  }
0x7a: {  	_ =	swait.ge [sflag:s1], $0x2000  }
0x7b: {  	[sflag:s1] =	ssyncset.done $0x0  }
0x7c: {  	s10 =	sadd.s32 $0x1500, s9;
	[sflag:s1] =	ssyncadd.s32 $0xFFFFE000  }
0x7d: {  	[spmem:s2] =	stream.indirect.scatter.add.f32 [tilespmem:s28], [sflag:$0x7], $0x40, s10, s20, $0xb8;
	[tilespmem:$0x1E800] =	vst v63  }
0x7e: {  	_ =	swait.ge [sflag:s5], $0x2000  }
0x7f: {  	[sflag:s5] =	ssyncset.done $0x0  }
0x80: {  	s10 =	sadd.s32 $0x1580, s9;
	[sflag:s5] =	ssyncadd.s32 $0xFFFFE000  }
0x81: {  	[spmem:s2] =	stream.indirect.scatter.add.f32 [tilespmem:s30], [sflag:$0x8], $0x40, s10, s20, $0xb8;
	[tilespmem:$0x1E800] =	vst v63  }
0x82: {  	_ =	swait.ge [sflag:s11], $0x2000  }
0x83: {  	[sflag:s11] =	ssyncset.done $0x0  }
0x84: {  	s10 =	sadd.s32 $0x200, s9;
	[sflag:s11] =	ssyncadd.s32 $0xFFFFE000  }
0x85: {  	[tilespmem:s16], [sflag:$0x1] =	stream.indirect.gather [spmem:s3], $0x40, s10, s20, $0xb8;
	[tilespmem:$0x1E800] =	vst v63  }
0x86: {  	_ =	swait.ge [sflag:s15], $0x2000  }
0x87: {  	[sflag:s15] =	ssyncset.done $0x0  }
0x88: {  	s10 =	sadd.s32 $0x280, s9;
	[sflag:s15] =	ssyncadd.s32 $0xFFFFE000  }
0x89: {  	[tilespmem:s21], [sflag:$0x2] =	stream.indirect.gather [spmem:s3], $0x40, s10, s20, $0xb8;
	[tilespmem:$0x1E800] =	vst v63  }
0x8a: {  	_ =	swait.ge [sflag:s18], $0x2000  }
0x8b: {  	[sflag:s18] =	ssyncset.done $0x0  }
.Ltmp1:
0x8c: {  	s10 =	sadd.s32 $0x300, s9;
	[sflag:s18] =	ssyncadd.s32 $0xFFFFE000;
	(pc) =	sbr.rel @p1 .LBB2_5-.Ltmp1, $4  }
0x8d: {  	[tilespmem:s28], [sflag:$0x3] =	stream.indirect.gather [spmem:s3], $0x40, s10, s20, $0xb8;
	[tilespmem:$0x1E800] =	vst v63  }
0x8e: {  	_ =	swait.ge [sflag:s22], $0x2000  }
0x8f: {  	[sflag:s22] =	ssyncset.done $0x0  }
0x90: {  	s9 =	sadd.s32 $0x380, s9;
	[sflag:s22] =	ssyncadd.s32 $0xFFFFE000  }
0x91: {  	[tilespmem:s30], [sflag:$0x4] =	stream.indirect.gather [spmem:s3], $0x40, s9, s20, $0xb8;
	[tilespmem:$0x1E800] =	vst v63  }
0x92: {  	_ =	swait.ge [sflag:s31], $0x2000  }
0x93: {  	[sflag:s31] =	ssyncset.done $0x0  }
0x94: {  	[sflag:s31] =	ssyncadd.s32 $0xFFFFE000  }
0x95: {  	[spmem:s2] =	stream.indirect.scatter.add.f32 [tilespmem:s16], [sflag:$0x5], $0x40, s23, s20, $0xb8;
	[tilespmem:$0x1E800] =	vst v63  }
0x96: {  	_ =	swait.ge [sflag:s0], $0x2000  }
0x97: {  	[sflag:s0] =	ssyncset.done $0x0  }
0x98: {  	[sflag:s0] =	ssyncadd.s32 $0xFFFFE000  }
0x99: {  	[spmem:s2] =	stream.indirect.scatter.add.f32 [tilespmem:s21], [sflag:$0x6], $0x40, s24, s20, $0xb8;
	[tilespmem:$0x1E800] =	vst v63  }
0x9a: {  	_ =	swait.ge [sflag:s1], $0x2000  }
0x9b: {  	[sflag:s1] =	ssyncset.done $0x0  }
0x9c: {  	[sflag:s1] =	ssyncadd.s32 $0xFFFFE000  }
0x9d: {  	[spmem:s2] =	stream.indirect.scatter.add.f32 [tilespmem:s28], [sflag:$0x7], $0x40, s25, s20, $0xb8;
	[tilespmem:$0x1E800] =	vst v63  }
0x9e: {  	_ =	swait.ge [sflag:s5], $0x2000  }
0x9f: {  	[sflag:s5] =	ssyncset.done $0x0  }
0xa0: {  	[sflag:s5] =	ssyncadd.s32 $0xFFFFE000  }
0xa1: {  	[spmem:s2] =	stream.indirect.scatter.add.f32 [tilespmem:s30], [sflag:$0x8], $0x40, s14, s20, $0xb8;
	[tilespmem:$0x1E800] =	vst v63  }
0xa2: {  	_ =	swait.ge [sflag:s11], $0x2000  }
0xa3: {  	[sflag:s11] =	ssyncset.done $0x0  }
0xa4: {  	[sflag:s11] =	ssyncadd.s32 $0xFFFFE000  }
0xa5: {  	_ =	swait.ge [sflag:s15], $0x2000  }
0xa6: {  	[sflag:s15] =	ssyncset.done $0x0  }
0xa7: {  	[sflag:s15] =	ssyncadd.s32 $0xFFFFE000  }
0xa8: {  	_ =	swait.ge [sflag:s18], $0x2000  }
.Ltmp2:
0xa9: {  	[sflag:s18] =	ssyncset.done $0x0;
	(pc) =	sbr.rel @p0 .LBB2_4-.Ltmp2, $4  }
0xaa: {  	[sflag:s18] =	ssyncadd.s32 $0xFFFFE000  }
0xab: {  	_ =	swait.ge [sflag:s22], $0x2000  }
0xac: {  	[sflag:s22] =	ssyncset.done $0x0  }
0xad: {  	s8 =	simm.s32 $0x280;
	p1 =	por $0x0, $0x0;
	[sflag:s22] =	ssyncadd.s32 $0xFFFFE000  }
0xae: {  	[bflag:$0x0] =	sbarrier.arrive $0xFFFF  }
0xaf: {  	[tilespmem:s16], [sflag:$0x9] =	stream.linear.gather [spmem:s4], $0x2000, $0x38;
	[tilespmem:$0x1E800] =	vst v63  }
0xb0: {  	_ =	swait.ge [sflag:s17], $0x2000  }
0xb1: {  	s7 =	rddreg [dreg:$0x4]  }
0xb2: {  	s10 =	smov.u32 s4;
	[sflag:s17] =	ssyncset.done $0x0;
	s8 =	rddreg [dreg:$0xa]  }
0xb3: {  	s4 =	simm.s32 $0x0;
	[sflag:s17] =	ssyncadd.s32 $0xFFFFE000;
	s7 =	sadd.s32 s7, s8  }
0xb4: {  	[hbm4b:s7+s4] =	stream.linear.scatter [tilespmem:s16], [sflag:$0x9], $0x2000, $0x38;
	[tilespmem:$0x1E800] =	vst v63  }
0xb5: {  	_ =	swait.ge [sflag:s17], $0x2000  }
0xb6: {  	[sflag:s17] =	ssyncset.done $0x0  }
0xb7: {  	s9 =	rddreg [dreg:$0x5];
	[sflag:s17] =	ssyncadd.s32 $0xFFFFE000  }
0xb8: {  	[tilespmem:s21], [sflag:$0x9] =	stream.linear.gather [spmem:s9], $0x2000, $0x38;
	[tilespmem:$0x1E800] =	vst v63  }
0xb9: {  	_ =	swait.ge [sflag:s17], $0x2000  }
0xba: {  	[sflag:s17] =	ssyncset.done $0x0  }
0xbb: {  	s8 =	rddreg [dreg:$0xd];
	[sflag:s17] =	ssyncadd.s32 $0xFFFFE000  }
0xbc: {  	[hbm4b:s8+s4] =	stream.linear.scatter [tilespmem:s21], [sflag:$0x9], $0x2000, $0x38;
	[tilespmem:$0x1E800] =	vst v63  }
0xbd: {  	_ =	swait.ge [sflag:s17], $0x2000  }
0xbe: {  	[sflag:s17] =	ssyncset.done $0x0  }
0xbf: {  	s9 =	rddreg [dreg:$0x6];
	[sflag:s17] =	ssyncadd.s32 $0xFFFFE000  }
0xc0: {  	[tilespmem:s28], [sflag:$0x9] =	stream.linear.gather [spmem:s9], $0x2000, $0x38;
	[tilespmem:$0x1E800] =	vst v63  }
0xc1: {  	_ =	swait.ge [sflag:s17], $0x2000  }
0xc2: {  	[sflag:s17] =	ssyncset.done $0x0  }
0xc3: {  	s8 =	rddreg [dreg:$0xe];
	[sflag:s17] =	ssyncadd.s32 $0xFFFFE000  }
0xc4: {  	[hbm4b:s8+s4] =	stream.linear.scatter [tilespmem:s28], [sflag:$0x9], $0x2000, $0x38;
	[tilespmem:$0x1E800] =	vst v63  }
0xc5: {  	_ =	swait.ge [sflag:s17], $0x2000  }
0xc6: {  	[sflag:s17] =	ssyncset.done $0x0  }
0xc7: {  	s9 =	rddreg [dreg:$0x7];
	[sflag:s17] =	ssyncadd.s32 $0xFFFFE000  }
0xc8: {  	[tilespmem:s30], [sflag:$0x9] =	stream.linear.gather [spmem:s9], $0x2000, $0x38;
	[tilespmem:$0x1E800] =	vst v63  }
0xc9: {  	_ =	swait.ge [sflag:s17], $0x2000  }
0xca: {  	[sflag:s17] =	ssyncset.done $0x0  }
0xcb: {  	s8 =	rddreg [dreg:$0xf];
	[sflag:s17] =	ssyncadd.s32 $0xFFFFE000  }
0xcc: {  	[hbm4b:s8+s4] =	stream.linear.scatter [tilespmem:s30], [sflag:$0x9], $0x2000, $0x38;
	[tilespmem:$0x1E800] =	vst v63  }
0xcd: {  	_ =	swait.ge [sflag:s17], $0x2000  }
0xce: {  	[sflag:s17] =	ssyncset.done $0x0  }
0xcf: {  	s9 =	rddreg [dreg:$0x8];
	[sflag:s17] =	ssyncadd.s32 $0xFFFFE000  }
0xd0: {  	[tilespmem:s16], [sflag:$0x9] =	stream.linear.gather [spmem:s9], $0x2000, $0x38;
	[tilespmem:$0x1E800] =	vst v63  }
0xd1: {  	_ =	swait.ge [sflag:s17], $0x2000  }
0xd2: {  	[sflag:s17] =	ssyncset.done $0x0  }
0xd3: {  	s8 =	rddreg [dreg:$0x10];
	[sflag:s17] =	ssyncadd.s32 $0xFFFFE000  }
0xd4: {  	[hbm4b:s8+s4] =	stream.linear.scatter [tilespmem:s16], [sflag:$0x9], $0x2000, $0x38;
	[tilespmem:$0x1E800] =	vst v63  }
0xd5: {  	_ =	swait.ge [sflag:s17], $0x2000  }
0xd6: {  	s6 =	sadd.s32 $0x1, s6;
	s9 =	rddreg [dreg:$0xb]  }
0xd7: {  	p0 =	sne.s32 s6, s9  }
.Ltmp3:
0xd8: {  	_ = 	snop;
	(pc) =	sbr.rel @p0 .LBB2_1-.Ltmp3, $3  }
0xd9: {  	_ =	sdelay $0x1  }
0xda: {  	[sflag:s17] =	ssyncset.done $0x0  }
0xdb: {  	[sflag:s17] =	ssyncadd.s32 $0xFFFFE000  }
0xdc: {  	_ =	sfence.sel $0x180000  }
0xdd: {  	[bflag:$0x0] =	sbarrier.arrive $0xFFFF  }
0xde: {  	_ =	strace $0x9000004A  }
0xdf: {  	s0 =	stileid.u32;
	[bflag:$0x2] =	sbarrier.arrive $0xFFFF  }
0xe0: {  	p0 =	sne.s32 s0, $0x0;
	s0 =	rddreg [dreg:$0x3]  }
0xe1: {  	s0 =	sadd.s32 @!p0 $0x100000, s0  }
0xe2: {  	[sflag:s0] =	ssyncadd.tile.s32 @!p0 $0x1;
	_ =	shalt  }
.Lfunc_end2:
_tile_overlayer_lowered:
.L_overlay_start_2:
0xe3: {  	(tag) =	ssettag $0x2  }
0xe4: {  	s0 =	rddreg [dreg:$0x0];
	s2 =	stileid.u32  }
0xe5: {  	s1 =	rddreg [dreg:$0x1];
	p0 =	sne.s32 s2, $0x0  }
0xe6: {  	s3 =	rddreg [dreg:$0x2];
	[bflag:$0x3] =	sbarrier.arrive $0xFFFF;
	s2 =	simm.s32 @!p0 $0x1C09  }
0xe7: {  	[timem:s3], [sflag:s2] =	dma.local @!p0 [hbm:s0], s1  }
0xe8: {  	s0 =	simm.s32 @!p0 $0x9  }
0xe9: {  	_ =	swait.ge @!p0 [sflag:s0], s1  }
0xea: {  	s1 =	ssub.s32 @!p0 $0x0, s1;
	[sflag:s0] =	ssyncset.done @!p0 $0x0  }
0xeb: {  	[sflag:s0] =	ssyncadd.s32 @!p0 s1  }
0xec: {  	[bflag:$0x3] =	sbarrier.arrive $0xFFFF  }
0xed: {  	_ =	shalt  }

</sc_bundles>
